<compile_context>
chip_gen: v7x
topology: tpu7x:2x2x1
jax: 0.10.2.dev20260603
libtpu: 0.0.44.dev20260713+nightly
codegen_flags: <defaults>
</compile_context>

<pallas_src>
import functools

import jax
import jax.numpy as jnp
from jax import lax
from jax.experimental import pallas as pl
from jax.experimental.pallas import tpu as pltpu
from jax.experimental.pallas import tpu_sc as plsc

_SIGMA = 1.0
_XW = 16
_CHUNK = 256
_NWORKERS = 32
_BPTS = 400
_KAPPA = 32
_GRP = 8


_NBUF = 4


def _sc_gather(tabf, tabx, idxs):
    etot = idxs.shape[0]
    din = tabf.shape[1]
    epw = etot // _NWORKERS
    ngroups = epw // (_CHUNK * _NBUF)
    mesh = plsc.VectorSubcoreMesh(core_axis_name="c", subcore_axis_name="s")

    @functools.partial(
        pl.kernel,
        mesh=mesh,
        out_type=(jax.ShapeDtypeStruct((etot, din), jnp.bfloat16),
                  jax.ShapeDtypeStruct((etot, _XW), jnp.float32)),
        scratch_types=[
            pltpu.VMEM((_NBUF, _CHUNK), jnp.int32),
            pltpu.VMEM((_NBUF, _CHUNK, din), jnp.bfloat16),
            pltpu.VMEM((_NBUF, _CHUNK, _XW), jnp.float32),
            [pltpu.SemaphoreType.DMA] * _NBUF,
            [pltpu.SemaphoreType.DMA] * _NBUF,
            [pltpu.SemaphoreType.DMA] * _NBUF,
            [pltpu.SemaphoreType.DMA] * _NBUF,
        ],
        compiler_params=pltpu.CompilerParams(use_tc_tiling_on_sc=False),
    )
    def gather_kernel(tf_hbm, tx_hbm, idx_hbm, of_hbm, ox_hbm,
                      idx_v, rf_v, rx_v, gfsem, gxsem, wfsem, wxsem):
        wid = lax.axis_index("s") * 2 + lax.axis_index("c")
        base = wid * epw

        def fire(g, b):
            off = base + (g * _NBUF + b) * _CHUNK
            pltpu.sync_copy(idx_hbm.at[pl.ds(off, _CHUNK)], idx_v.at[b])
            pltpu.async_copy(tf_hbm.at[idx_v.at[b]], rf_v.at[b], gfsem[b])
            pltpu.async_copy(tx_hbm.at[idx_v.at[b]], rx_v.at[b], gxsem[b])

        for b in range(_NBUF):
            fire(0, b)

        def body(g, carry):
            for b in range(_NBUF):
                off = base + (g * _NBUF + b) * _CHUNK
                pltpu.make_async_copy(tf_hbm.at[idx_v.at[b]],
                                      rf_v.at[b], gfsem[b]).wait()
                pltpu.make_async_copy(tx_hbm.at[idx_v.at[b]],
                                      rx_v.at[b], gxsem[b]).wait()
                pltpu.async_copy(rf_v.at[b],
                                 of_hbm.at[pl.ds(off, _CHUNK)], wfsem[b])
                pltpu.async_copy(rx_v.at[b],
                                 ox_hbm.at[pl.ds(off, _CHUNK)], wxsem[b])
            for b in range(_NBUF):
                off = base + (g * _NBUF + b) * _CHUNK
                pltpu.make_async_copy(rf_v.at[b],
                                      of_hbm.at[pl.ds(off, _CHUNK)],
                                      wfsem[b]).wait()
                pltpu.make_async_copy(rx_v.at[b],
                                      ox_hbm.at[pl.ds(off, _CHUNK)],
                                      wxsem[b]).wait()
                fire(g + 1, b)
            return carry

        lax.fori_loop(0, ngroups - 1, body, 0)

        for b in range(_NBUF):
            off = base + ((ngroups - 1) * _NBUF + b) * _CHUNK
            pltpu.make_async_copy(tf_hbm.at[idx_v.at[b]],
                                  rf_v.at[b], gfsem[b]).wait()
            pltpu.make_async_copy(tx_hbm.at[idx_v.at[b]],
                                  rx_v.at[b], gxsem[b]).wait()
            pltpu.sync_copy(rf_v.at[b], of_hbm.at[pl.ds(off, _CHUNK)])
            pltpu.sync_copy(rx_v.at[b], ox_hbm.at[pl.ds(off, _CHUNK)])

    return gather_kernel(tabf, tabx, idxs)


def _tc_body(gf_ref, gx_ref, x_ref, qt_ref, q2_ref, wf_ref, y_ref):
    b = y_ref.shape[0]
    kappa = gf_ref.shape[0] // b
    din = wf_ref.shape[0] // qt_ref.shape[1]
    nx = qt_ref.shape[0]
    mq = qt_ref.shape[1]
    e = b * kappa

    fn = gf_ref[...]
    xn = gx_ref[...][:, :nx]
    xc = jnp.repeat(x_ref[...], kappa, axis=0)
    diff = xn - xc
    dd = jnp.sum(diff * diff, axis=1, keepdims=True)
    dq = jnp.dot(diff, qt_ref[...],
                 precision=lax.Precision.HIGHEST,
                 preferred_element_type=jnp.float32)
    d2 = jnp.maximum(dd - 2.0 * dq + q2_ref[...], 0.0)
    dist = jnp.sqrt(d2 + 1e-12)
    infl = jnp.maximum(0.0, 1.0 - dist / _SIGMA)

    gp = _GRP
    ngr = b // gp
    cw = gp * mq
    rows = lax.broadcasted_iota(jnp.int32, (e, cw), 0)
    cols = lax.broadcasted_iota(jnp.int32, (e, cw), 1)
    mask = ((rows // kappa) % gp) == (cols // mq)
    inflb = infl.astype(jnp.bfloat16)
    tiled = jnp.concatenate([inflb] * gp, axis=1)
    v = jnp.where(mask, tiled, jnp.bfloat16(0.0))
    parts = []
    for gi in range(ngr):
        lo, hi = gi * gp * kappa, (gi + 1) * gp * kappa
        parts.append(lax.dot_general(
            v[lo:hi, :], fn[lo:hi, :],
            (((0,), (0,)), ((), ())),
            preferred_element_type=jnp.float32))
    agg = jnp.concatenate(parts, axis=0).reshape(b, mq * din)
    y_ref[...] = jnp.dot(agg, wf_ref[...],
                         preferred_element_type=jnp.float32)


def _tc_compute(gf, gx, x2, qt, q2, wf, r, dout):
    nblocks = r // _BPTS
    eblk = _BPTS * _KAPPA

    return pl.pallas_call(
        _tc_body,
        grid=(nblocks,),
        in_specs=[
            pl.BlockSpec((eblk, gf.shape[1]), lambda i: (i, 0)),
            pl.BlockSpec((eblk, _XW), lambda i: (i, 0)),
            pl.BlockSpec((_BPTS, x2.shape[1]), lambda i: (i, 0)),
            pl.BlockSpec(qt.shape, lambda i: (0, 0)),
            pl.BlockSpec(q2.shape, lambda i: (0, 0)),
            pl.BlockSpec(wf.shape, lambda i: (0, 0)),
        ],
        out_specs=pl.BlockSpec((_BPTS, dout), lambda i: (i, 0)),
        out_shape=jax.ShapeDtypeStruct((r, dout), jnp.float32),
        compiler_params=pltpu.CompilerParams(
            dimension_semantics=("arbitrary",),
            vmem_limit_bytes=110 * 1024 * 1024,
        ),
    )(gf, gx, x2, qt, q2, wf)


_NSLICE = 1


def kernel(X, F, N, Q, W):
    k, r, nx = X.shape
    kappa = N.shape[2]
    mq, din, dout = W.shape
    x2 = X[0]
    f2 = F[0]

    tabf = f2.astype(jnp.bfloat16)
    tabx = jnp.concatenate(
        [x2, jnp.zeros((r, _XW - nx), jnp.float32)], axis=1)

    nflat = N[0].reshape(-1)

    qt = Q.T
    q2 = jnp.sum(Q * Q, axis=1)[None, :]
    wf = W.reshape(mq * din, dout)

    rs = r // _NSLICE
    es = rs * kappa
    egrain = _NWORKERS * _CHUNK * _NBUF
    etot = ((es + egrain - 1) // egrain) * egrain
    zpad = jnp.zeros((etot - es,), jnp.int32)

    ys = []
    for s in range(_NSLICE):
        idx_s = lax.dynamic_slice_in_dim(nflat, s * es, es)
        idx_s = jnp.concatenate([idx_s, zpad])
        gf_s, gx_s = _sc_gather(tabf, tabx, idx_s)
        x_s = lax.dynamic_slice_in_dim(x2, s * rs, rs)
        ys.append(_tc_compute(gf_s, gx_s, x_s, qt, q2, wf, rs, dout))
    y = jnp.concatenate(ys, axis=0)
    return y.reshape(k, r, dout)

# --- scband reference (transcript-rebuilt; emitter-appended) ---
"""Pipeline reference for scband-kpconv-layer-29489245454560 (READ-ONLY COPY).

The authoritative reference and input builder live on the scoring server;
editing this copy changes nothing except your own understanding.
"""

import jax, jax.numpy as jnp
import numpy as np

SIGMA = 1.0
KERNEL_RADIUS = 1.0
MQ = 19
DOUT = 64


def setup_inputs(seed: int = 0) -> dict:
    key = jax.random.key(seed)
    k1, k2, k3, k4, k5, k6 = jax.random.split(key, 6)
    K, R, kappa, nx, Din = 1, 10000, 32, 3, 128
    X = jax.random.normal(k1, (K, R, nx), dtype=jnp.float32)
    F = jax.random.normal(k2, (K, R, Din), dtype=jnp.float32)
    # neighbor indices (int32 used for portability; values in [0, R))
    N = jax.random.randint(k3, (K, R, kappa), 0, R, dtype=jnp.int32)
    # kernel structure Q: mq points inside a ball of radius KERNEL_RADIUS
    # (stand-in for KernelPointBallInitializer)
    dirs = jax.random.normal(k4, (MQ, nx), dtype=jnp.float32)
    dirs = dirs / (jnp.linalg.norm(dirs, axis=1, keepdims=True) + 1e-9)
    radii = (jax.random.uniform(k5, (MQ, 1), dtype=jnp.float32) ** (1.0 / 3.0)) * KERNEL_RADIUS
    Q = dirs * radii
    # weight tensor W in R^{mq x Din x Dout}
    W = jax.random.normal(k6, (MQ, Din, DOUT), dtype=jnp.float32) * 0.05
    return {"X": X, "F": F, "N": N, "Q": Q, "W": W}


def reference(X, F, N, Q, W):
    # Gather neighbor structure and features per batch element
    Xn = jax.vmap(lambda x, n: x[n])(X, N)          # [K, R, kappa, nx]
    Fn = jax.vmap(lambda f, n: f[n])(F, N)          # [K, R, kappa, Din]
    # Relative neighbor positions
    diff = Xn - X[:, :, None, :]                     # [K, R, kappa, nx]
    # Distances to each kernel point q_k
    delta = diff[..., None, :] - Q[None, None, None, :, :]  # [K, R, kappa, mq, nx]
    dist = jnp.sqrt(jnp.sum(delta * delta, axis=-1) + 1e-12)  # [K, R, kappa, mq]
    # Linear correlation (influence) h(x) = max(0, 1 - d/sigma)
    infl = jnp.maximum(0.0, 1.0 - dist / SIGMA)      # [K, R, kappa, mq]
    # Aggregate neighbor features per kernel point, then apply W_k
    agg = jnp.einsum('brkm,brkd->brmd', infl, Fn)    # [K, R, mq, Din]
    Y = jnp.einsum('brmd,mdo->bro', agg, W)          # [K, R, Dout]
    return Y

if __name__ == "__main__":
    import jax
    _d = setup_inputs()
    print(jax.jit(kernel)(*tuple(_d.values())))

</pallas_src>

<mosaic_0001>
#map = affine_map<(d0, d1) -> (0, 0)>
#map1 = affine_map<(d0, d1) -> (0)>
module attributes {stable_mosaic.version = 14 : i64} {
  func.func @gather_kernel(%arg0: i32, %arg1: i32, %arg2: memref<10000x128xbf16, #tpu.memory_space<hbm>>, %arg3: memref<10000x16xf32, #tpu.memory_space<hbm>>, %arg4: memref<327680xi32, #tpu.memory_space<hbm>>, %arg5: memref<327680x128xbf16, #tpu.memory_space<hbm>>, %arg6: memref<327680x16xf32, #tpu.memory_space<hbm>>, %arg7: memref<4x256xi32, #tpu.memory_space<vmem>>, %arg8: memref<4x256x128xbf16, #tpu.memory_space<vmem>>, %arg9: memref<4x256x16xf32, #tpu.memory_space<vmem>>, %arg10: memref<!tpu.dma_semaphore, #tpu.memory_space<semaphore_mem>>, %arg11: memref<!tpu.dma_semaphore, #tpu.memory_space<semaphore_mem>>, %arg12: memref<!tpu.dma_semaphore, #tpu.memory_space<semaphore_mem>>, %arg13: memref<!tpu.dma_semaphore, #tpu.memory_space<semaphore_mem>>, %arg14: memref<!tpu.dma_semaphore, #tpu.memory_space<semaphore_mem>>, %arg15: memref<!tpu.dma_semaphore, #tpu.memory_space<semaphore_mem>>, %arg16: memref<!tpu.dma_semaphore, #tpu.memory_space<semaphore_mem>>, %arg17: memref<!tpu.dma_semaphore, #tpu.memory_space<semaphore_mem>>, %arg18: memref<!tpu.dma_semaphore, #tpu.memory_space<semaphore_mem>>, %arg19: memref<!tpu.dma_semaphore, #tpu.memory_space<semaphore_mem>>, %arg20: memref<!tpu.dma_semaphore, #tpu.memory_space<semaphore_mem>>, %arg21: memref<!tpu.dma_semaphore, #tpu.memory_space<semaphore_mem>>, %arg22: memref<!tpu.dma_semaphore, #tpu.memory_space<semaphore_mem>>, %arg23: memref<!tpu.dma_semaphore, #tpu.memory_space<semaphore_mem>>, %arg24: memref<!tpu.dma_semaphore, #tpu.memory_space<semaphore_mem>>, %arg25: memref<!tpu.dma_semaphore, #tpu.memory_space<semaphore_mem>>) attributes {dimension_semantics = [#tpu.dimension_semantics<core_parallel>, #tpu.dimension_semantics<subcore_parallel>], iteration_bounds = array<i64: 2, 16>, scalar_prefetch = 0 : i64, scratch_operands = 19 : i64, tpu.core_type = #tpu.core_type<sc_vector_subcore>, window_params = [{transform_indices = #map}, {transform_indices = #map}, {transform_indices = #map1}, {transform_indices = #map}, {transform_indices = #map}]} {
    %mul3A = arith.constant 2 : i32
    %mul3A_0 = arith.muli %arg1, %mul3A : i32
    %add3A = arith.addi %mul3A_0, %arg0 : i32
    %mul3A_1 = arith.constant 10240 : i32
    %mul3A_2 = arith.muli %add3A, %mul3A_1 : i32
    %add3A_3 = arith.constant 0 : i32
    %add3A_4 = arith.addi %mul3A_2, %add3A_3 : i32
    %run_scoped3A = arith.constant 0 : i32
    "tpu.region"() ({
      %run_scoped3A_225 = tpu.sem_alloc : memref<!tpu.dma_semaphore, #tpu.memory_space<semaphore_mem>>
      %dma_start3A_226 = arith.constant 0 : i32
      %dma_start3A_227 = tpu.memref_slice %arg7[%run_scoped3A, %dma_start3A_226] : memref<4x256xi32, #tpu.memory_space<vmem>> -> memref<1x256xi32, #tpu.memory_space<vmem>>
      %dma_start3A_228 = tpu.memref_squeeze %dma_start3A_227 : memref<1x256xi32, #tpu.memory_space<vmem>> -> memref<256xi32, #tpu.memory_space<vmem>>
      %dma_start3A_229 = tpu.memref_slice %arg4[%add3A_4] : memref<327680xi32, #tpu.memory_space<hbm>> -> memref<256xi32, #tpu.memory_space<hbm>>
      %dma_start3A_230 = arith.constant 0 : i32
      %dma_start3A_231 = tpu.memref_slice %arg7[%run_scoped3A, %dma_start3A_230] : memref<4x256xi32, #tpu.memory_space<vmem>> -> memref<1x256xi32, #tpu.memory_space<vmem>>
      %dma_start3A_232 = tpu.memref_squeeze %dma_start3A_231 : memref<1x256xi32, #tpu.memory_space<vmem>> -> memref<256xi32, #tpu.memory_space<vmem>>
      %dma_start3A_233 = tpu.memref_slice %arg4[%add3A_4] : memref<327680xi32, #tpu.memory_space<hbm>> -> memref<256xi32, #tpu.memory_space<hbm>>
      tpu.enqueue_dma source(%dma_start3A_233 : memref<256xi32, #tpu.memory_space<hbm>>) target(%dma_start3A_232 : memref<256xi32, #tpu.memory_space<vmem>>) target_semaphore(%run_scoped3A_225 : memref<!tpu.dma_semaphore, #tpu.memory_space<semaphore_mem>>)
      %dma_wait3A_234 = arith.constant 0 : i32
      %dma_wait3A_235 = tpu.memref_slice %arg7[%run_scoped3A, %dma_wait3A_234] : memref<4x256xi32, #tpu.memory_space<vmem>> -> memref<1x256xi32, #tpu.memory_space<vmem>>
      %dma_wait3A_236 = tpu.memref_squeeze %dma_wait3A_235 : memref<1x256xi32, #tpu.memory_space<vmem>> -> memref<256xi32, #tpu.memory_space<vmem>>
      %dma_wait3A_237 = tpu.memref_slice %arg4[%add3A_4] : memref<327680xi32, #tpu.memory_space<hbm>> -> memref<256xi32, #tpu.memory_space<hbm>>
      %dma_wait3A_238 = arith.constant 0 : i32
      %dma_wait3A_239 = tpu.memref_slice %arg7[%run_scoped3A, %dma_wait3A_238] : memref<4x256xi32, #tpu.memory_space<vmem>> -> memref<1x256xi32, #tpu.memory_space<vmem>>
      %dma_wait3A_240 = tpu.memref_squeeze %dma_wait3A_239 : memref<1x256xi32, #tpu.memory_space<vmem>> -> memref<256xi32, #tpu.memory_space<vmem>>
      %dma_wait3A_241 = tpu.memref_slice %arg4[%add3A_4] : memref<327680xi32, #tpu.memory_space<hbm>> -> memref<256xi32, #tpu.memory_space<hbm>>
      tpu.wait_dma2 semaphore(%run_scoped3A_225 : memref<!tpu.dma_semaphore, #tpu.memory_space<semaphore_mem>>) src(%dma_wait3A_241 : memref<256xi32, #tpu.memory_space<hbm>>) dst(%dma_wait3A_240 : memref<256xi32, #tpu.memory_space<vmem>>)
      tpu.yield
    }) : () -> ()
    %dma_start3A = arith.constant 0 : i32
    %dma_start3A_5 = arith.constant 0 : i32
    %dma_start3A_6 = arith.constant 0 : i32
    %dma_start3A_7 = arith.constant 0 : i32
    %dma_start3A_8 = tpu.memref_slice %arg8[%dma_start3A_5, %dma_start3A_6, %dma_start3A_7] : memref<4x256x128xbf16, #tpu.memory_space<vmem>> -> memref<1x256x128xbf16, #tpu.memory_space<vmem>>
    %dma_start3A_9 = tpu.memref_squeeze %dma_start3A_8 : memref<1x256x128xbf16, #tpu.memory_space<vmem>> -> memref<256x128xbf16, #tpu.memory_space<vmem>>
    %dma_start3A_10 = arith.constant 0 : i32
    %dma_start3A_11 = tpu.memref_slice %arg7[%dma_start3A, %dma_start3A_10] : memref<4x256xi32, #tpu.memory_space<vmem>> -> memref<1x256xi32, #tpu.memory_space<vmem>>
    %dma_start3A_12 = tpu.memref_squeeze %dma_start3A_11 : memref<1x256xi32, #tpu.memory_space<vmem>> -> memref<256xi32, #tpu.memory_space<vmem>>
    %dma_start3A_13 = arith.constant 0 : i32
    %dma_start3A_14 = arith.constant 0 : i32
    %dma_start3A_15 = tpu.memref_slice %arg2[%dma_start3A_13, %dma_start3A_14] : memref<10000x128xbf16, #tpu.memory_space<hbm>> -> memref<10000x128xbf16, #tpu.memory_space<hbm>>
    tpu.enqueue_indirect_dma source(%dma_start3A_15 : memref<10000x128xbf16, #tpu.memory_space<hbm>>) target(%dma_start3A_9 : memref<256x128xbf16, #tpu.memory_space<vmem>>) offsets(%dma_start3A_12 : memref<256xi32, #tpu.memory_space<vmem>>) semaphore(%arg10 : memref<!tpu.dma_semaphore, #tpu.memory_space<semaphore_mem>>)
    %dma_start3A_16 = arith.constant 0 : i32
    %dma_start3A_17 = arith.constant 0 : i32
    %dma_start3A_18 = arith.constant 0 : i32
    %dma_start3A_19 = arith.constant 0 : i32
    %dma_start3A_20 = tpu.memref_slice %arg9[%dma_start3A_17, %dma_start3A_18, %dma_start3A_19] : memref<4x256x16xf32, #tpu.memory_space<vmem>> -> memref<1x256x16xf32, #tpu.memory_space<vmem>>
    %dma_start3A_21 = tpu.memref_squeeze %dma_start3A_20 : memref<1x256x16xf32, #tpu.memory_space<vmem>> -> memref<256x16xf32, #tpu.memory_space<vmem>>
    %dma_start3A_22 = arith.constant 0 : i32
    %dma_start3A_23 = tpu.memref_slice %arg7[%dma_start3A_16, %dma_start3A_22] : memref<4x256xi32, #tpu.memory_space<vmem>> -> memref<1x256xi32, #tpu.memory_space<vmem>>
    %dma_start3A_24 = tpu.memref_squeeze %dma_start3A_23 : memref<1x256xi32, #tpu.memory_space<vmem>> -> memref<256xi32, #tpu.memory_space<vmem>>
    %dma_start3A_25 = arith.constant 0 : i32
    %dma_start3A_26 = arith.constant 0 : i32
    %dma_start3A_27 = tpu.memref_slice %arg3[%dma_start3A_25, %dma_start3A_26] : memref<10000x16xf32, #tpu.memory_space<hbm>> -> memref<10000x16xf32, #tpu.memory_space<hbm>>
    tpu.enqueue_indirect_dma source(%dma_start3A_27 : memref<10000x16xf32, #tpu.memory_space<hbm>>) target(%dma_start3A_21 : memref<256x16xf32, #tpu.memory_space<vmem>>) offsets(%dma_start3A_24 : memref<256xi32, #tpu.memory_space<vmem>>) semaphore(%arg14 : memref<!tpu.dma_semaphore, #tpu.memory_space<semaphore_mem>>)
    %add3A_28 = arith.constant 256 : i32
    %add3A_29 = arith.addi %mul3A_2, %add3A_28 : i32
    %run_scoped3A_30 = arith.constant 1 : i32
    "tpu.region"() ({
      %run_scoped3A_225 = tpu.sem_alloc : memref<!tpu.dma_semaphore, #tpu.memory_space<semaphore_mem>>
      %dma_start3A_226 = arith.constant 0 : i32
      %dma_start3A_227 = tpu.memref_slice %arg7[%run_scoped3A_30, %dma_start3A_226] : memref<4x256xi32, #tpu.memory_space<vmem>> -> memref<1x256xi32, #tpu.memory_space<vmem>>
      %dma_start3A_228 = tpu.memref_squeeze %dma_start3A_227 : memref<1x256xi32, #tpu.memory_space<vmem>> -> memref<256xi32, #tpu.memory_space<vmem>>
      %dma_start3A_229 = tpu.memref_slice %arg4[%add3A_29] : memref<327680xi32, #tpu.memory_space<hbm>> -> memref<256xi32, #tpu.memory_space<hbm>>
      %dma_start3A_230 = arith.constant 0 : i32
      %dma_start3A_231 = tpu.memref_slice %arg7[%run_scoped3A_30, %dma_start3A_230] : memref<4x256xi32, #tpu.memory_space<vmem>> -> memref<1x256xi32, #tpu.memory_space<vmem>>
      %dma_start3A_232 = tpu.memref_squeeze %dma_start3A_231 : memref<1x256xi32, #tpu.memory_space<vmem>> -> memref<256xi32, #tpu.memory_space<vmem>>
      %dma_start3A_233 = tpu.memref_slice %arg4[%add3A_29] : memref<327680xi32, #tpu.memory_space<hbm>> -> memref<256xi32, #tpu.memory_space<hbm>>
      tpu.enqueue_dma source(%dma_start3A_233 : memref<256xi32, #tpu.memory_space<hbm>>) target(%dma_start3A_232 : memref<256xi32, #tpu.memory_space<vmem>>) target_semaphore(%run_scoped3A_225 : memref<!tpu.dma_semaphore, #tpu.memory_space<semaphore_mem>>)
      %dma_wait3A_234 = arith.constant 0 : i32
      %dma_wait3A_235 = tpu.memref_slice %arg7[%run_scoped3A_30, %dma_wait3A_234] : memref<4x256xi32, #tpu.memory_space<vmem>> -> memref<1x256xi32, #tpu.memory_space<vmem>>
      %dma_wait3A_236 = tpu.memref_squeeze %dma_wait3A_235 : memref<1x256xi32, #tpu.memory_space<vmem>> -> memref<256xi32, #tpu.memory_space<vmem>>
      %dma_wait3A_237 = tpu.memref_slice %arg4[%add3A_29] : memref<327680xi32, #tpu.memory_space<hbm>> -> memref<256xi32, #tpu.memory_space<hbm>>
      %dma_wait3A_238 = arith.constant 0 : i32
      %dma_wait3A_239 = tpu.memref_slice %arg7[%run_scoped3A_30, %dma_wait3A_238] : memref<4x256xi32, #tpu.memory_space<vmem>> -> memref<1x256xi32, #tpu.memory_space<vmem>>
      %dma_wait3A_240 = tpu.memref_squeeze %dma_wait3A_239 : memref<1x256xi32, #tpu.memory_space<vmem>> -> memref<256xi32, #tpu.memory_space<vmem>>
      %dma_wait3A_241 = tpu.memref_slice %arg4[%add3A_29] : memref<327680xi32, #tpu.memory_space<hbm>> -> memref<256xi32, #tpu.memory_space<hbm>>
      tpu.wait_dma2 semaphore(%run_scoped3A_225 : memref<!tpu.dma_semaphore, #tpu.memory_space<semaphore_mem>>) src(%dma_wait3A_241 : memref<256xi32, #tpu.memory_space<hbm>>) dst(%dma_wait3A_240 : memref<256xi32, #tpu.memory_space<vmem>>)
      tpu.yield
    }) : () -> ()
    %dma_start3A_31 = arith.constant 1 : i32
    %dma_start3A_32 = arith.constant 1 : i32
    %dma_start3A_33 = arith.constant 0 : i32
    %dma_start3A_34 = arith.constant 0 : i32
    %dma_start3A_35 = tpu.memref_slice %arg8[%dma_start3A_32, %dma_start3A_33, %dma_start3A_34] : memref<4x256x128xbf16, #tpu.memory_space<vmem>> -> memref<1x256x128xbf16, #tpu.memory_space<vmem>>
    %dma_start3A_36 = tpu.memref_squeeze %dma_start3A_35 : memref<1x256x128xbf16, #tpu.memory_space<vmem>> -> memref<256x128xbf16, #tpu.memory_space<vmem>>
    %dma_start3A_37 = arith.constant 0 : i32
    %dma_start3A_38 = tpu.memref_slice %arg7[%dma_start3A_31, %dma_start3A_37] : memref<4x256xi32, #tpu.memory_space<vmem>> -> memref<1x256xi32, #tpu.memory_space<vmem>>
    %dma_start3A_39 = tpu.memref_squeeze %dma_start3A_38 : memref<1x256xi32, #tpu.memory_space<vmem>> -> memref<256xi32, #tpu.memory_space<vmem>>
    %dma_start3A_40 = arith.constant 0 : i32
    %dma_start3A_41 = arith.constant 0 : i32
    %dma_start3A_42 = tpu.memref_slice %arg2[%dma_start3A_40, %dma_start3A_41] : memref<10000x128xbf16, #tpu.memory_space<hbm>> -> memref<10000x128xbf16, #tpu.memory_space<hbm>>
    tpu.enqueue_indirect_dma source(%dma_start3A_42 : memref<10000x128xbf16, #tpu.memory_space<hbm>>) target(%dma_start3A_36 : memref<256x128xbf16, #tpu.memory_space<vmem>>) offsets(%dma_start3A_39 : memref<256xi32, #tpu.memory_space<vmem>>) semaphore(%arg11 : memref<!tpu.dma_semaphore, #tpu.memory_space<semaphore_mem>>)
    %dma_start3A_43 = arith.constant 1 : i32
    %dma_start3A_44 = arith.constant 1 : i32
    %dma_start3A_45 = arith.constant 0 : i32
    %dma_start3A_46 = arith.constant 0 : i32
    %dma_start3A_47 = tpu.memref_slice %arg9[%dma_start3A_44, %dma_start3A_45, %dma_start3A_46] : memref<4x256x16xf32, #tpu.memory_space<vmem>> -> memref<1x256x16xf32, #tpu.memory_space<vmem>>
    %dma_start3A_48 = tpu.memref_squeeze %dma_start3A_47 : memref<1x256x16xf32, #tpu.memory_space<vmem>> -> memref<256x16xf32, #tpu.memory_space<vmem>>
    %dma_start3A_49 = arith.constant 0 : i32
    %dma_start3A_50 = tpu.memref_slice %arg7[%dma_start3A_43, %dma_start3A_49] : memref<4x256xi32, #tpu.memory_space<vmem>> -> memref<1x256xi32, #tpu.memory_space<vmem>>
    %dma_start3A_51 = tpu.memref_squeeze %dma_start3A_50 : memref<1x256xi32, #tpu.memory_space<vmem>> -> memref<256xi32, #tpu.memory_space<vmem>>
    %dma_start3A_52 = arith.constant 0 : i32
    %dma_start3A_53 = arith.constant 0 : i32
    %dma_start3A_54 = tpu.memref_slice %arg3[%dma_start3A_52, %dma_start3A_53] : memref<10000x16xf32, #tpu.memory_space<hbm>> -> memref<10000x16xf32, #tpu.memory_space<hbm>>
    tpu.enqueue_indirect_dma source(%dma_start3A_54 : memref<10000x16xf32, #tpu.memory_space<hbm>>) target(%dma_start3A_48 : memref<256x16xf32, #tpu.memory_space<vmem>>) offsets(%dma_start3A_51 : memref<256xi32, #tpu.memory_space<vmem>>) semaphore(%arg15 : memref<!tpu.dma_semaphore, #tpu.memory_space<semaphore_mem>>)
    %add3A_55 = arith.constant 512 : i32
    %add3A_56 = arith.addi %mul3A_2, %add3A_55 : i32
    %run_scoped3A_57 = arith.constant 2 : i32
    "tpu.region"() ({
      %run_scoped3A_225 = tpu.sem_alloc : memref<!tpu.dma_semaphore, #tpu.memory_space<semaphore_mem>>
      %dma_start3A_226 = arith.constant 0 : i32
      %dma_start3A_227 = tpu.memref_slice %arg7[%run_scoped3A_57, %dma_start3A_226] : memref<4x256xi32, #tpu.memory_space<vmem>> -> memref<1x256xi32, #tpu.memory_space<vmem>>
      %dma_start3A_228 = tpu.memref_squeeze %dma_start3A_227 : memref<1x256xi32, #tpu.memory_space<vmem>> -> memref<256xi32, #tpu.memory_space<vmem>>
      %dma_start3A_229 = tpu.memref_slice %arg4[%add3A_56] : memref<327680xi32, #tpu.memory_space<hbm>> -> memref<256xi32, #tpu.memory_space<hbm>>
      %dma_start3A_230 = arith.constant 0 : i32
      %dma_start3A_231 = tpu.memref_slice %arg7[%run_scoped3A_57, %dma_start3A_230] : memref<4x256xi32, #tpu.memory_space<vmem>> -> memref<1x256xi32, #tpu.memory_space<vmem>>
      %dma_start3A_232 = tpu.memref_squeeze %dma_start3A_231 : memref<1x256xi32, #tpu.memory_space<vmem>> -> memref<256xi32, #tpu.memory_space<vmem>>
      %dma_start3A_233 = tpu.memref_slice %arg4[%add3A_56] : memref<327680xi32, #tpu.memory_space<hbm>> -> memref<256xi32, #tpu.memory_space<hbm>>
      tpu.enqueue_dma source(%dma_start3A_233 : memref<256xi32, #tpu.memory_space<hbm>>) target(%dma_start3A_232 : memref<256xi32, #tpu.memory_space<vmem>>) target_semaphore(%run_scoped3A_225 : memref<!tpu.dma_semaphore, #tpu.memory_space<semaphore_mem>>)
      %dma_wait3A_234 = arith.constant 0 : i32
      %dma_wait3A_235 = tpu.memref_slice %arg7[%run_scoped3A_57, %dma_wait3A_234] : memref<4x256xi32, #tpu.memory_space<vmem>> -> memref<1x256xi32, #tpu.memory_space<vmem>>
      %dma_wait3A_236 = tpu.memref_squeeze %dma_wait3A_235 : memref<1x256xi32, #tpu.memory_space<vmem>> -> memref<256xi32, #tpu.memory_space<vmem>>
      %dma_wait3A_237 = tpu.memref_slice %arg4[%add3A_56] : memref<327680xi32, #tpu.memory_space<hbm>> -> memref<256xi32, #tpu.memory_space<hbm>>
      %dma_wait3A_238 = arith.constant 0 : i32
      %dma_wait3A_239 = tpu.memref_slice %arg7[%run_scoped3A_57, %dma_wait3A_238] : memref<4x256xi32, #tpu.memory_space<vmem>> -> memref<1x256xi32, #tpu.memory_space<vmem>>
      %dma_wait3A_240 = tpu.memref_squeeze %dma_wait3A_239 : memref<1x256xi32, #tpu.memory_space<vmem>> -> memref<256xi32, #tpu.memory_space<vmem>>
      %dma_wait3A_241 = tpu.memref_slice %arg4[%add3A_56] : memref<327680xi32, #tpu.memory_space<hbm>> -> memref<256xi32, #tpu.memory_space<hbm>>
      tpu.wait_dma2 semaphore(%run_scoped3A_225 : memref<!tpu.dma_semaphore, #tpu.memory_space<semaphore_mem>>) src(%dma_wait3A_241 : memref<256xi32, #tpu.memory_space<hbm>>) dst(%dma_wait3A_240 : memref<256xi32, #tpu.memory_space<vmem>>)
      tpu.yield
    }) : () -> ()
    %dma_start3A_58 = arith.constant 2 : i32
    %dma_start3A_59 = arith.constant 2 : i32
    %dma_start3A_60 = arith.constant 0 : i32
    %dma_start3A_61 = arith.constant 0 : i32
    %dma_start3A_62 = tpu.memref_slice %arg8[%dma_start3A_59, %dma_start3A_60, %dma_start3A_61] : memref<4x256x128xbf16, #tpu.memory_space<vmem>> -> memref<1x256x128xbf16, #tpu.memory_space<vmem>>
    %dma_start3A_63 = tpu.memref_squeeze %dma_start3A_62 : memref<1x256x128xbf16, #tpu.memory_space<vmem>> -> memref<256x128xbf16, #tpu.memory_space<vmem>>
    %dma_start3A_64 = arith.constant 0 : i32
    %dma_start3A_65 = tpu.memref_slice %arg7[%dma_start3A_58, %dma_start3A_64] : memref<4x256xi32, #tpu.memory_space<vmem>> -> memref<1x256xi32, #tpu.memory_space<vmem>>
    %dma_start3A_66 = tpu.memref_squeeze %dma_start3A_65 : memref<1x256xi32, #tpu.memory_space<vmem>> -> memref<256xi32, #tpu.memory_space<vmem>>
    %dma_start3A_67 = arith.constant 0 : i32
    %dma_start3A_68 = arith.constant 0 : i32
    %dma_start3A_69 = tpu.memref_slice %arg2[%dma_start3A_67, %dma_start3A_68] : memref<10000x128xbf16, #tpu.memory_space<hbm>> -> memref<10000x128xbf16, #tpu.memory_space<hbm>>
    tpu.enqueue_indirect_dma source(%dma_start3A_69 : memref<10000x128xbf16, #tpu.memory_space<hbm>>) target(%dma_start3A_63 : memref<256x128xbf16, #tpu.memory_space<vmem>>) offsets(%dma_start3A_66 : memref<256xi32, #tpu.memory_space<vmem>>) semaphore(%arg12 : memref<!tpu.dma_semaphore, #tpu.memory_space<semaphore_mem>>)
    %dma_start3A_70 = arith.constant 2 : i32
    %dma_start3A_71 = arith.constant 2 : i32
    %dma_start3A_72 = arith.constant 0 : i32
    %dma_start3A_73 = arith.constant 0 : i32
    %dma_start3A_74 = tpu.memref_slice %arg9[%dma_start3A_71, %dma_start3A_72, %dma_start3A_73] : memref<4x256x16xf32, #tpu.memory_space<vmem>> -> memref<1x256x16xf32, #tpu.memory_space<vmem>>
    %dma_start3A_75 = tpu.memref_squeeze %dma_start3A_74 : memref<1x256x16xf32, #tpu.memory_space<vmem>> -> memref<256x16xf32, #tpu.memory_space<vmem>>
    %dma_start3A_76 = arith.constant 0 : i32
    %dma_start3A_77 = tpu.memref_slice %arg7[%dma_start3A_70, %dma_start3A_76] : memref<4x256xi32, #tpu.memory_space<vmem>> -> memref<1x256xi32, #tpu.memory_space<vmem>>
    %dma_start3A_78 = tpu.memref_squeeze %dma_start3A_77 : memref<1x256xi32, #tpu.memory_space<vmem>> -> memref<256xi32, #tpu.memory_space<vmem>>
    %dma_start3A_79 = arith.constant 0 : i32
    %dma_start3A_80 = arith.constant 0 : i32
    %dma_start3A_81 = tpu.memref_slice %arg3[%dma_start3A_79, %dma_start3A_80] : memref<10000x16xf32, #tpu.memory_space<hbm>> -> memref<10000x16xf32, #tpu.memory_space<hbm>>
    tpu.enqueue_indirect_dma source(%dma_start3A_81 : memref<10000x16xf32, #tpu.memory_space<hbm>>) target(%dma_start3A_75 : memref<256x16xf32, #tpu.memory_space<vmem>>) offsets(%dma_start3A_78 : memref<256xi32, #tpu.memory_space<vmem>>) semaphore(%arg16 : memref<!tpu.dma_semaphore, #tpu.memory_space<semaphore_mem>>)
    %add3A_82 = arith.constant 768 : i32
    %add3A_83 = arith.addi %mul3A_2, %add3A_82 : i32
    %run_scoped3A_84 = arith.constant 3 : i32
    "tpu.region"() ({
      %run_scoped3A_225 = tpu.sem_alloc : memref<!tpu.dma_semaphore, #tpu.memory_space<semaphore_mem>>
      %dma_start3A_226 = arith.constant 0 : i32
      %dma_start3A_227 = tpu.memref_slice %arg7[%run_scoped3A_84, %dma_start3A_226] : memref<4x256xi32, #tpu.memory_space<vmem>> -> memref<1x256xi32, #tpu.memory_space<vmem>>
      %dma_start3A_228 = tpu.memref_squeeze %dma_start3A_227 : memref<1x256xi32, #tpu.memory_space<vmem>> -> memref<256xi32, #tpu.memory_space<vmem>>
      %dma_start3A_229 = tpu.memref_slice %arg4[%add3A_83] : memref<327680xi32, #tpu.memory_space<hbm>> -> memref<256xi32, #tpu.memory_space<hbm>>
      %dma_start3A_230 = arith.constant 0 : i32
      %dma_start3A_231 = tpu.memref_slice %arg7[%run_scoped3A_84, %dma_start3A_230] : memref<4x256xi32, #tpu.memory_space<vmem>> -> memref<1x256xi32, #tpu.memory_space<vmem>>
      %dma_start3A_232 = tpu.memref_squeeze %dma_start3A_231 : memref<1x256xi32, #tpu.memory_space<vmem>> -> memref<256xi32, #tpu.memory_space<vmem>>
      %dma_start3A_233 = tpu.memref_slice %arg4[%add3A_83] : memref<327680xi32, #tpu.memory_space<hbm>> -> memref<256xi32, #tpu.memory_space<hbm>>
      tpu.enqueue_dma source(%dma_start3A_233 : memref<256xi32, #tpu.memory_space<hbm>>) target(%dma_start3A_232 : memref<256xi32, #tpu.memory_space<vmem>>) target_semaphore(%run_scoped3A_225 : memref<!tpu.dma_semaphore, #tpu.memory_space<semaphore_mem>>)
      %dma_wait3A_234 = arith.constant 0 : i32
      %dma_wait3A_235 = tpu.memref_slice %arg7[%run_scoped3A_84, %dma_wait3A_234] : memref<4x256xi32, #tpu.memory_space<vmem>> -> memref<1x256xi32, #tpu.memory_space<vmem>>
      %dma_wait3A_236 = tpu.memref_squeeze %dma_wait3A_235 : memref<1x256xi32, #tpu.memory_space<vmem>> -> memref<256xi32, #tpu.memory_space<vmem>>
      %dma_wait3A_237 = tpu.memref_slice %arg4[%add3A_83] : memref<327680xi32, #tpu.memory_space<hbm>> -> memref<256xi32, #tpu.memory_space<hbm>>
      %dma_wait3A_238 = arith.constant 0 : i32
      %dma_wait3A_239 = tpu.memref_slice %arg7[%run_scoped3A_84, %dma_wait3A_238] : memref<4x256xi32, #tpu.memory_space<vmem>> -> memref<1x256xi32, #tpu.memory_space<vmem>>
      %dma_wait3A_240 = tpu.memref_squeeze %dma_wait3A_239 : memref<1x256xi32, #tpu.memory_space<vmem>> -> memref<256xi32, #tpu.memory_space<vmem>>
      %dma_wait3A_241 = tpu.memref_slice %arg4[%add3A_83] : memref<327680xi32, #tpu.memory_space<hbm>> -> memref<256xi32, #tpu.memory_space<hbm>>
      tpu.wait_dma2 semaphore(%run_scoped3A_225 : memref<!tpu.dma_semaphore, #tpu.memory_space<semaphore_mem>>) src(%dma_wait3A_241 : memref<256xi32, #tpu.memory_space<hbm>>) dst(%dma_wait3A_240 : memref<256xi32, #tpu.memory_space<vmem>>)
      tpu.yield
    }) : () -> ()
    %dma_start3A_85 = arith.constant 3 : i32
    %dma_start3A_86 = arith.constant 3 : i32
    %dma_start3A_87 = arith.constant 0 : i32
    %dma_start3A_88 = arith.constant 0 : i32
    %dma_start3A_89 = tpu.memref_slice %arg8[%dma_start3A_86, %dma_start3A_87, %dma_start3A_88] : memref<4x256x128xbf16, #tpu.memory_space<vmem>> -> memref<1x256x128xbf16, #tpu.memory_space<vmem>>
    %dma_start3A_90 = tpu.memref_squeeze %dma_start3A_89 : memref<1x256x128xbf16, #tpu.memory_space<vmem>> -> memref<256x128xbf16, #tpu.memory_space<vmem>>
    %dma_start3A_91 = arith.constant 0 : i32
    %dma_start3A_92 = tpu.memref_slice %arg7[%dma_start3A_85, %dma_start3A_91] : memref<4x256xi32, #tpu.memory_space<vmem>> -> memref<1x256xi32, #tpu.memory_space<vmem>>
    %dma_start3A_93 = tpu.memref_squeeze %dma_start3A_92 : memref<1x256xi32, #tpu.memory_space<vmem>> -> memref<256xi32, #tpu.memory_space<vmem>>
    %dma_start3A_94 = arith.constant 0 : i32
    %dma_start3A_95 = arith.constant 0 : i32
    %dma_start3A_96 = tpu.memref_slice %arg2[%dma_start3A_94, %dma_start3A_95] : memref<10000x128xbf16, #tpu.memory_space<hbm>> -> memref<10000x128xbf16, #tpu.memory_space<hbm>>
    tpu.enqueue_indirect_dma source(%dma_start3A_96 : memref<10000x128xbf16, #tpu.memory_space<hbm>>) target(%dma_start3A_90 : memref<256x128xbf16, #tpu.memory_space<vmem>>) offsets(%dma_start3A_93 : memref<256xi32, #tpu.memory_space<vmem>>) semaphore(%arg13 : memref<!tpu.dma_semaphore, #tpu.memory_space<semaphore_mem>>)
    %dma_start3A_97 = arith.constant 3 : i32
    %dma_start3A_98 = arith.constant 3 : i32
    %dma_start3A_99 = arith.constant 0 : i32
    %dma_start3A_100 = arith.constant 0 : i32
    %dma_start3A_101 = tpu.memref_slice %arg9[%dma_start3A_98, %dma_start3A_99, %dma_start3A_100] : memref<4x256x16xf32, #tpu.memory_space<vmem>> -> memref<1x256x16xf32, #tpu.memory_space<vmem>>
    %dma_start3A_102 = tpu.memref_squeeze %dma_start3A_101 : memref<1x256x16xf32, #tpu.memory_space<vmem>> -> memref<256x16xf32, #tpu.memory_space<vmem>>
    %dma_start3A_103 = arith.constant 0 : i32
    %dma_start3A_104 = tpu.memref_slice %arg7[%dma_start3A_97, %dma_start3A_103] : memref<4x256xi32, #tpu.memory_space<vmem>> -> memref<1x256xi32, #tpu.memory_space<vmem>>
    %dma_start3A_105 = tpu.memref_squeeze %dma_start3A_104 : memref<1x256xi32, #tpu.memory_space<vmem>> -> memref<256xi32, #tpu.memory_space<vmem>>
    %dma_start3A_106 = arith.constant 0 : i32
    %dma_start3A_107 = arith.constant 0 : i32
    %dma_start3A_108 = tpu.memref_slice %arg3[%dma_start3A_106, %dma_start3A_107] : memref<10000x16xf32, #tpu.memory_space<hbm>> -> memref<10000x16xf32, #tpu.memory_space<hbm>>
    tpu.enqueue_indirect_dma source(%dma_start3A_108 : memref<10000x16xf32, #tpu.memory_space<hbm>>) target(%dma_start3A_102 : memref<256x16xf32, #tpu.memory_space<vmem>>) offsets(%dma_start3A_105 : memref<256xi32, #tpu.memory_space<vmem>>) semaphore(%arg17 : memref<!tpu.dma_semaphore, #tpu.memory_space<semaphore_mem>>)
    %scan3A = arith.constant 0 : i32
    %scan3A_109 = arith.constant 0 : i32
    %scan3A_110 = arith.constant 9 : i32
    %scan3A_111 = arith.addi %scan3A_109, %scan3A_110 : i32
    %scan3A_112 = arith.constant 1 : i32
    scf.for %scan3A_225 = %scan3A_109 to %scan3A_111 step %scan3A_112  : i32 {
      %mul3A_226 = arith.constant 4 : i32
      %mul3A_227 = arith.muli %scan3A_225, %mul3A_226 : i32
      %add3A_228 = arith.constant 0 : i32
      %add3A_229 = arith.addi %mul3A_227, %add3A_228 : i32
      %mul3A_230 = arith.constant 256 : i32
      %mul3A_231 = arith.muli %add3A_229, %mul3A_230 : i32
      %add3A_232 = arith.addi %mul3A_2, %mul3A_231 : i32
      %dma_wait3A_233 = arith.constant 0 : i32
      %dma_wait3A_234 = arith.constant 0 : i32
      %dma_wait3A_235 = arith.constant 0 : i32
      %dma_wait3A_236 = arith.constant 0 : i32
      %dma_wait3A_237 = tpu.memref_slice %arg8[%dma_wait3A_234, %dma_wait3A_235, %dma_wait3A_236] : memref<4x256x128xbf16, #tpu.memory_space<vmem>> -> memref<1x256x128xbf16, #tpu.memory_space<vmem>>
      %dma_wait3A_238 = tpu.memref_squeeze %dma_wait3A_237 : memref<1x256x128xbf16, #tpu.memory_space<vmem>> -> memref<256x128xbf16, #tpu.memory_space<vmem>>
      %dma_wait3A_239 = arith.constant 0 : i32
      %dma_wait3A_240 = tpu.memref_slice %arg7[%dma_wait3A_233, %dma_wait3A_239] : memref<4x256xi32, #tpu.memory_space<vmem>> -> memref<1x256xi32, #tpu.memory_space<vmem>>
      %dma_wait3A_241 = tpu.memref_squeeze %dma_wait3A_240 : memref<1x256xi32, #tpu.memory_space<vmem>> -> memref<256xi32, #tpu.memory_space<vmem>>
      %dma_wait3A_242 = arith.constant 0 : i32
      %dma_wait3A_243 = arith.constant 0 : i32
      %dma_wait3A_244 = tpu.memref_slice %arg2[%dma_wait3A_242, %dma_wait3A_243] : memref<10000x128xbf16, #tpu.memory_space<hbm>> -> memref<10000x128xbf16, #tpu.memory_space<hbm>>
      tpu.wait_indirect_dma semaphore(%arg10 : memref<!tpu.dma_semaphore, #tpu.memory_space<semaphore_mem>>) src(%dma_wait3A_244 : memref<10000x128xbf16, #tpu.memory_space<hbm>>) dst(%dma_wait3A_238 : memref<256x128xbf16, #tpu.memory_space<vmem>>)
      %dma_wait3A_245 = arith.constant 0 : i32
      %dma_wait3A_246 = arith.constant 0 : i32
      %dma_wait3A_247 = arith.constant 0 : i32
      %dma_wait3A_248 = arith.constant 0 : i32
      %dma_wait3A_249 = tpu.memref_slice %arg9[%dma_wait3A_246, %dma_wait3A_247, %dma_wait3A_248] : memref<4x256x16xf32, #tpu.memory_space<vmem>> -> memref<1x256x16xf32, #tpu.memory_space<vmem>>
      %dma_wait3A_250 = tpu.memref_squeeze %dma_wait3A_249 : memref<1x256x16xf32, #tpu.memory_space<vmem>> -> memref<256x16xf32, #tpu.memory_space<vmem>>
      %dma_wait3A_251 = arith.constant 0 : i32
      %dma_wait3A_252 = tpu.memref_slice %arg7[%dma_wait3A_245, %dma_wait3A_251] : memref<4x256xi32, #tpu.memory_space<vmem>> -> memref<1x256xi32, #tpu.memory_space<vmem>>
      %dma_wait3A_253 = tpu.memref_squeeze %dma_wait3A_252 : memref<1x256xi32, #tpu.memory_space<vmem>> -> memref<256xi32, #tpu.memory_space<vmem>>
      %dma_wait3A_254 = arith.constant 0 : i32
      %dma_wait3A_255 = arith.constant 0 : i32
      %dma_wait3A_256 = tpu.memref_slice %arg3[%dma_wait3A_254, %dma_wait3A_255] : memref<10000x16xf32, #tpu.memory_space<hbm>> -> memref<10000x16xf32, #tpu.memory_space<hbm>>
      tpu.wait_indirect_dma semaphore(%arg14 : memref<!tpu.dma_semaphore, #tpu.memory_space<semaphore_mem>>) src(%dma_wait3A_256 : memref<10000x16xf32, #tpu.memory_space<hbm>>) dst(%dma_wait3A_250 : memref<256x16xf32, #tpu.memory_space<vmem>>)
      %dma_start3A_257 = arith.constant 0 : i32
      %dma_start3A_258 = arith.constant 0 : i32
      %dma_start3A_259 = arith.constant 0 : i32
      %dma_start3A_260 = tpu.memref_slice %arg8[%dma_start3A_257, %dma_start3A_258, %dma_start3A_259] : memref<4x256x128xbf16, #tpu.memory_space<vmem>> -> memref<1x256x128xbf16, #tpu.memory_space<vmem>>
      %dma_start3A_261 = tpu.memref_squeeze %dma_start3A_260 : memref<1x256x128xbf16, #tpu.memory_space<vmem>> -> memref<256x128xbf16, #tpu.memory_space<vmem>>
      %dma_start3A_262 = arith.constant 0 : i32
      %dma_start3A_263 = tpu.memref_slice %arg5[%add3A_232, %dma_start3A_262] : memref<327680x128xbf16, #tpu.memory_space<hbm>> -> memref<256x128xbf16, #tpu.memory_space<hbm>>
      %dma_start3A_264 = arith.constant 0 : i32
      %dma_start3A_265 = tpu.memref_slice %arg5[%add3A_232, %dma_start3A_264] : memref<327680x128xbf16, #tpu.memory_space<hbm>> -> memref<256x128xbf16, #tpu.memory_space<hbm>>
      %dma_start3A_266 = arith.constant 0 : i32
      %dma_start3A_267 = arith.constant 0 : i32
      %dma_start3A_268 = tpu.memref_slice %arg8[%dma_start3A_257, %dma_start3A_266, %dma_start3A_267] : memref<4x256x128xbf16, #tpu.memory_space<vmem>> -> memref<1x256x128xbf16, #tpu.memory_space<vmem>>
      %dma_start3A_269 = tpu.memref_squeeze %dma_start3A_268 : memref<1x256x128xbf16, #tpu.memory_space<vmem>> -> memref<256x128xbf16, #tpu.memory_space<vmem>>
      tpu.enqueue_dma source(%dma_start3A_269 : memref<256x128xbf16, #tpu.memory_space<vmem>>) target(%dma_start3A_265 : memref<256x128xbf16, #tpu.memory_space<hbm>>) target_semaphore(%arg18 : memref<!tpu.dma_semaphore, #tpu.memory_space<semaphore_mem>>)
      %dma_start3A_270 = arith.constant 0 : i32
      %dma_start3A_271 = arith.constant 0 : i32
      %dma_start3A_272 = arith.constant 0 : i32
      %dma_start3A_273 = tpu.memref_slice %arg9[%dma_start3A_270, %dma_start3A_271, %dma_start3A_272] : memref<4x256x16xf32, #tpu.memory_space<vmem>> -> memref<1x256x16xf32, #tpu.memory_space<vmem>>
      %dma_start3A_274 = tpu.memref_squeeze %dma_start3A_273 : memref<1x256x16xf32, #tpu.memory_space<vmem>> -> memref<256x16xf32, #tpu.memory_space<vmem>>
      %dma_start3A_275 = arith.constant 0 : i32
      %dma_start3A_276 = tpu.memref_slice %arg6[%add3A_232, %dma_start3A_275] : memref<327680x16xf32, #tpu.memory_space<hbm>> -> memref<256x16xf32, #tpu.memory_space<hbm>>
      %dma_start3A_277 = arith.constant 0 : i32
      %dma_start3A_278 = tpu.memref_slice %arg6[%add3A_232, %dma_start3A_277] : memref<327680x16xf32, #tpu.memory_space<hbm>> -> memref<256x16xf32, #tpu.memory_space<hbm>>
      %dma_start3A_279 = arith.constant 0 : i32
      %dma_start3A_280 = arith.constant 0 : i32
      %dma_start3A_281 = tpu.memref_slice %arg9[%dma_start3A_270, %dma_start3A_279, %dma_start3A_280] : memref<4x256x16xf32, #tpu.memory_space<vmem>> -> memref<1x256x16xf32, #tpu.memory_space<vmem>>
      %dma_start3A_282 = tpu.memref_squeeze %dma_start3A_281 : memref<1x256x16xf32, #tpu.memory_space<vmem>> -> memref<256x16xf32, #tpu.memory_space<vmem>>
      tpu.enqueue_dma source(%dma_start3A_282 : memref<256x16xf32, #tpu.memory_space<vmem>>) target(%dma_start3A_278 : memref<256x16xf32, #tpu.memory_space<hbm>>) target_semaphore(%arg22 : memref<!tpu.dma_semaphore, #tpu.memory_space<semaphore_mem>>)
      %mul3A_283 = arith.constant 4 : i32
      %mul3A_284 = arith.muli %scan3A_225, %mul3A_283 : i32
      %add3A_285 = arith.constant 1 : i32
      %add3A_286 = arith.addi %mul3A_284, %add3A_285 : i32
      %mul3A_287 = arith.constant 256 : i32
      %mul3A_288 = arith.muli %add3A_286, %mul3A_287 : i32
      %add3A_289 = arith.addi %mul3A_2, %mul3A_288 : i32
      %dma_wait3A_290 = arith.constant 1 : i32
      %dma_wait3A_291 = arith.constant 1 : i32
      %dma_wait3A_292 = arith.constant 0 : i32
      %dma_wait3A_293 = arith.constant 0 : i32
      %dma_wait3A_294 = tpu.memref_slice %arg8[%dma_wait3A_291, %dma_wait3A_292, %dma_wait3A_293] : memref<4x256x128xbf16, #tpu.memory_space<vmem>> -> memref<1x256x128xbf16, #tpu.memory_space<vmem>>
      %dma_wait3A_295 = tpu.memref_squeeze %dma_wait3A_294 : memref<1x256x128xbf16, #tpu.memory_space<vmem>> -> memref<256x128xbf16, #tpu.memory_space<vmem>>
      %dma_wait3A_296 = arith.constant 0 : i32
      %dma_wait3A_297 = tpu.memref_slice %arg7[%dma_wait3A_290, %dma_wait3A_296] : memref<4x256xi32, #tpu.memory_space<vmem>> -> memref<1x256xi32, #tpu.memory_space<vmem>>
      %dma_wait3A_298 = tpu.memref_squeeze %dma_wait3A_297 : memref<1x256xi32, #tpu.memory_space<vmem>> -> memref<256xi32, #tpu.memory_space<vmem>>
      %dma_wait3A_299 = arith.constant 0 : i32
      %dma_wait3A_300 = arith.constant 0 : i32
      %dma_wait3A_301 = tpu.memref_slice %arg2[%dma_wait3A_299, %dma_wait3A_300] : memref<10000x128xbf16, #tpu.memory_space<hbm>> -> memref<10000x128xbf16, #tpu.memory_space<hbm>>
      tpu.wait_indirect_dma semaphore(%arg11 : memref<!tpu.dma_semaphore, #tpu.memory_space<semaphore_mem>>) src(%dma_wait3A_301 : memref<10000x128xbf16, #tpu.memory_space<hbm>>) dst(%dma_wait3A_295 : memref<256x128xbf16, #tpu.memory_space<vmem>>)
      %dma_wait3A_302 = arith.constant 1 : i32
      %dma_wait3A_303 = arith.constant 1 : i32
      %dma_wait3A_304 = arith.constant 0 : i32
      %dma_wait3A_305 = arith.constant 0 : i32
      %dma_wait3A_306 = tpu.memref_slice %arg9[%dma_wait3A_303, %dma_wait3A_304, %dma_wait3A_305] : memref<4x256x16xf32, #tpu.memory_space<vmem>> -> memref<1x256x16xf32, #tpu.memory_space<vmem>>
      %dma_wait3A_307 = tpu.memref_squeeze %dma_wait3A_306 : memref<1x256x16xf32, #tpu.memory_space<vmem>> -> memref<256x16xf32, #tpu.memory_space<vmem>>
      %dma_wait3A_308 = arith.constant 0 : i32
      %dma_wait3A_309 = tpu.memref_slice %arg7[%dma_wait3A_302, %dma_wait3A_308] : memref<4x256xi32, #tpu.memory_space<vmem>> -> memref<1x256xi32, #tpu.memory_space<vmem>>
      %dma_wait3A_310 = tpu.memref_squeeze %dma_wait3A_309 : memref<1x256xi32, #tpu.memory_space<vmem>> -> memref<256xi32, #tpu.memory_space<vmem>>
      %dma_wait3A_311 = arith.constant 0 : i32
      %dma_wait3A_312 = arith.constant 0 : i32
      %dma_wait3A_313 = tpu.memref_slice %arg3[%dma_wait3A_311, %dma_wait3A_312] : memref<10000x16xf32, #tpu.memory_space<hbm>> -> memref<10000x16xf32, #tpu.memory_space<hbm>>
      tpu.wait_indirect_dma semaphore(%arg15 : memref<!tpu.dma_semaphore, #tpu.memory_space<semaphore_mem>>) src(%dma_wait3A_313 : memref<10000x16xf32, #tpu.memory_space<hbm>>) dst(%dma_wait3A_307 : memref<256x16xf32, #tpu.memory_space<vmem>>)
      %dma_start3A_314 = arith.constant 1 : i32
      %dma_start3A_315 = arith.constant 0 : i32
      %dma_start3A_316 = arith.constant 0 : i32
      %dma_start3A_317 = tpu.memref_slice %arg8[%dma_start3A_314, %dma_start3A_315, %dma_start3A_316] : memref<4x256x128xbf16, #tpu.memory_space<vmem>> -> memref<1x256x128xbf16, #tpu.memory_space<vmem>>
      %dma_start3A_318 = tpu.memref_squeeze %dma_start3A_317 : memref<1x256x128xbf16, #tpu.memory_space<vmem>> -> memref<256x128xbf16, #tpu.memory_space<vmem>>
      %dma_start3A_319 = arith.constant 0 : i32
      %dma_start3A_320 = tpu.memref_slice %arg5[%add3A_289, %dma_start3A_319] : memref<327680x128xbf16, #tpu.memory_space<hbm>> -> memref<256x128xbf16, #tpu.memory_space<hbm>>
      %dma_start3A_321 = arith.constant 0 : i32
      %dma_start3A_322 = tpu.memref_slice %arg5[%add3A_289, %dma_start3A_321] : memref<327680x128xbf16, #tpu.memory_space<hbm>> -> memref<256x128xbf16, #tpu.memory_space<hbm>>
      %dma_start3A_323 = arith.constant 0 : i32
      %dma_start3A_324 = arith.constant 0 : i32
      %dma_start3A_325 = tpu.memref_slice %arg8[%dma_start3A_314, %dma_start3A_323, %dma_start3A_324] : memref<4x256x128xbf16, #tpu.memory_space<vmem>> -> memref<1x256x128xbf16, #tpu.memory_space<vmem>>
      %dma_start3A_326 = tpu.memref_squeeze %dma_start3A_325 : memref<1x256x128xbf16, #tpu.memory_space<vmem>> -> memref<256x128xbf16, #tpu.memory_space<vmem>>
      tpu.enqueue_dma source(%dma_start3A_326 : memref<256x128xbf16, #tpu.memory_space<vmem>>) target(%dma_start3A_322 : memref<256x128xbf16, #tpu.memory_space<hbm>>) target_semaphore(%arg19 : memref<!tpu.dma_semaphore, #tpu.memory_space<semaphore_mem>>)
      %dma_start3A_327 = arith.constant 1 : i32
      %dma_start3A_328 = arith.constant 0 : i32
      %dma_start3A_329 = arith.constant 0 : i32
      %dma_start3A_330 = tpu.memref_slice %arg9[%dma_start3A_327, %dma_start3A_328, %dma_start3A_329] : memref<4x256x16xf32, #tpu.memory_space<vmem>> -> memref<1x256x16xf32, #tpu.memory_space<vmem>>
      %dma_start3A_331 = tpu.memref_squeeze %dma_start3A_330 : memref<1x256x16xf32, #tpu.memory_space<vmem>> -> memref<256x16xf32, #tpu.memory_space<vmem>>
      %dma_start3A_332 = arith.constant 0 : i32
      %dma_start3A_333 = tpu.memref_slice %arg6[%add3A_289, %dma_start3A_332] : memref<327680x16xf32, #tpu.memory_space<hbm>> -> memref<256x16xf32, #tpu.memory_space<hbm>>
      %dma_start3A_334 = arith.constant 0 : i32
      %dma_start3A_335 = tpu.memref_slice %arg6[%add3A_289, %dma_start3A_334] : memref<327680x16xf32, #tpu.memory_space<hbm>> -> memref<256x16xf32, #tpu.memory_space<hbm>>
      %dma_start3A_336 = arith.constant 0 : i32
      %dma_start3A_337 = arith.constant 0 : i32
      %dma_start3A_338 = tpu.memref_slice %arg9[%dma_start3A_327, %dma_start3A_336, %dma_start3A_337] : memref<4x256x16xf32, #tpu.memory_space<vmem>> -> memref<1x256x16xf32, #tpu.memory_space<vmem>>
      %dma_start3A_339 = tpu.memref_squeeze %dma_start3A_338 : memref<1x256x16xf32, #tpu.memory_space<vmem>> -> memref<256x16xf32, #tpu.memory_space<vmem>>
      tpu.enqueue_dma source(%dma_start3A_339 : memref<256x16xf32, #tpu.memory_space<vmem>>) target(%dma_start3A_335 : memref<256x16xf32, #tpu.memory_space<hbm>>) target_semaphore(%arg23 : memref<!tpu.dma_semaphore, #tpu.memory_space<semaphore_mem>>)
      %mul3A_340 = arith.constant 4 : i32
      %mul3A_341 = arith.muli %scan3A_225, %mul3A_340 : i32
      %add3A_342 = arith.constant 2 : i32
      %add3A_343 = arith.addi %mul3A_341, %add3A_342 : i32
      %mul3A_344 = arith.constant 256 : i32
      %mul3A_345 = arith.muli %add3A_343, %mul3A_344 : i32
      %add3A_346 = arith.addi %mul3A_2, %mul3A_345 : i32
      %dma_wait3A_347 = arith.constant 2 : i32
      %dma_wait3A_348 = arith.constant 2 : i32
      %dma_wait3A_349 = arith.constant 0 : i32
      %dma_wait3A_350 = arith.constant 0 : i32
      %dma_wait3A_351 = tpu.memref_slice %arg8[%dma_wait3A_348, %dma_wait3A_349, %dma_wait3A_350] : memref<4x256x128xbf16, #tpu.memory_space<vmem>> -> memref<1x256x128xbf16, #tpu.memory_space<vmem>>
      %dma_wait3A_352 = tpu.memref_squeeze %dma_wait3A_351 : memref<1x256x128xbf16, #tpu.memory_space<vmem>> -> memref<256x128xbf16, #tpu.memory_space<vmem>>
      %dma_wait3A_353 = arith.constant 0 : i32
      %dma_wait3A_354 = tpu.memref_slice %arg7[%dma_wait3A_347, %dma_wait3A_353] : memref<4x256xi32, #tpu.memory_space<vmem>> -> memref<1x256xi32, #tpu.memory_space<vmem>>
      %dma_wait3A_355 = tpu.memref_squeeze %dma_wait3A_354 : memref<1x256xi32, #tpu.memory_space<vmem>> -> memref<256xi32, #tpu.memory_space<vmem>>
      %dma_wait3A_356 = arith.constant 0 : i32
      %dma_wait3A_357 = arith.constant 0 : i32
      %dma_wait3A_358 = tpu.memref_slice %arg2[%dma_wait3A_356, %dma_wait3A_357] : memref<10000x128xbf16, #tpu.memory_space<hbm>> -> memref<10000x128xbf16, #tpu.memory_space<hbm>>
      tpu.wait_indirect_dma semaphore(%arg12 : memref<!tpu.dma_semaphore, #tpu.memory_space<semaphore_mem>>) src(%dma_wait3A_358 : memref<10000x128xbf16, #tpu.memory_space<hbm>>) dst(%dma_wait3A_352 : memref<256x128xbf16, #tpu.memory_space<vmem>>)
      %dma_wait3A_359 = arith.constant 2 : i32
      %dma_wait3A_360 = arith.constant 2 : i32
      %dma_wait3A_361 = arith.constant 0 : i32
      %dma_wait3A_362 = arith.constant 0 : i32
      %dma_wait3A_363 = tpu.memref_slice %arg9[%dma_wait3A_360, %dma_wait3A_361, %dma_wait3A_362] : memref<4x256x16xf32, #tpu.memory_space<vmem>> -> memref<1x256x16xf32, #tpu.memory_space<vmem>>
      %dma_wait3A_364 = tpu.memref_squeeze %dma_wait3A_363 : memref<1x256x16xf32, #tpu.memory_space<vmem>> -> memref<256x16xf32, #tpu.memory_space<vmem>>
      %dma_wait3A_365 = arith.constant 0 : i32
      %dma_wait3A_366 = tpu.memref_slice %arg7[%dma_wait3A_359, %dma_wait3A_365] : memref<4x256xi32, #tpu.memory_space<vmem>> -> memref<1x256xi32, #tpu.memory_space<vmem>>
      %dma_wait3A_367 = tpu.memref_squeeze %dma_wait3A_366 : memref<1x256xi32, #tpu.memory_space<vmem>> -> memref<256xi32, #tpu.memory_space<vmem>>
      %dma_wait3A_368 = arith.constant 0 : i32
      %dma_wait3A_369 = arith.constant 0 : i32
      %dma_wait3A_370 = tpu.memref_slice %arg3[%dma_wait3A_368, %dma_wait3A_369] : memref<10000x16xf32, #tpu.memory_space<hbm>> -> memref<10000x16xf32, #tpu.memory_space<hbm>>
      tpu.wait_indirect_dma semaphore(%arg16 : memref<!tpu.dma_semaphore, #tpu.memory_space<semaphore_mem>>) src(%dma_wait3A_370 : memref<10000x16xf32, #tpu.memory_space<hbm>>) dst(%dma_wait3A_364 : memref<256x16xf32, #tpu.memory_space<vmem>>)
      %dma_start3A_371 = arith.constant 2 : i32
      %dma_start3A_372 = arith.constant 0 : i32
      %dma_start3A_373 = arith.constant 0 : i32
      %dma_start3A_374 = tpu.memref_slice %arg8[%dma_start3A_371, %dma_start3A_372, %dma_start3A_373] : memref<4x256x128xbf16, #tpu.memory_space<vmem>> -> memref<1x256x128xbf16, #tpu.memory_space<vmem>>
      %dma_start3A_375 = tpu.memref_squeeze %dma_start3A_374 : memref<1x256x128xbf16, #tpu.memory_space<vmem>> -> memref<256x128xbf16, #tpu.memory_space<vmem>>
      %dma_start3A_376 = arith.constant 0 : i32
      %dma_start3A_377 = tpu.memref_slice %arg5[%add3A_346, %dma_start3A_376] : memref<327680x128xbf16, #tpu.memory_space<hbm>> -> memref<256x128xbf16, #tpu.memory_space<hbm>>
      %dma_start3A_378 = arith.constant 0 : i32
      %dma_start3A_379 = tpu.memref_slice %arg5[%add3A_346, %dma_start3A_378] : memref<327680x128xbf16, #tpu.memory_space<hbm>> -> memref<256x128xbf16, #tpu.memory_space<hbm>>
      %dma_start3A_380 = arith.constant 0 : i32
      %dma_start3A_381 = arith.constant 0 : i32
      %dma_start3A_382 = tpu.memref_slice %arg8[%dma_start3A_371, %dma_start3A_380, %dma_start3A_381] : memref<4x256x128xbf16, #tpu.memory_space<vmem>> -> memref<1x256x128xbf16, #tpu.memory_space<vmem>>
      %dma_start3A_383 = tpu.memref_squeeze %dma_start3A_382 : memref<1x256x128xbf16, #tpu.memory_space<vmem>> -> memref<256x128xbf16, #tpu.memory_space<vmem>>
      tpu.enqueue_dma source(%dma_start3A_383 : memref<256x128xbf16, #tpu.memory_space<vmem>>) target(%dma_start3A_379 : memref<256x128xbf16, #tpu.memory_space<hbm>>) target_semaphore(%arg20 : memref<!tpu.dma_semaphore, #tpu.memory_space<semaphore_mem>>)
      %dma_start3A_384 = arith.constant 2 : i32
      %dma_start3A_385 = arith.constant 0 : i32
      %dma_start3A_386 = arith.constant 0 : i32
      %dma_start3A_387 = tpu.memref_slice %arg9[%dma_start3A_384, %dma_start3A_385, %dma_start3A_386] : memref<4x256x16xf32, #tpu.memory_space<vmem>> -> memref<1x256x16xf32, #tpu.memory_space<vmem>>
      %dma_start3A_388 = tpu.memref_squeeze %dma_start3A_387 : memref<1x256x16xf32, #tpu.memory_space<vmem>> -> memref<256x16xf32, #tpu.memory_space<vmem>>
      %dma_start3A_389 = arith.constant 0 : i32
      %dma_start3A_390 = tpu.memref_slice %arg6[%add3A_346, %dma_start3A_389] : memref<327680x16xf32, #tpu.memory_space<hbm>> -> memref<256x16xf32, #tpu.memory_space<hbm>>
      %dma_start3A_391 = arith.constant 0 : i32
      %dma_start3A_392 = tpu.memref_slice %arg6[%add3A_346, %dma_start3A_391] : memref<327680x16xf32, #tpu.memory_space<hbm>> -> memref<256x16xf32, #tpu.memory_space<hbm>>
      %dma_start3A_393 = arith.constant 0 : i32
      %dma_start3A_394 = arith.constant 0 : i32
      %dma_start3A_395 = tpu.memref_slice %arg9[%dma_start3A_384, %dma_start3A_393, %dma_start3A_394] : memref<4x256x16xf32, #tpu.memory_space<vmem>> -> memref<1x256x16xf32, #tpu.memory_space<vmem>>
      %dma_start3A_396 = tpu.memref_squeeze %dma_start3A_395 : memref<1x256x16xf32, #tpu.memory_space<vmem>> -> memref<256x16xf32, #tpu.memory_space<vmem>>
      tpu.enqueue_dma source(%dma_start3A_396 : memref<256x16xf32, #tpu.memory_space<vmem>>) target(%dma_start3A_392 : memref<256x16xf32, #tpu.memory_space<hbm>>) target_semaphore(%arg24 : memref<!tpu.dma_semaphore, #tpu.memory_space<semaphore_mem>>)
      %mul3A_397 = arith.constant 4 : i32
      %mul3A_398 = arith.muli %scan3A_225, %mul3A_397 : i32
      %add3A_399 = arith.constant 3 : i32
      %add3A_400 = arith.addi %mul3A_398, %add3A_399 : i32
      %mul3A_401 = arith.constant 256 : i32
      %mul3A_402 = arith.muli %add3A_400, %mul3A_401 : i32
      %add3A_403 = arith.addi %mul3A_2, %mul3A_402 : i32
      %dma_wait3A_404 = arith.constant 3 : i32
      %dma_wait3A_405 = arith.constant 3 : i32
      %dma_wait3A_406 = arith.constant 0 : i32
      %dma_wait3A_407 = arith.constant 0 : i32
      %dma_wait3A_408 = tpu.memref_slice %arg8[%dma_wait3A_405, %dma_wait3A_406, %dma_wait3A_407] : memref<4x256x128xbf16, #tpu.memory_space<vmem>> -> memref<1x256x128xbf16, #tpu.memory_space<vmem>>
      %dma_wait3A_409 = tpu.memref_squeeze %dma_wait3A_408 : memref<1x256x128xbf16, #tpu.memory_space<vmem>> -> memref<256x128xbf16, #tpu.memory_space<vmem>>
      %dma_wait3A_410 = arith.constant 0 : i32
      %dma_wait3A_411 = tpu.memref_slice %arg7[%dma_wait3A_404, %dma_wait3A_410] : memref<4x256xi32, #tpu.memory_space<vmem>> -> memref<1x256xi32, #tpu.memory_space<vmem>>
      %dma_wait3A_412 = tpu.memref_squeeze %dma_wait3A_411 : memref<1x256xi32, #tpu.memory_space<vmem>> -> memref<256xi32, #tpu.memory_space<vmem>>
      %dma_wait3A_413 = arith.constant 0 : i32
      %dma_wait3A_414 = arith.constant 0 : i32
      %dma_wait3A_415 = tpu.memref_slice %arg2[%dma_wait3A_413, %dma_wait3A_414] : memref<10000x128xbf16, #tpu.memory_space<hbm>> -> memref<10000x128xbf16, #tpu.memory_space<hbm>>
      tpu.wait_indirect_dma semaphore(%arg13 : memref<!tpu.dma_semaphore, #tpu.memory_space<semaphore_mem>>) src(%dma_wait3A_415 : memref<10000x128xbf16, #tpu.memory_space<hbm>>) dst(%dma_wait3A_409 : memref<256x128xbf16, #tpu.memory_space<vmem>>)
      %dma_wait3A_416 = arith.constant 3 : i32
      %dma_wait3A_417 = arith.constant 3 : i32
      %dma_wait3A_418 = arith.constant 0 : i32
      %dma_wait3A_419 = arith.constant 0 : i32
      %dma_wait3A_420 = tpu.memref_slice %arg9[%dma_wait3A_417, %dma_wait3A_418, %dma_wait3A_419] : memref<4x256x16xf32, #tpu.memory_space<vmem>> -> memref<1x256x16xf32, #tpu.memory_space<vmem>>
      %dma_wait3A_421 = tpu.memref_squeeze %dma_wait3A_420 : memref<1x256x16xf32, #tpu.memory_space<vmem>> -> memref<256x16xf32, #tpu.memory_space<vmem>>
      %dma_wait3A_422 = arith.constant 0 : i32
      %dma_wait3A_423 = tpu.memref_slice %arg7[%dma_wait3A_416, %dma_wait3A_422] : memref<4x256xi32, #tpu.memory_space<vmem>> -> memref<1x256xi32, #tpu.memory_space<vmem>>
      %dma_wait3A_424 = tpu.memref_squeeze %dma_wait3A_423 : memref<1x256xi32, #tpu.memory_space<vmem>> -> memref<256xi32, #tpu.memory_space<vmem>>
      %dma_wait3A_425 = arith.constant 0 : i32
      %dma_wait3A_426 = arith.constant 0 : i32
      %dma_wait3A_427 = tpu.memref_slice %arg3[%dma_wait3A_425, %dma_wait3A_426] : memref<10000x16xf32, #tpu.memory_space<hbm>> -> memref<10000x16xf32, #tpu.memory_space<hbm>>
      tpu.wait_indirect_dma semaphore(%arg17 : memref<!tpu.dma_semaphore, #tpu.memory_space<semaphore_mem>>) src(%dma_wait3A_427 : memref<10000x16xf32, #tpu.memory_space<hbm>>) dst(%dma_wait3A_421 : memref<256x16xf32, #tpu.memory_space<vmem>>)
      %dma_start3A_428 = arith.constant 3 : i32
      %dma_start3A_429 = arith.constant 0 : i32
      %dma_start3A_430 = arith.constant 0 : i32
      %dma_start3A_431 = tpu.memref_slice %arg8[%dma_start3A_428, %dma_start3A_429, %dma_start3A_430] : memref<4x256x128xbf16, #tpu.memory_space<vmem>> -> memref<1x256x128xbf16, #tpu.memory_space<vmem>>
      %dma_start3A_432 = tpu.memref_squeeze %dma_start3A_431 : memref<1x256x128xbf16, #tpu.memory_space<vmem>> -> memref<256x128xbf16, #tpu.memory_space<vmem>>
      %dma_start3A_433 = arith.constant 0 : i32
      %dma_start3A_434 = tpu.memref_slice %arg5[%add3A_403, %dma_start3A_433] : memref<327680x128xbf16, #tpu.memory_space<hbm>> -> memref<256x128xbf16, #tpu.memory_space<hbm>>
      %dma_start3A_435 = arith.constant 0 : i32
      %dma_start3A_436 = tpu.memref_slice %arg5[%add3A_403, %dma_start3A_435] : memref<327680x128xbf16, #tpu.memory_space<hbm>> -> memref<256x128xbf16, #tpu.memory_space<hbm>>
      %dma_start3A_437 = arith.constant 0 : i32
      %dma_start3A_438 = arith.constant 0 : i32
      %dma_start3A_439 = tpu.memref_slice %arg8[%dma_start3A_428, %dma_start3A_437, %dma_start3A_438] : memref<4x256x128xbf16, #tpu.memory_space<vmem>> -> memref<1x256x128xbf16, #tpu.memory_space<vmem>>
      %dma_start3A_440 = tpu.memref_squeeze %dma_start3A_439 : memref<1x256x128xbf16, #tpu.memory_space<vmem>> -> memref<256x128xbf16, #tpu.memory_space<vmem>>
      tpu.enqueue_dma source(%dma_start3A_440 : memref<256x128xbf16, #tpu.memory_space<vmem>>) target(%dma_start3A_436 : memref<256x128xbf16, #tpu.memory_space<hbm>>) target_semaphore(%arg21 : memref<!tpu.dma_semaphore, #tpu.memory_space<semaphore_mem>>)
      %dma_start3A_441 = arith.constant 3 : i32
      %dma_start3A_442 = arith.constant 0 : i32
      %dma_start3A_443 = arith.constant 0 : i32
      %dma_start3A_444 = tpu.memref_slice %arg9[%dma_start3A_441, %dma_start3A_442, %dma_start3A_443] : memref<4x256x16xf32, #tpu.memory_space<vmem>> -> memref<1x256x16xf32, #tpu.memory_space<vmem>>
      %dma_start3A_445 = tpu.memref_squeeze %dma_start3A_444 : memref<1x256x16xf32, #tpu.memory_space<vmem>> -> memref<256x16xf32, #tpu.memory_space<vmem>>
      %dma_start3A_446 = arith.constant 0 : i32
      %dma_start3A_447 = tpu.memref_slice %arg6[%add3A_403, %dma_start3A_446] : memref<327680x16xf32, #tpu.memory_space<hbm>> -> memref<256x16xf32, #tpu.memory_space<hbm>>
      %dma_start3A_448 = arith.constant 0 : i32
      %dma_start3A_449 = tpu.memref_slice %arg6[%add3A_403, %dma_start3A_448] : memref<327680x16xf32, #tpu.memory_space<hbm>> -> memref<256x16xf32, #tpu.memory_space<hbm>>
      %dma_start3A_450 = arith.constant 0 : i32
      %dma_start3A_451 = arith.constant 0 : i32
      %dma_start3A_452 = tpu.memref_slice %arg9[%dma_start3A_441, %dma_start3A_450, %dma_start3A_451] : memref<4x256x16xf32, #tpu.memory_space<vmem>> -> memref<1x256x16xf32, #tpu.memory_space<vmem>>
      %dma_start3A_453 = tpu.memref_squeeze %dma_start3A_452 : memref<1x256x16xf32, #tpu.memory_space<vmem>> -> memref<256x16xf32, #tpu.memory_space<vmem>>
      tpu.enqueue_dma source(%dma_start3A_453 : memref<256x16xf32, #tpu.memory_space<vmem>>) target(%dma_start3A_449 : memref<256x16xf32, #tpu.memory_space<hbm>>) target_semaphore(%arg25 : memref<!tpu.dma_semaphore, #tpu.memory_space<semaphore_mem>>)
      %mul3A_454 = arith.constant 4 : i32
      %mul3A_455 = arith.muli %scan3A_225, %mul3A_454 : i32
      %add3A_456 = arith.constant 0 : i32
      %add3A_457 = arith.addi %mul3A_455, %add3A_456 : i32
      %mul3A_458 = arith.constant 256 : i32
      %mul3A_459 = arith.muli %add3A_457, %mul3A_458 : i32
      %add3A_460 = arith.addi %mul3A_2, %mul3A_459 : i32
      %dma_wait3A_461 = arith.constant 0 : i32
      %dma_wait3A_462 = arith.constant 0 : i32
      %dma_wait3A_463 = arith.constant 0 : i32
      %dma_wait3A_464 = tpu.memref_slice %arg8[%dma_wait3A_461, %dma_wait3A_462, %dma_wait3A_463] : memref<4x256x128xbf16, #tpu.memory_space<vmem>> -> memref<1x256x128xbf16, #tpu.memory_space<vmem>>
      %dma_wait3A_465 = tpu.memref_squeeze %dma_wait3A_464 : memref<1x256x128xbf16, #tpu.memory_space<vmem>> -> memref<256x128xbf16, #tpu.memory_space<vmem>>
      %dma_wait3A_466 = arith.constant 0 : i32
      %dma_wait3A_467 = tpu.memref_slice %arg5[%add3A_460, %dma_wait3A_466] : memref<327680x128xbf16, #tpu.memory_space<hbm>> -> memref<256x128xbf16, #tpu.memory_space<hbm>>
      %dma_wait3A_468 = arith.constant 0 : i32
      %dma_wait3A_469 = tpu.memref_slice %arg5[%add3A_460, %dma_wait3A_468] : memref<327680x128xbf16, #tpu.memory_space<hbm>> -> memref<256x128xbf16, #tpu.memory_space<hbm>>
      %dma_wait3A_470 = arith.constant 0 : i32
      %dma_wait3A_471 = arith.constant 0 : i32
      %dma_wait3A_472 = tpu.memref_slice %arg8[%dma_wait3A_461, %dma_wait3A_470, %dma_wait3A_471] : memref<4x256x128xbf16, #tpu.memory_space<vmem>> -> memref<1x256x128xbf16, #tpu.memory_space<vmem>>
      %dma_wait3A_473 = tpu.memref_squeeze %dma_wait3A_472 : memref<1x256x128xbf16, #tpu.memory_space<vmem>> -> memref<256x128xbf16, #tpu.memory_space<vmem>>
      tpu.wait_dma2 semaphore(%arg18 : memref<!tpu.dma_semaphore, #tpu.memory_space<semaphore_mem>>) src(%dma_wait3A_473 : memref<256x128xbf16, #tpu.memory_space<vmem>>) dst(%dma_wait3A_469 : memref<256x128xbf16, #tpu.memory_space<hbm>>)
      %dma_wait3A_474 = arith.constant 0 : i32
      %dma_wait3A_475 = arith.constant 0 : i32
      %dma_wait3A_476 = arith.constant 0 : i32
      %dma_wait3A_477 = tpu.memref_slice %arg9[%dma_wait3A_474, %dma_wait3A_475, %dma_wait3A_476] : memref<4x256x16xf32, #tpu.memory_space<vmem>> -> memref<1x256x16xf32, #tpu.memory_space<vmem>>
      %dma_wait3A_478 = tpu.memref_squeeze %dma_wait3A_477 : memref<1x256x16xf32, #tpu.memory_space<vmem>> -> memref<256x16xf32, #tpu.memory_space<vmem>>
      %dma_wait3A_479 = arith.constant 0 : i32
      %dma_wait3A_480 = tpu.memref_slice %arg6[%add3A_460, %dma_wait3A_479] : memref<327680x16xf32, #tpu.memory_space<hbm>> -> memref<256x16xf32, #tpu.memory_space<hbm>>
      %dma_wait3A_481 = arith.constant 0 : i32
      %dma_wait3A_482 = tpu.memref_slice %arg6[%add3A_460, %dma_wait3A_481] : memref<327680x16xf32, #tpu.memory_space<hbm>> -> memref<256x16xf32, #tpu.memory_space<hbm>>
      %dma_wait3A_483 = arith.constant 0 : i32
      %dma_wait3A_484 = arith.constant 0 : i32
      %dma_wait3A_485 = tpu.memref_slice %arg9[%dma_wait3A_474, %dma_wait3A_483, %dma_wait3A_484] : memref<4x256x16xf32, #tpu.memory_space<vmem>> -> memref<1x256x16xf32, #tpu.memory_space<vmem>>
      %dma_wait3A_486 = tpu.memref_squeeze %dma_wait3A_485 : memref<1x256x16xf32, #tpu.memory_space<vmem>> -> memref<256x16xf32, #tpu.memory_space<vmem>>
      tpu.wait_dma2 semaphore(%arg22 : memref<!tpu.dma_semaphore, #tpu.memory_space<semaphore_mem>>) src(%dma_wait3A_486 : memref<256x16xf32, #tpu.memory_space<vmem>>) dst(%dma_wait3A_482 : memref<256x16xf32, #tpu.memory_space<hbm>>)
      %add3A_487 = arith.constant 1 : i32
      %add3A_488 = arith.addi %scan3A_225, %add3A_487 : i32
      %mul3A_489 = arith.constant 4 : i32
      %mul3A_490 = arith.muli %add3A_488, %mul3A_489 : i32
      %add3A_491 = arith.constant 0 : i32
      %add3A_492 = arith.addi %mul3A_490, %add3A_491 : i32
      %mul3A_493 = arith.constant 256 : i32
      %mul3A_494 = arith.muli %add3A_492, %mul3A_493 : i32
      %add3A_495 = arith.addi %mul3A_2, %mul3A_494 : i32
      %run_scoped3A_496 = arith.constant 0 : i32
      "tpu.region"() ({
        %run_scoped3A_722 = tpu.sem_alloc : memref<!tpu.dma_semaphore, #tpu.memory_space<semaphore_mem>>
        %dma_start3A_723 = arith.constant 0 : i32
        %dma_start3A_724 = tpu.memref_slice %arg7[%run_scoped3A_496, %dma_start3A_723] : memref<4x256xi32, #tpu.memory_space<vmem>> -> memref<1x256xi32, #tpu.memory_space<vmem>>
        %dma_start3A_725 = tpu.memref_squeeze %dma_start3A_724 : memref<1x256xi32, #tpu.memory_space<vmem>> -> memref<256xi32, #tpu.memory_space<vmem>>
        %dma_start3A_726 = tpu.memref_slice %arg4[%add3A_495] : memref<327680xi32, #tpu.memory_space<hbm>> -> memref<256xi32, #tpu.memory_space<hbm>>
        %dma_start3A_727 = arith.constant 0 : i32
        %dma_start3A_728 = tpu.memref_slice %arg7[%run_scoped3A_496, %dma_start3A_727] : memref<4x256xi32, #tpu.memory_space<vmem>> -> memref<1x256xi32, #tpu.memory_space<vmem>>
        %dma_start3A_729 = tpu.memref_squeeze %dma_start3A_728 : memref<1x256xi32, #tpu.memory_space<vmem>> -> memref<256xi32, #tpu.memory_space<vmem>>
        %dma_start3A_730 = tpu.memref_slice %arg4[%add3A_495] : memref<327680xi32, #tpu.memory_space<hbm>> -> memref<256xi32, #tpu.memory_space<hbm>>
        tpu.enqueue_dma source(%dma_start3A_730 : memref<256xi32, #tpu.memory_space<hbm>>) target(%dma_start3A_729 : memref<256xi32, #tpu.memory_space<vmem>>) target_semaphore(%run_scoped3A_722 : memref<!tpu.dma_semaphore, #tpu.memory_space<semaphore_mem>>)
        %dma_wait3A_731 = arith.constant 0 : i32
        %dma_wait3A_732 = tpu.memref_slice %arg7[%run_scoped3A_496, %dma_wait3A_731] : memref<4x256xi32, #tpu.memory_space<vmem>> -> memref<1x256xi32, #tpu.memory_space<vmem>>
        %dma_wait3A_733 = tpu.memref_squeeze %dma_wait3A_732 : memref<1x256xi32, #tpu.memory_space<vmem>> -> memref<256xi32, #tpu.memory_space<vmem>>
        %dma_wait3A_734 = tpu.memref_slice %arg4[%add3A_495] : memref<327680xi32, #tpu.memory_space<hbm>> -> memref<256xi32, #tpu.memory_space<hbm>>
        %dma_wait3A_735 = arith.constant 0 : i32
        %dma_wait3A_736 = tpu.memref_slice %arg7[%run_scoped3A_496, %dma_wait3A_735] : memref<4x256xi32, #tpu.memory_space<vmem>> -> memref<1x256xi32, #tpu.memory_space<vmem>>
        %dma_wait3A_737 = tpu.memref_squeeze %dma_wait3A_736 : memref<1x256xi32, #tpu.memory_space<vmem>> -> memref<256xi32, #tpu.memory_space<vmem>>
        %dma_wait3A_738 = tpu.memref_slice %arg4[%add3A_495] : memref<327680xi32, #tpu.memory_space<hbm>> -> memref<256xi32, #tpu.memory_space<hbm>>
        tpu.wait_dma2 semaphore(%run_scoped3A_722 : memref<!tpu.dma_semaphore, #tpu.memory_space<semaphore_mem>>) src(%dma_wait3A_738 : memref<256xi32, #tpu.memory_space<hbm>>) dst(%dma_wait3A_737 : memref<256xi32, #tpu.memory_space<vmem>>)
        tpu.yield
      }) : () -> ()
      %dma_start3A_497 = arith.constant 0 : i32
      %dma_start3A_498 = arith.constant 0 : i32
      %dma_start3A_499 = arith.constant 0 : i32
      %dma_start3A_500 = arith.constant 0 : i32
      %dma_start3A_501 = tpu.memref_slice %arg8[%dma_start3A_498, %dma_start3A_499, %dma_start3A_500] : memref<4x256x128xbf16, #tpu.memory_space<vmem>> -> memref<1x256x128xbf16, #tpu.memory_space<vmem>>
      %dma_start3A_502 = tpu.memref_squeeze %dma_start3A_501 : memref<1x256x128xbf16, #tpu.memory_space<vmem>> -> memref<256x128xbf16, #tpu.memory_space<vmem>>
      %dma_start3A_503 = arith.constant 0 : i32
      %dma_start3A_504 = tpu.memref_slice %arg7[%dma_start3A_497, %dma_start3A_503] : memref<4x256xi32, #tpu.memory_space<vmem>> -> memref<1x256xi32, #tpu.memory_space<vmem>>
      %dma_start3A_505 = tpu.memref_squeeze %dma_start3A_504 : memref<1x256xi32, #tpu.memory_space<vmem>> -> memref<256xi32, #tpu.memory_space<vmem>>
      %dma_start3A_506 = arith.constant 0 : i32
      %dma_start3A_507 = arith.constant 0 : i32
      %dma_start3A_508 = tpu.memref_slice %arg2[%dma_start3A_506, %dma_start3A_507] : memref<10000x128xbf16, #tpu.memory_space<hbm>> -> memref<10000x128xbf16, #tpu.memory_space<hbm>>
      tpu.enqueue_indirect_dma source(%dma_start3A_508 : memref<10000x128xbf16, #tpu.memory_space<hbm>>) target(%dma_start3A_502 : memref<256x128xbf16, #tpu.memory_space<vmem>>) offsets(%dma_start3A_505 : memref<256xi32, #tpu.memory_space<vmem>>) semaphore(%arg10 : memref<!tpu.dma_semaphore, #tpu.memory_space<semaphore_mem>>)
      %dma_start3A_509 = arith.constant 0 : i32
      %dma_start3A_510 = arith.constant 0 : i32
      %dma_start3A_511 = arith.constant 0 : i32
      %dma_start3A_512 = arith.constant 0 : i32
      %dma_start3A_513 = tpu.memref_slice %arg9[%dma_start3A_510, %dma_start3A_511, %dma_start3A_512] : memref<4x256x16xf32, #tpu.memory_space<vmem>> -> memref<1x256x16xf32, #tpu.memory_space<vmem>>
      %dma_start3A_514 = tpu.memref_squeeze %dma_start3A_513 : memref<1x256x16xf32, #tpu.memory_space<vmem>> -> memref<256x16xf32, #tpu.memory_space<vmem>>
      %dma_start3A_515 = arith.constant 0 : i32
      %dma_start3A_516 = tpu.memref_slice %arg7[%dma_start3A_509, %dma_start3A_515] : memref<4x256xi32, #tpu.memory_space<vmem>> -> memref<1x256xi32, #tpu.memory_space<vmem>>
      %dma_start3A_517 = tpu.memref_squeeze %dma_start3A_516 : memref<1x256xi32, #tpu.memory_space<vmem>> -> memref<256xi32, #tpu.memory_space<vmem>>
      %dma_start3A_518 = arith.constant 0 : i32
      %dma_start3A_519 = arith.constant 0 : i32
      %dma_start3A_520 = tpu.memref_slice %arg3[%dma_start3A_518, %dma_start3A_519] : memref<10000x16xf32, #tpu.memory_space<hbm>> -> memref<10000x16xf32, #tpu.memory_space<hbm>>
      tpu.enqueue_indirect_dma source(%dma_start3A_520 : memref<10000x16xf32, #tpu.memory_space<hbm>>) target(%dma_start3A_514 : memref<256x16xf32, #tpu.memory_space<vmem>>) offsets(%dma_start3A_517 : memref<256xi32, #tpu.memory_space<vmem>>) semaphore(%arg14 : memref<!tpu.dma_semaphore, #tpu.memory_space<semaphore_mem>>)
      %mul3A_521 = arith.constant 4 : i32
      %mul3A_522 = arith.muli %scan3A_225, %mul3A_521 : i32
      %add3A_523 = arith.constant 1 : i32
      %add3A_524 = arith.addi %mul3A_522, %add3A_523 : i32
      %mul3A_525 = arith.constant 256 : i32
      %mul3A_526 = arith.muli %add3A_524, %mul3A_525 : i32
      %add3A_527 = arith.addi %mul3A_2, %mul3A_526 : i32
      %dma_wait3A_528 = arith.constant 1 : i32
      %dma_wait3A_529 = arith.constant 0 : i32
      %dma_wait3A_530 = arith.constant 0 : i32
      %dma_wait3A_531 = tpu.memref_slice %arg8[%dma_wait3A_528, %dma_wait3A_529, %dma_wait3A_530] : memref<4x256x128xbf16, #tpu.memory_space<vmem>> -> memref<1x256x128xbf16, #tpu.memory_space<vmem>>
      %dma_wait3A_532 = tpu.memref_squeeze %dma_wait3A_531 : memref<1x256x128xbf16, #tpu.memory_space<vmem>> -> memref<256x128xbf16, #tpu.memory_space<vmem>>
      %dma_wait3A_533 = arith.constant 0 : i32
      %dma_wait3A_534 = tpu.memref_slice %arg5[%add3A_527, %dma_wait3A_533] : memref<327680x128xbf16, #tpu.memory_space<hbm>> -> memref<256x128xbf16, #tpu.memory_space<hbm>>
      %dma_wait3A_535 = arith.constant 0 : i32
      %dma_wait3A_536 = tpu.memref_slice %arg5[%add3A_527, %dma_wait3A_535] : memref<327680x128xbf16, #tpu.memory_space<hbm>> -> memref<256x128xbf16, #tpu.memory_space<hbm>>
      %dma_wait3A_537 = arith.constant 0 : i32
      %dma_wait3A_538 = arith.constant 0 : i32
      %dma_wait3A_539 = tpu.memref_slice %arg8[%dma_wait3A_528, %dma_wait3A_537, %dma_wait3A_538] : memref<4x256x128xbf16, #tpu.memory_space<vmem>> -> memref<1x256x128xbf16, #tpu.memory_space<vmem>>
      %dma_wait3A_540 = tpu.memref_squeeze %dma_wait3A_539 : memref<1x256x128xbf16, #tpu.memory_space<vmem>> -> memref<256x128xbf16, #tpu.memory_space<vmem>>
      tpu.wait_dma2 semaphore(%arg19 : memref<!tpu.dma_semaphore, #tpu.memory_space<semaphore_mem>>) src(%dma_wait3A_540 : memref<256x128xbf16, #tpu.memory_space<vmem>>) dst(%dma_wait3A_536 : memref<256x128xbf16, #tpu.memory_space<hbm>>)
      %dma_wait3A_541 = arith.constant 1 : i32
      %dma_wait3A_542 = arith.constant 0 : i32
      %dma_wait3A_543 = arith.constant 0 : i32
      %dma_wait3A_544 = tpu.memref_slice %arg9[%dma_wait3A_541, %dma_wait3A_542, %dma_wait3A_543] : memref<4x256x16xf32, #tpu.memory_space<vmem>> -> memref<1x256x16xf32, #tpu.memory_space<vmem>>
      %dma_wait3A_545 = tpu.memref_squeeze %dma_wait3A_544 : memref<1x256x16xf32, #tpu.memory_space<vmem>> -> memref<256x16xf32, #tpu.memory_space<vmem>>
      %dma_wait3A_546 = arith.constant 0 : i32
      %dma_wait3A_547 = tpu.memref_slice %arg6[%add3A_527, %dma_wait3A_546] : memref<327680x16xf32, #tpu.memory_space<hbm>> -> memref<256x16xf32, #tpu.memory_space<hbm>>
      %dma_wait3A_548 = arith.constant 0 : i32
      %dma_wait3A_549 = tpu.memref_slice %arg6[%add3A_527, %dma_wait3A_548] : memref<327680x16xf32, #tpu.memory_space<hbm>> -> memref<256x16xf32, #tpu.memory_space<hbm>>
      %dma_wait3A_550 = arith.constant 0 : i32
      %dma_wait3A_551 = arith.constant 0 : i32
      %dma_wait3A_552 = tpu.memref_slice %arg9[%dma_wait3A_541, %dma_wait3A_550, %dma_wait3A_551] : memref<4x256x16xf32, #tpu.memory_space<vmem>> -> memref<1x256x16xf32, #tpu.memory_space<vmem>>
      %dma_wait3A_553 = tpu.memref_squeeze %dma_wait3A_552 : memref<1x256x16xf32, #tpu.memory_space<vmem>> -> memref<256x16xf32, #tpu.memory_space<vmem>>
      tpu.wait_dma2 semaphore(%arg23 : memref<!tpu.dma_semaphore, #tpu.memory_space<semaphore_mem>>) src(%dma_wait3A_553 : memref<256x16xf32, #tpu.memory_space<vmem>>) dst(%dma_wait3A_549 : memref<256x16xf32, #tpu.memory_space<hbm>>)
      %add3A_554 = arith.constant 1 : i32
      %add3A_555 = arith.addi %scan3A_225, %add3A_554 : i32
      %mul3A_556 = arith.constant 4 : i32
      %mul3A_557 = arith.muli %add3A_555, %mul3A_556 : i32
      %add3A_558 = arith.constant 1 : i32
      %add3A_559 = arith.addi %mul3A_557, %add3A_558 : i32
      %mul3A_560 = arith.constant 256 : i32
      %mul3A_561 = arith.muli %add3A_559, %mul3A_560 : i32
      %add3A_562 = arith.addi %mul3A_2, %mul3A_561 : i32
      %run_scoped3A_563 = arith.constant 1 : i32
      "tpu.region"() ({
        %run_scoped3A_722 = tpu.sem_alloc : memref<!tpu.dma_semaphore, #tpu.memory_space<semaphore_mem>>
        %dma_start3A_723 = arith.constant 0 : i32
        %dma_start3A_724 = tpu.memref_slice %arg7[%run_scoped3A_563, %dma_start3A_723] : memref<4x256xi32, #tpu.memory_space<vmem>> -> memref<1x256xi32, #tpu.memory_space<vmem>>
        %dma_start3A_725 = tpu.memref_squeeze %dma_start3A_724 : memref<1x256xi32, #tpu.memory_space<vmem>> -> memref<256xi32, #tpu.memory_space<vmem>>
        %dma_start3A_726 = tpu.memref_slice %arg4[%add3A_562] : memref<327680xi32, #tpu.memory_space<hbm>> -> memref<256xi32, #tpu.memory_space<hbm>>
        %dma_start3A_727 = arith.constant 0 : i32
        %dma_start3A_728 = tpu.memref_slice %arg7[%run_scoped3A_563, %dma_start3A_727] : memref<4x256xi32, #tpu.memory_space<vmem>> -> memref<1x256xi32, #tpu.memory_space<vmem>>
        %dma_start3A_729 = tpu.memref_squeeze %dma_start3A_728 : memref<1x256xi32, #tpu.memory_space<vmem>> -> memref<256xi32, #tpu.memory_space<vmem>>
        %dma_start3A_730 = tpu.memref_slice %arg4[%add3A_562] : memref<327680xi32, #tpu.memory_space<hbm>> -> memref<256xi32, #tpu.memory_space<hbm>>
        tpu.enqueue_dma source(%dma_start3A_730 : memref<256xi32, #tpu.memory_space<hbm>>) target(%dma_start3A_729 : memref<256xi32, #tpu.memory_space<vmem>>) target_semaphore(%run_scoped3A_722 : memref<!tpu.dma_semaphore, #tpu.memory_space<semaphore_mem>>)
        %dma_wait3A_731 = arith.constant 0 : i32
        %dma_wait3A_732 = tpu.memref_slice %arg7[%run_scoped3A_563, %dma_wait3A_731] : memref<4x256xi32, #tpu.memory_space<vmem>> -> memref<1x256xi32, #tpu.memory_space<vmem>>
        %dma_wait3A_733 = tpu.memref_squeeze %dma_wait3A_732 : memref<1x256xi32, #tpu.memory_space<vmem>> -> memref<256xi32, #tpu.memory_space<vmem>>
        %dma_wait3A_734 = tpu.memref_slice %arg4[%add3A_562] : memref<327680xi32, #tpu.memory_space<hbm>> -> memref<256xi32, #tpu.memory_space<hbm>>
        %dma_wait3A_735 = arith.constant 0 : i32
        %dma_wait3A_736 = tpu.memref_slice %arg7[%run_scoped3A_563, %dma_wait3A_735] : memref<4x256xi32, #tpu.memory_space<vmem>> -> memref<1x256xi32, #tpu.memory_space<vmem>>
        %dma_wait3A_737 = tpu.memref_squeeze %dma_wait3A_736 : memref<1x256xi32, #tpu.memory_space<vmem>> -> memref<256xi32, #tpu.memory_space<vmem>>
        %dma_wait3A_738 = tpu.memref_slice %arg4[%add3A_562] : memref<327680xi32, #tpu.memory_space<hbm>> -> memref<256xi32, #tpu.memory_space<hbm>>
        tpu.wait_dma2 semaphore(%run_scoped3A_722 : memref<!tpu.dma_semaphore, #tpu.memory_space<semaphore_mem>>) src(%dma_wait3A_738 : memref<256xi32, #tpu.memory_space<hbm>>) dst(%dma_wait3A_737 : memref<256xi32, #tpu.memory_space<vmem>>)
        tpu.yield
      }) : () -> ()
      %dma_start3A_564 = arith.constant 1 : i32
      %dma_start3A_565 = arith.constant 1 : i32
      %dma_start3A_566 = arith.constant 0 : i32
      %dma_start3A_567 = arith.constant 0 : i32
      %dma_start3A_568 = tpu.memref_slice %arg8[%dma_start3A_565, %dma_start3A_566, %dma_start3A_567] : memref<4x256x128xbf16, #tpu.memory_space<vmem>> -> memref<1x256x128xbf16, #tpu.memory_space<vmem>>
      %dma_start3A_569 = tpu.memref_squeeze %dma_start3A_568 : memref<1x256x128xbf16, #tpu.memory_space<vmem>> -> memref<256x128xbf16, #tpu.memory_space<vmem>>
      %dma_start3A_570 = arith.constant 0 : i32
      %dma_start3A_571 = tpu.memref_slice %arg7[%dma_start3A_564, %dma_start3A_570] : memref<4x256xi32, #tpu.memory_space<vmem>> -> memref<1x256xi32, #tpu.memory_space<vmem>>
      %dma_start3A_572 = tpu.memref_squeeze %dma_start3A_571 : memref<1x256xi32, #tpu.memory_space<vmem>> -> memref<256xi32, #tpu.memory_space<vmem>>
      %dma_start3A_573 = arith.constant 0 : i32
      %dma_start3A_574 = arith.constant 0 : i32
      %dma_start3A_575 = tpu.memref_slice %arg2[%dma_start3A_573, %dma_start3A_574] : memref<10000x128xbf16, #tpu.memory_space<hbm>> -> memref<10000x128xbf16, #tpu.memory_space<hbm>>
      tpu.enqueue_indirect_dma source(%dma_start3A_575 : memref<10000x128xbf16, #tpu.memory_space<hbm>>) target(%dma_start3A_569 : memref<256x128xbf16, #tpu.memory_space<vmem>>) offsets(%dma_start3A_572 : memref<256xi32, #tpu.memory_space<vmem>>) semaphore(%arg11 : memref<!tpu.dma_semaphore, #tpu.memory_space<semaphore_mem>>)
      %dma_start3A_576 = arith.constant 1 : i32
      %dma_start3A_577 = arith.constant 1 : i32
      %dma_start3A_578 = arith.constant 0 : i32
      %dma_start3A_579 = arith.constant 0 : i32
      %dma_start3A_580 = tpu.memref_slice %arg9[%dma_start3A_577, %dma_start3A_578, %dma_start3A_579] : memref<4x256x16xf32, #tpu.memory_space<vmem>> -> memref<1x256x16xf32, #tpu.memory_space<vmem>>
      %dma_start3A_581 = tpu.memref_squeeze %dma_start3A_580 : memref<1x256x16xf32, #tpu.memory_space<vmem>> -> memref<256x16xf32, #tpu.memory_space<vmem>>
      %dma_start3A_582 = arith.constant 0 : i32
      %dma_start3A_583 = tpu.memref_slice %arg7[%dma_start3A_576, %dma_start3A_582] : memref<4x256xi32, #tpu.memory_space<vmem>> -> memref<1x256xi32, #tpu.memory_space<vmem>>
      %dma_start3A_584 = tpu.memref_squeeze %dma_start3A_583 : memref<1x256xi32, #tpu.memory_space<vmem>> -> memref<256xi32, #tpu.memory_space<vmem>>
      %dma_start3A_585 = arith.constant 0 : i32
      %dma_start3A_586 = arith.constant 0 : i32
      %dma_start3A_587 = tpu.memref_slice %arg3[%dma_start3A_585, %dma_start3A_586] : memref<10000x16xf32, #tpu.memory_space<hbm>> -> memref<10000x16xf32, #tpu.memory_space<hbm>>
      tpu.enqueue_indirect_dma source(%dma_start3A_587 : memref<10000x16xf32, #tpu.memory_space<hbm>>) target(%dma_start3A_581 : memref<256x16xf32, #tpu.memory_space<vmem>>) offsets(%dma_start3A_584 : memref<256xi32, #tpu.memory_space<vmem>>) semaphore(%arg15 : memref<!tpu.dma_semaphore, #tpu.memory_space<semaphore_mem>>)
      %mul3A_588 = arith.constant 4 : i32
      %mul3A_589 = arith.muli %scan3A_225, %mul3A_588 : i32
      %add3A_590 = arith.constant 2 : i32
      %add3A_591 = arith.addi %mul3A_589, %add3A_590 : i32
      %mul3A_592 = arith.constant 256 : i32
      %mul3A_593 = arith.muli %add3A_591, %mul3A_592 : i32
      %add3A_594 = arith.addi %mul3A_2, %mul3A_593 : i32
      %dma_wait3A_595 = arith.constant 2 : i32
      %dma_wait3A_596 = arith.constant 0 : i32
      %dma_wait3A_597 = arith.constant 0 : i32
      %dma_wait3A_598 = tpu.memref_slice %arg8[%dma_wait3A_595, %dma_wait3A_596, %dma_wait3A_597] : memref<4x256x128xbf16, #tpu.memory_space<vmem>> -> memref<1x256x128xbf16, #tpu.memory_space<vmem>>
      %dma_wait3A_599 = tpu.memref_squeeze %dma_wait3A_598 : memref<1x256x128xbf16, #tpu.memory_space<vmem>> -> memref<256x128xbf16, #tpu.memory_space<vmem>>
      %dma_wait3A_600 = arith.constant 0 : i32
      %dma_wait3A_601 = tpu.memref_slice %arg5[%add3A_594, %dma_wait3A_600] : memref<327680x128xbf16, #tpu.memory_space<hbm>> -> memref<256x128xbf16, #tpu.memory_space<hbm>>
      %dma_wait3A_602 = arith.constant 0 : i32
      %dma_wait3A_603 = tpu.memref_slice %arg5[%add3A_594, %dma_wait3A_602] : memref<327680x128xbf16, #tpu.memory_space<hbm>> -> memref<256x128xbf16, #tpu.memory_space<hbm>>
      %dma_wait3A_604 = arith.constant 0 : i32
      %dma_wait3A_605 = arith.constant 0 : i32
      %dma_wait3A_606 = tpu.memref_slice %arg8[%dma_wait3A_595, %dma_wait3A_604, %dma_wait3A_605] : memref<4x256x128xbf16, #tpu.memory_space<vmem>> -> memref<1x256x128xbf16, #tpu.memory_space<vmem>>
      %dma_wait3A_607 = tpu.memref_squeeze %dma_wait3A_606 : memref<1x256x128xbf16, #tpu.memory_space<vmem>> -> memref<256x128xbf16, #tpu.memory_space<vmem>>
      tpu.wait_dma2 semaphore(%arg20 : memref<!tpu.dma_semaphore, #tpu.memory_space<semaphore_mem>>) src(%dma_wait3A_607 : memref<256x128xbf16, #tpu.memory_space<vmem>>) dst(%dma_wait3A_603 : memref<256x128xbf16, #tpu.memory_space<hbm>>)
      %dma_wait3A_608 = arith.constant 2 : i32
      %dma_wait3A_609 = arith.constant 0 : i32
      %dma_wait3A_610 = arith.constant 0 : i32
      %dma_wait3A_611 = tpu.memref_slice %arg9[%dma_wait3A_608, %dma_wait3A_609, %dma_wait3A_610] : memref<4x256x16xf32, #tpu.memory_space<vmem>> -> memref<1x256x16xf32, #tpu.memory_space<vmem>>
      %dma_wait3A_612 = tpu.memref_squeeze %dma_wait3A_611 : memref<1x256x16xf32, #tpu.memory_space<vmem>> -> memref<256x16xf32, #tpu.memory_space<vmem>>
      %dma_wait3A_613 = arith.constant 0 : i32
      %dma_wait3A_614 = tpu.memref_slice %arg6[%add3A_594, %dma_wait3A_613] : memref<327680x16xf32, #tpu.memory_space<hbm>> -> memref<256x16xf32, #tpu.memory_space<hbm>>
      %dma_wait3A_615 = arith.constant 0 : i32
      %dma_wait3A_616 = tpu.memref_slice %arg6[%add3A_594, %dma_wait3A_615] : memref<327680x16xf32, #tpu.memory_space<hbm>> -> memref<256x16xf32, #tpu.memory_space<hbm>>
      %dma_wait3A_617 = arith.constant 0 : i32
      %dma_wait3A_618 = arith.constant 0 : i32
      %dma_wait3A_619 = tpu.memref_slice %arg9[%dma_wait3A_608, %dma_wait3A_617, %dma_wait3A_618] : memref<4x256x16xf32, #tpu.memory_space<vmem>> -> memref<1x256x16xf32, #tpu.memory_space<vmem>>
      %dma_wait3A_620 = tpu.memref_squeeze %dma_wait3A_619 : memref<1x256x16xf32, #tpu.memory_space<vmem>> -> memref<256x16xf32, #tpu.memory_space<vmem>>
      tpu.wait_dma2 semaphore(%arg24 : memref<!tpu.dma_semaphore, #tpu.memory_space<semaphore_mem>>) src(%dma_wait3A_620 : memref<256x16xf32, #tpu.memory_space<vmem>>) dst(%dma_wait3A_616 : memref<256x16xf32, #tpu.memory_space<hbm>>)
      %add3A_621 = arith.constant 1 : i32
      %add3A_622 = arith.addi %scan3A_225, %add3A_621 : i32
      %mul3A_623 = arith.constant 4 : i32
      %mul3A_624 = arith.muli %add3A_622, %mul3A_623 : i32
      %add3A_625 = arith.constant 2 : i32
      %add3A_626 = arith.addi %mul3A_624, %add3A_625 : i32
      %mul3A_627 = arith.constant 256 : i32
      %mul3A_628 = arith.muli %add3A_626, %mul3A_627 : i32
      %add3A_629 = arith.addi %mul3A_2, %mul3A_628 : i32
      %run_scoped3A_630 = arith.constant 2 : i32
      "tpu.region"() ({
        %run_scoped3A_722 = tpu.sem_alloc : memref<!tpu.dma_semaphore, #tpu.memory_space<semaphore_mem>>
        %dma_start3A_723 = arith.constant 0 : i32
        %dma_start3A_724 = tpu.memref_slice %arg7[%run_scoped3A_630, %dma_start3A_723] : memref<4x256xi32, #tpu.memory_space<vmem>> -> memref<1x256xi32, #tpu.memory_space<vmem>>
        %dma_start3A_725 = tpu.memref_squeeze %dma_start3A_724 : memref<1x256xi32, #tpu.memory_space<vmem>> -> memref<256xi32, #tpu.memory_space<vmem>>
        %dma_start3A_726 = tpu.memref_slice %arg4[%add3A_629] : memref<327680xi32, #tpu.memory_space<hbm>> -> memref<256xi32, #tpu.memory_space<hbm>>
        %dma_start3A_727 = arith.constant 0 : i32
        %dma_start3A_728 = tpu.memref_slice %arg7[%run_scoped3A_630, %dma_start3A_727] : memref<4x256xi32, #tpu.memory_space<vmem>> -> memref<1x256xi32, #tpu.memory_space<vmem>>
        %dma_start3A_729 = tpu.memref_squeeze %dma_start3A_728 : memref<1x256xi32, #tpu.memory_space<vmem>> -> memref<256xi32, #tpu.memory_space<vmem>>
        %dma_start3A_730 = tpu.memref_slice %arg4[%add3A_629] : memref<327680xi32, #tpu.memory_space<hbm>> -> memref<256xi32, #tpu.memory_space<hbm>>
        tpu.enqueue_dma source(%dma_start3A_730 : memref<256xi32, #tpu.memory_space<hbm>>) target(%dma_start3A_729 : memref<256xi32, #tpu.memory_space<vmem>>) target_semaphore(%run_scoped3A_722 : memref<!tpu.dma_semaphore, #tpu.memory_space<semaphore_mem>>)
        %dma_wait3A_731 = arith.constant 0 : i32
        %dma_wait3A_732 = tpu.memref_slice %arg7[%run_scoped3A_630, %dma_wait3A_731] : memref<4x256xi32, #tpu.memory_space<vmem>> -> memref<1x256xi32, #tpu.memory_space<vmem>>
        %dma_wait3A_733 = tpu.memref_squeeze %dma_wait3A_732 : memref<1x256xi32, #tpu.memory_space<vmem>> -> memref<256xi32, #tpu.memory_space<vmem>>
        %dma_wait3A_734 = tpu.memref_slice %arg4[%add3A_629] : memref<327680xi32, #tpu.memory_space<hbm>> -> memref<256xi32, #tpu.memory_space<hbm>>
        %dma_wait3A_735 = arith.constant 0 : i32
        %dma_wait3A_736 = tpu.memref_slice %arg7[%run_scoped3A_630, %dma_wait3A_735] : memref<4x256xi32, #tpu.memory_space<vmem>> -> memref<1x256xi32, #tpu.memory_space<vmem>>
        %dma_wait3A_737 = tpu.memref_squeeze %dma_wait3A_736 : memref<1x256xi32, #tpu.memory_space<vmem>> -> memref<256xi32, #tpu.memory_space<vmem>>
        %dma_wait3A_738 = tpu.memref_slice %arg4[%add3A_629] : memref<327680xi32, #tpu.memory_space<hbm>> -> memref<256xi32, #tpu.memory_space<hbm>>
        tpu.wait_dma2 semaphore(%run_scoped3A_722 : memref<!tpu.dma_semaphore, #tpu.memory_space<semaphore_mem>>) src(%dma_wait3A_738 : memref<256xi32, #tpu.memory_space<hbm>>) dst(%dma_wait3A_737 : memref<256xi32, #tpu.memory_space<vmem>>)
        tpu.yield
      }) : () -> ()
      %dma_start3A_631 = arith.constant 2 : i32
      %dma_start3A_632 = arith.constant 2 : i32
      %dma_start3A_633 = arith.constant 0 : i32
      %dma_start3A_634 = arith.constant 0 : i32
      %dma_start3A_635 = tpu.memref_slice %arg8[%dma_start3A_632, %dma_start3A_633, %dma_start3A_634] : memref<4x256x128xbf16, #tpu.memory_space<vmem>> -> memref<1x256x128xbf16, #tpu.memory_space<vmem>>
      %dma_start3A_636 = tpu.memref_squeeze %dma_start3A_635 : memref<1x256x128xbf16, #tpu.memory_space<vmem>> -> memref<256x128xbf16, #tpu.memory_space<vmem>>
      %dma_start3A_637 = arith.constant 0 : i32
      %dma_start3A_638 = tpu.memref_slice %arg7[%dma_start3A_631, %dma_start3A_637] : memref<4x256xi32, #tpu.memory_space<vmem>> -> memref<1x256xi32, #tpu.memory_space<vmem>>
      %dma_start3A_639 = tpu.memref_squeeze %dma_start3A_638 : memref<1x256xi32, #tpu.memory_space<vmem>> -> memref<256xi32, #tpu.memory_space<vmem>>
      %dma_start3A_640 = arith.constant 0 : i32
      %dma_start3A_641 = arith.constant 0 : i32
      %dma_start3A_642 = tpu.memref_slice %arg2[%dma_start3A_640, %dma_start3A_641] : memref<10000x128xbf16, #tpu.memory_space<hbm>> -> memref<10000x128xbf16, #tpu.memory_space<hbm>>
      tpu.enqueue_indirect_dma source(%dma_start3A_642 : memref<10000x128xbf16, #tpu.memory_space<hbm>>) target(%dma_start3A_636 : memref<256x128xbf16, #tpu.memory_space<vmem>>) offsets(%dma_start3A_639 : memref<256xi32, #tpu.memory_space<vmem>>) semaphore(%arg12 : memref<!tpu.dma_semaphore, #tpu.memory_space<semaphore_mem>>)
      %dma_start3A_643 = arith.constant 2 : i32
      %dma_start3A_644 = arith.constant 2 : i32
      %dma_start3A_645 = arith.constant 0 : i32
      %dma_start3A_646 = arith.constant 0 : i32
      %dma_start3A_647 = tpu.memref_slice %arg9[%dma_start3A_644, %dma_start3A_645, %dma_start3A_646] : memref<4x256x16xf32, #tpu.memory_space<vmem>> -> memref<1x256x16xf32, #tpu.memory_space<vmem>>
      %dma_start3A_648 = tpu.memref_squeeze %dma_start3A_647 : memref<1x256x16xf32, #tpu.memory_space<vmem>> -> memref<256x16xf32, #tpu.memory_space<vmem>>
      %dma_start3A_649 = arith.constant 0 : i32
      %dma_start3A_650 = tpu.memref_slice %arg7[%dma_start3A_643, %dma_start3A_649] : memref<4x256xi32, #tpu.memory_space<vmem>> -> memref<1x256xi32, #tpu.memory_space<vmem>>
      %dma_start3A_651 = tpu.memref_squeeze %dma_start3A_650 : memref<1x256xi32, #tpu.memory_space<vmem>> -> memref<256xi32, #tpu.memory_space<vmem>>
      %dma_start3A_652 = arith.constant 0 : i32
      %dma_start3A_653 = arith.constant 0 : i32
      %dma_start3A_654 = tpu.memref_slice %arg3[%dma_start3A_652, %dma_start3A_653] : memref<10000x16xf32, #tpu.memory_space<hbm>> -> memref<10000x16xf32, #tpu.memory_space<hbm>>
      tpu.enqueue_indirect_dma source(%dma_start3A_654 : memref<10000x16xf32, #tpu.memory_space<hbm>>) target(%dma_start3A_648 : memref<256x16xf32, #tpu.memory_space<vmem>>) offsets(%dma_start3A_651 : memref<256xi32, #tpu.memory_space<vmem>>) semaphore(%arg16 : memref<!tpu.dma_semaphore, #tpu.memory_space<semaphore_mem>>)
      %mul3A_655 = arith.constant 4 : i32
      %mul3A_656 = arith.muli %scan3A_225, %mul3A_655 : i32
      %add3A_657 = arith.constant 3 : i32
      %add3A_658 = arith.addi %mul3A_656, %add3A_657 : i32
      %mul3A_659 = arith.constant 256 : i32
      %mul3A_660 = arith.muli %add3A_658, %mul3A_659 : i32
      %add3A_661 = arith.addi %mul3A_2, %mul3A_660 : i32
      %dma_wait3A_662 = arith.constant 3 : i32
      %dma_wait3A_663 = arith.constant 0 : i32
      %dma_wait3A_664 = arith.constant 0 : i32
      %dma_wait3A_665 = tpu.memref_slice %arg8[%dma_wait3A_662, %dma_wait3A_663, %dma_wait3A_664] : memref<4x256x128xbf16, #tpu.memory_space<vmem>> -> memref<1x256x128xbf16, #tpu.memory_space<vmem>>
      %dma_wait3A_666 = tpu.memref_squeeze %dma_wait3A_665 : memref<1x256x128xbf16, #tpu.memory_space<vmem>> -> memref<256x128xbf16, #tpu.memory_space<vmem>>
      %dma_wait3A_667 = arith.constant 0 : i32
      %dma_wait3A_668 = tpu.memref_slice %arg5[%add3A_661, %dma_wait3A_667] : memref<327680x128xbf16, #tpu.memory_space<hbm>> -> memref<256x128xbf16, #tpu.memory_space<hbm>>
      %dma_wait3A_669 = arith.constant 0 : i32
      %dma_wait3A_670 = tpu.memref_slice %arg5[%add3A_661, %dma_wait3A_669] : memref<327680x128xbf16, #tpu.memory_space<hbm>> -> memref<256x128xbf16, #tpu.memory_space<hbm>>
      %dma_wait3A_671 = arith.constant 0 : i32
      %dma_wait3A_672 = arith.constant 0 : i32
      %dma_wait3A_673 = tpu.memref_slice %arg8[%dma_wait3A_662, %dma_wait3A_671, %dma_wait3A_672] : memref<4x256x128xbf16, #tpu.memory_space<vmem>> -> memref<1x256x128xbf16, #tpu.memory_space<vmem>>
      %dma_wait3A_674 = tpu.memref_squeeze %dma_wait3A_673 : memref<1x256x128xbf16, #tpu.memory_space<vmem>> -> memref<256x128xbf16, #tpu.memory_space<vmem>>
      tpu.wait_dma2 semaphore(%arg21 : memref<!tpu.dma_semaphore, #tpu.memory_space<semaphore_mem>>) src(%dma_wait3A_674 : memref<256x128xbf16, #tpu.memory_space<vmem>>) dst(%dma_wait3A_670 : memref<256x128xbf16, #tpu.memory_space<hbm>>)
      %dma_wait3A_675 = arith.constant 3 : i32
      %dma_wait3A_676 = arith.constant 0 : i32
      %dma_wait3A_677 = arith.constant 0 : i32
      %dma_wait3A_678 = tpu.memref_slice %arg9[%dma_wait3A_675, %dma_wait3A_676, %dma_wait3A_677] : memref<4x256x16xf32, #tpu.memory_space<vmem>> -> memref<1x256x16xf32, #tpu.memory_space<vmem>>
      %dma_wait3A_679 = tpu.memref_squeeze %dma_wait3A_678 : memref<1x256x16xf32, #tpu.memory_space<vmem>> -> memref<256x16xf32, #tpu.memory_space<vmem>>
      %dma_wait3A_680 = arith.constant 0 : i32
      %dma_wait3A_681 = tpu.memref_slice %arg6[%add3A_661, %dma_wait3A_680] : memref<327680x16xf32, #tpu.memory_space<hbm>> -> memref<256x16xf32, #tpu.memory_space<hbm>>
      %dma_wait3A_682 = arith.constant 0 : i32
      %dma_wait3A_683 = tpu.memref_slice %arg6[%add3A_661, %dma_wait3A_682] : memref<327680x16xf32, #tpu.memory_space<hbm>> -> memref<256x16xf32, #tpu.memory_space<hbm>>
      %dma_wait3A_684 = arith.constant 0 : i32
      %dma_wait3A_685 = arith.constant 0 : i32
      %dma_wait3A_686 = tpu.memref_slice %arg9[%dma_wait3A_675, %dma_wait3A_684, %dma_wait3A_685] : memref<4x256x16xf32, #tpu.memory_space<vmem>> -> memref<1x256x16xf32, #tpu.memory_space<vmem>>
      %dma_wait3A_687 = tpu.memref_squeeze %dma_wait3A_686 : memref<1x256x16xf32, #tpu.memory_space<vmem>> -> memref<256x16xf32, #tpu.memory_space<vmem>>
      tpu.wait_dma2 semaphore(%arg25 : memref<!tpu.dma_semaphore, #tpu.memory_space<semaphore_mem>>) src(%dma_wait3A_687 : memref<256x16xf32, #tpu.memory_space<vmem>>) dst(%dma_wait3A_683 : memref<256x16xf32, #tpu.memory_space<hbm>>)
      %add3A_688 = arith.constant 1 : i32
      %add3A_689 = arith.addi %scan3A_225, %add3A_688 : i32
      %mul3A_690 = arith.constant 4 : i32
      %mul3A_691 = arith.muli %add3A_689, %mul3A_690 : i32
      %add3A_692 = arith.constant 3 : i32
      %add3A_693 = arith.addi %mul3A_691, %add3A_692 : i32
      %mul3A_694 = arith.constant 256 : i32
      %mul3A_695 = arith.muli %add3A_693, %mul3A_694 : i32
      %add3A_696 = arith.addi %mul3A_2, %mul3A_695 : i32
      %run_scoped3A_697 = arith.constant 3 : i32
      "tpu.region"() ({
        %run_scoped3A_722 = tpu.sem_alloc : memref<!tpu.dma_semaphore, #tpu.memory_space<semaphore_mem>>
        %dma_start3A_723 = arith.constant 0 : i32
        %dma_start3A_724 = tpu.memref_slice %arg7[%run_scoped3A_697, %dma_start3A_723] : memref<4x256xi32, #tpu.memory_space<vmem>> -> memref<1x256xi32, #tpu.memory_space<vmem>>
        %dma_start3A_725 = tpu.memref_squeeze %dma_start3A_724 : memref<1x256xi32, #tpu.memory_space<vmem>> -> memref<256xi32, #tpu.memory_space<vmem>>
        %dma_start3A_726 = tpu.memref_slice %arg4[%add3A_696] : memref<327680xi32, #tpu.memory_space<hbm>> -> memref<256xi32, #tpu.memory_space<hbm>>
        %dma_start3A_727 = arith.constant 0 : i32
        %dma_start3A_728 = tpu.memref_slice %arg7[%run_scoped3A_697, %dma_start3A_727] : memref<4x256xi32, #tpu.memory_space<vmem>> -> memref<1x256xi32, #tpu.memory_space<vmem>>
        %dma_start3A_729 = tpu.memref_squeeze %dma_start3A_728 : memref<1x256xi32, #tpu.memory_space<vmem>> -> memref<256xi32, #tpu.memory_space<vmem>>
        %dma_start3A_730 = tpu.memref_slice %arg4[%add3A_696] : memref<327680xi32, #tpu.memory_space<hbm>> -> memref<256xi32, #tpu.memory_space<hbm>>
        tpu.enqueue_dma source(%dma_start3A_730 : memref<256xi32, #tpu.memory_space<hbm>>) target(%dma_start3A_729 : memref<256xi32, #tpu.memory_space<vmem>>) target_semaphore(%run_scoped3A_722 : memref<!tpu.dma_semaphore, #tpu.memory_space<semaphore_mem>>)
        %dma_wait3A_731 = arith.constant 0 : i32
        %dma_wait3A_732 = tpu.memref_slice %arg7[%run_scoped3A_697, %dma_wait3A_731] : memref<4x256xi32, #tpu.memory_space<vmem>> -> memref<1x256xi32, #tpu.memory_space<vmem>>
        %dma_wait3A_733 = tpu.memref_squeeze %dma_wait3A_732 : memref<1x256xi32, #tpu.memory_space<vmem>> -> memref<256xi32, #tpu.memory_space<vmem>>
        %dma_wait3A_734 = tpu.memref_slice %arg4[%add3A_696] : memref<327680xi32, #tpu.memory_space<hbm>> -> memref<256xi32, #tpu.memory_space<hbm>>
        %dma_wait3A_735 = arith.constant 0 : i32
        %dma_wait3A_736 = tpu.memref_slice %arg7[%run_scoped3A_697, %dma_wait3A_735] : memref<4x256xi32, #tpu.memory_space<vmem>> -> memref<1x256xi32, #tpu.memory_space<vmem>>
        %dma_wait3A_737 = tpu.memref_squeeze %dma_wait3A_736 : memref<1x256xi32, #tpu.memory_space<vmem>> -> memref<256xi32, #tpu.memory_space<vmem>>
        %dma_wait3A_738 = tpu.memref_slice %arg4[%add3A_696] : memref<327680xi32, #tpu.memory_space<hbm>> -> memref<256xi32, #tpu.memory_space<hbm>>
        tpu.wait_dma2 semaphore(%run_scoped3A_722 : memref<!tpu.dma_semaphore, #tpu.memory_space<semaphore_mem>>) src(%dma_wait3A_738 : memref<256xi32, #tpu.memory_space<hbm>>) dst(%dma_wait3A_737 : memref<256xi32, #tpu.memory_space<vmem>>)
        tpu.yield
      }) : () -> ()
      %dma_start3A_698 = arith.constant 3 : i32
      %dma_start3A_699 = arith.constant 3 : i32
      %dma_start3A_700 = arith.constant 0 : i32
      %dma_start3A_701 = arith.constant 0 : i32
      %dma_start3A_702 = tpu.memref_slice %arg8[%dma_start3A_699, %dma_start3A_700, %dma_start3A_701] : memref<4x256x128xbf16, #tpu.memory_space<vmem>> -> memref<1x256x128xbf16, #tpu.memory_space<vmem>>
      %dma_start3A_703 = tpu.memref_squeeze %dma_start3A_702 : memref<1x256x128xbf16, #tpu.memory_space<vmem>> -> memref<256x128xbf16, #tpu.memory_space<vmem>>
      %dma_start3A_704 = arith.constant 0 : i32
      %dma_start3A_705 = tpu.memref_slice %arg7[%dma_start3A_698, %dma_start3A_704] : memref<4x256xi32, #tpu.memory_space<vmem>> -> memref<1x256xi32, #tpu.memory_space<vmem>>
      %dma_start3A_706 = tpu.memref_squeeze %dma_start3A_705 : memref<1x256xi32, #tpu.memory_space<vmem>> -> memref<256xi32, #tpu.memory_space<vmem>>
      %dma_start3A_707 = arith.constant 0 : i32
      %dma_start3A_708 = arith.constant 0 : i32
      %dma_start3A_709 = tpu.memref_slice %arg2[%dma_start3A_707, %dma_start3A_708] : memref<10000x128xbf16, #tpu.memory_space<hbm>> -> memref<10000x128xbf16, #tpu.memory_space<hbm>>
      tpu.enqueue_indirect_dma source(%dma_start3A_709 : memref<10000x128xbf16, #tpu.memory_space<hbm>>) target(%dma_start3A_703 : memref<256x128xbf16, #tpu.memory_space<vmem>>) offsets(%dma_start3A_706 : memref<256xi32, #tpu.memory_space<vmem>>) semaphore(%arg13 : memref<!tpu.dma_semaphore, #tpu.memory_space<semaphore_mem>>)
      %dma_start3A_710 = arith.constant 3 : i32
      %dma_start3A_711 = arith.constant 3 : i32
      %dma_start3A_712 = arith.constant 0 : i32
      %dma_start3A_713 = arith.constant 0 : i32
      %dma_start3A_714 = tpu.memref_slice %arg9[%dma_start3A_711, %dma_start3A_712, %dma_start3A_713] : memref<4x256x16xf32, #tpu.memory_space<vmem>> -> memref<1x256x16xf32, #tpu.memory_space<vmem>>
      %dma_start3A_715 = tpu.memref_squeeze %dma_start3A_714 : memref<1x256x16xf32, #tpu.memory_space<vmem>> -> memref<256x16xf32, #tpu.memory_space<vmem>>
      %dma_start3A_716 = arith.constant 0 : i32
      %dma_start3A_717 = tpu.memref_slice %arg7[%dma_start3A_710, %dma_start3A_716] : memref<4x256xi32, #tpu.memory_space<vmem>> -> memref<1x256xi32, #tpu.memory_space<vmem>>
      %dma_start3A_718 = tpu.memref_squeeze %dma_start3A_717 : memref<1x256xi32, #tpu.memory_space<vmem>> -> memref<256xi32, #tpu.memory_space<vmem>>
      %dma_start3A_719 = arith.constant 0 : i32
      %dma_start3A_720 = arith.constant 0 : i32
      %dma_start3A_721 = tpu.memref_slice %arg3[%dma_start3A_719, %dma_start3A_720] : memref<10000x16xf32, #tpu.memory_space<hbm>> -> memref<10000x16xf32, #tpu.memory_space<hbm>>
      tpu.enqueue_indirect_dma source(%dma_start3A_721 : memref<10000x16xf32, #tpu.memory_space<hbm>>) target(%dma_start3A_715 : memref<256x16xf32, #tpu.memory_space<vmem>>) offsets(%dma_start3A_718 : memref<256xi32, #tpu.memory_space<vmem>>) semaphore(%arg17 : memref<!tpu.dma_semaphore, #tpu.memory_space<semaphore_mem>>)
    }
    %scan3A_113 = arith.constant 9 : i32
    %add3A_114 = arith.constant 9216 : i32
    %add3A_115 = arith.addi %mul3A_2, %add3A_114 : i32
    %dma_wait3A = arith.constant 0 : i32
    %dma_wait3A_116 = arith.constant 0 : i32
    %dma_wait3A_117 = arith.constant 0 : i32
    %dma_wait3A_118 = arith.constant 0 : i32
    %dma_wait3A_119 = tpu.memref_slice %arg8[%dma_wait3A_116, %dma_wait3A_117, %dma_wait3A_118] : memref<4x256x128xbf16, #tpu.memory_space<vmem>> -> memref<1x256x128xbf16, #tpu.memory_space<vmem>>
    %dma_wait3A_120 = tpu.memref_squeeze %dma_wait3A_119 : memref<1x256x128xbf16, #tpu.memory_space<vmem>> -> memref<256x128xbf16, #tpu.memory_space<vmem>>
    %dma_wait3A_121 = arith.constant 0 : i32
    %dma_wait3A_122 = tpu.memref_slice %arg7[%dma_wait3A, %dma_wait3A_121] : memref<4x256xi32, #tpu.memory_space<vmem>> -> memref<1x256xi32, #tpu.memory_space<vmem>>
    %dma_wait3A_123 = tpu.memref_squeeze %dma_wait3A_122 : memref<1x256xi32, #tpu.memory_space<vmem>> -> memref<256xi32, #tpu.memory_space<vmem>>
    %dma_wait3A_124 = arith.constant 0 : i32
    %dma_wait3A_125 = arith.constant 0 : i32
    %dma_wait3A_126 = tpu.memref_slice %arg2[%dma_wait3A_124, %dma_wait3A_125] : memref<10000x128xbf16, #tpu.memory_space<hbm>> -> memref<10000x128xbf16, #tpu.memory_space<hbm>>
    tpu.wait_indirect_dma semaphore(%arg10 : memref<!tpu.dma_semaphore, #tpu.memory_space<semaphore_mem>>) src(%dma_wait3A_126 : memref<10000x128xbf16, #tpu.memory_space<hbm>>) dst(%dma_wait3A_120 : memref<256x128xbf16, #tpu.memory_space<vmem>>)
    %dma_wait3A_127 = arith.constant 0 : i32
    %dma_wait3A_128 = arith.constant 0 : i32
    %dma_wait3A_129 = arith.constant 0 : i32
    %dma_wait3A_130 = arith.constant 0 : i32
    %dma_wait3A_131 = tpu.memref_slice %arg9[%dma_wait3A_128, %dma_wait3A_129, %dma_wait3A_130] : memref<4x256x16xf32, #tpu.memory_space<vmem>> -> memref<1x256x16xf32, #tpu.memory_space<vmem>>
    %dma_wait3A_132 = tpu.memref_squeeze %dma_wait3A_131 : memref<1x256x16xf32, #tpu.memory_space<vmem>> -> memref<256x16xf32, #tpu.memory_space<vmem>>
    %dma_wait3A_133 = arith.constant 0 : i32
    %dma_wait3A_134 = tpu.memref_slice %arg7[%dma_wait3A_127, %dma_wait3A_133] : memref<4x256xi32, #tpu.memory_space<vmem>> -> memref<1x256xi32, #tpu.memory_space<vmem>>
    %dma_wait3A_135 = tpu.memref_squeeze %dma_wait3A_134 : memref<1x256xi32, #tpu.memory_space<vmem>> -> memref<256xi32, #tpu.memory_space<vmem>>
    %dma_wait3A_136 = arith.constant 0 : i32
    %dma_wait3A_137 = arith.constant 0 : i32
    %dma_wait3A_138 = tpu.memref_slice %arg3[%dma_wait3A_136, %dma_wait3A_137] : memref<10000x16xf32, #tpu.memory_space<hbm>> -> memref<10000x16xf32, #tpu.memory_space<hbm>>
    tpu.wait_indirect_dma semaphore(%arg14 : memref<!tpu.dma_semaphore, #tpu.memory_space<semaphore_mem>>) src(%dma_wait3A_138 : memref<10000x16xf32, #tpu.memory_space<hbm>>) dst(%dma_wait3A_132 : memref<256x16xf32, #tpu.memory_space<vmem>>)
    %run_scoped3A_139 = arith.constant 0 : i32
    "tpu.region"() ({
      %run_scoped3A_225 = tpu.sem_alloc : memref<!tpu.dma_semaphore, #tpu.memory_space<semaphore_mem>>
      %dma_start3A_226 = arith.constant 0 : i32
      %dma_start3A_227 = arith.constant 0 : i32
      %dma_start3A_228 = tpu.memref_slice %arg8[%run_scoped3A_139, %dma_start3A_226, %dma_start3A_227] : memref<4x256x128xbf16, #tpu.memory_space<vmem>> -> memref<1x256x128xbf16, #tpu.memory_space<vmem>>
      %dma_start3A_229 = tpu.memref_squeeze %dma_start3A_228 : memref<1x256x128xbf16, #tpu.memory_space<vmem>> -> memref<256x128xbf16, #tpu.memory_space<vmem>>
      %dma_start3A_230 = arith.constant 0 : i32
      %dma_start3A_231 = tpu.memref_slice %arg5[%add3A_115, %dma_start3A_230] : memref<327680x128xbf16, #tpu.memory_space<hbm>> -> memref<256x128xbf16, #tpu.memory_space<hbm>>
      %dma_start3A_232 = arith.constant 0 : i32
      %dma_start3A_233 = tpu.memref_slice %arg5[%add3A_115, %dma_start3A_232] : memref<327680x128xbf16, #tpu.memory_space<hbm>> -> memref<256x128xbf16, #tpu.memory_space<hbm>>
      %dma_start3A_234 = arith.constant 0 : i32
      %dma_start3A_235 = arith.constant 0 : i32
      %dma_start3A_236 = tpu.memref_slice %arg8[%run_scoped3A_139, %dma_start3A_234, %dma_start3A_235] : memref<4x256x128xbf16, #tpu.memory_space<vmem>> -> memref<1x256x128xbf16, #tpu.memory_space<vmem>>
      %dma_start3A_237 = tpu.memref_squeeze %dma_start3A_236 : memref<1x256x128xbf16, #tpu.memory_space<vmem>> -> memref<256x128xbf16, #tpu.memory_space<vmem>>
      tpu.enqueue_dma source(%dma_start3A_237 : memref<256x128xbf16, #tpu.memory_space<vmem>>) target(%dma_start3A_233 : memref<256x128xbf16, #tpu.memory_space<hbm>>) target_semaphore(%run_scoped3A_225 : memref<!tpu.dma_semaphore, #tpu.memory_space<semaphore_mem>>)
      %dma_wait3A_238 = arith.constant 0 : i32
      %dma_wait3A_239 = arith.constant 0 : i32
      %dma_wait3A_240 = tpu.memref_slice %arg8[%run_scoped3A_139, %dma_wait3A_238, %dma_wait3A_239] : memref<4x256x128xbf16, #tpu.memory_space<vmem>> -> memref<1x256x128xbf16, #tpu.memory_space<vmem>>
      %dma_wait3A_241 = tpu.memref_squeeze %dma_wait3A_240 : memref<1x256x128xbf16, #tpu.memory_space<vmem>> -> memref<256x128xbf16, #tpu.memory_space<vmem>>
      %dma_wait3A_242 = arith.constant 0 : i32
      %dma_wait3A_243 = tpu.memref_slice %arg5[%add3A_115, %dma_wait3A_242] : memref<327680x128xbf16, #tpu.memory_space<hbm>> -> memref<256x128xbf16, #tpu.memory_space<hbm>>
      %dma_wait3A_244 = arith.constant 0 : i32
      %dma_wait3A_245 = tpu.memref_slice %arg5[%add3A_115, %dma_wait3A_244] : memref<327680x128xbf16, #tpu.memory_space<hbm>> -> memref<256x128xbf16, #tpu.memory_space<hbm>>
      %dma_wait3A_246 = arith.constant 0 : i32
      %dma_wait3A_247 = arith.constant 0 : i32
      %dma_wait3A_248 = tpu.memref_slice %arg8[%run_scoped3A_139, %dma_wait3A_246, %dma_wait3A_247] : memref<4x256x128xbf16, #tpu.memory_space<vmem>> -> memref<1x256x128xbf16, #tpu.memory_space<vmem>>
      %dma_wait3A_249 = tpu.memref_squeeze %dma_wait3A_248 : memref<1x256x128xbf16, #tpu.memory_space<vmem>> -> memref<256x128xbf16, #tpu.memory_space<vmem>>
      tpu.wait_dma2 semaphore(%run_scoped3A_225 : memref<!tpu.dma_semaphore, #tpu.memory_space<semaphore_mem>>) src(%dma_wait3A_249 : memref<256x128xbf16, #tpu.memory_space<vmem>>) dst(%dma_wait3A_245 : memref<256x128xbf16, #tpu.memory_space<hbm>>)
      tpu.yield
    }) : () -> ()
    %run_scoped3A_140 = arith.constant 0 : i32
    "tpu.region"() ({
      %run_scoped3A_225 = tpu.sem_alloc : memref<!tpu.dma_semaphore, #tpu.memory_space<semaphore_mem>>
      %dma_start3A_226 = arith.constant 0 : i32
      %dma_start3A_227 = arith.constant 0 : i32
      %dma_start3A_228 = tpu.memref_slice %arg9[%run_scoped3A_140, %dma_start3A_226, %dma_start3A_227] : memref<4x256x16xf32, #tpu.memory_space<vmem>> -> memref<1x256x16xf32, #tpu.memory_space<vmem>>
      %dma_start3A_229 = tpu.memref_squeeze %dma_start3A_228 : memref<1x256x16xf32, #tpu.memory_space<vmem>> -> memref<256x16xf32, #tpu.memory_space<vmem>>
      %dma_start3A_230 = arith.constant 0 : i32
      %dma_start3A_231 = tpu.memref_slice %arg6[%add3A_115, %dma_start3A_230] : memref<327680x16xf32, #tpu.memory_space<hbm>> -> memref<256x16xf32, #tpu.memory_space<hbm>>
      %dma_start3A_232 = arith.constant 0 : i32
      %dma_start3A_233 = tpu.memref_slice %arg6[%add3A_115, %dma_start3A_232] : memref<327680x16xf32, #tpu.memory_space<hbm>> -> memref<256x16xf32, #tpu.memory_space<hbm>>
      %dma_start3A_234 = arith.constant 0 : i32
      %dma_start3A_235 = arith.constant 0 : i32
      %dma_start3A_236 = tpu.memref_slice %arg9[%run_scoped3A_140, %dma_start3A_234, %dma_start3A_235] : memref<4x256x16xf32, #tpu.memory_space<vmem>> -> memref<1x256x16xf32, #tpu.memory_space<vmem>>
      %dma_start3A_237 = tpu.memref_squeeze %dma_start3A_236 : memref<1x256x16xf32, #tpu.memory_space<vmem>> -> memref<256x16xf32, #tpu.memory_space<vmem>>
      tpu.enqueue_dma source(%dma_start3A_237 : memref<256x16xf32, #tpu.memory_space<vmem>>) target(%dma_start3A_233 : memref<256x16xf32, #tpu.memory_space<hbm>>) target_semaphore(%run_scoped3A_225 : memref<!tpu.dma_semaphore, #tpu.memory_space<semaphore_mem>>)
      %dma_wait3A_238 = arith.constant 0 : i32
      %dma_wait3A_239 = arith.constant 0 : i32
      %dma_wait3A_240 = tpu.memref_slice %arg9[%run_scoped3A_140, %dma_wait3A_238, %dma_wait3A_239] : memref<4x256x16xf32, #tpu.memory_space<vmem>> -> memref<1x256x16xf32, #tpu.memory_space<vmem>>
      %dma_wait3A_241 = tpu.memref_squeeze %dma_wait3A_240 : memref<1x256x16xf32, #tpu.memory_space<vmem>> -> memref<256x16xf32, #tpu.memory_space<vmem>>
      %dma_wait3A_242 = arith.constant 0 : i32
      %dma_wait3A_243 = tpu.memref_slice %arg6[%add3A_115, %dma_wait3A_242] : memref<327680x16xf32, #tpu.memory_space<hbm>> -> memref<256x16xf32, #tpu.memory_space<hbm>>
      %dma_wait3A_244 = arith.constant 0 : i32
      %dma_wait3A_245 = tpu.memref_slice %arg6[%add3A_115, %dma_wait3A_244] : memref<327680x16xf32, #tpu.memory_space<hbm>> -> memref<256x16xf32, #tpu.memory_space<hbm>>
      %dma_wait3A_246 = arith.constant 0 : i32
      %dma_wait3A_247 = arith.constant 0 : i32
      %dma_wait3A_248 = tpu.memref_slice %arg9[%run_scoped3A_140, %dma_wait3A_246, %dma_wait3A_247] : memref<4x256x16xf32, #tpu.memory_space<vmem>> -> memref<1x256x16xf32, #tpu.memory_space<vmem>>
      %dma_wait3A_249 = tpu.memref_squeeze %dma_wait3A_248 : memref<1x256x16xf32, #tpu.memory_space<vmem>> -> memref<256x16xf32, #tpu.memory_space<vmem>>
      tpu.wait_dma2 semaphore(%run_scoped3A_225 : memref<!tpu.dma_semaphore, #tpu.memory_space<semaphore_mem>>) src(%dma_wait3A_249 : memref<256x16xf32, #tpu.memory_space<vmem>>) dst(%dma_wait3A_245 : memref<256x16xf32, #tpu.memory_space<hbm>>)
      tpu.yield
    }) : () -> ()
    %add3A_141 = arith.constant 9472 : i32
    %add3A_142 = arith.addi %mul3A_2, %add3A_141 : i32
    %dma_wait3A_143 = arith.constant 1 : i32
    %dma_wait3A_144 = arith.constant 1 : i32
    %dma_wait3A_145 = arith.constant 0 : i32
    %dma_wait3A_146 = arith.constant 0 : i32
    %dma_wait3A_147 = tpu.memref_slice %arg8[%dma_wait3A_144, %dma_wait3A_145, %dma_wait3A_146] : memref<4x256x128xbf16, #tpu.memory_space<vmem>> -> memref<1x256x128xbf16, #tpu.memory_space<vmem>>
    %dma_wait3A_148 = tpu.memref_squeeze %dma_wait3A_147 : memref<1x256x128xbf16, #tpu.memory_space<vmem>> -> memref<256x128xbf16, #tpu.memory_space<vmem>>
    %dma_wait3A_149 = arith.constant 0 : i32
    %dma_wait3A_150 = tpu.memref_slice %arg7[%dma_wait3A_143, %dma_wait3A_149] : memref<4x256xi32, #tpu.memory_space<vmem>> -> memref<1x256xi32, #tpu.memory_space<vmem>>
    %dma_wait3A_151 = tpu.memref_squeeze %dma_wait3A_150 : memref<1x256xi32, #tpu.memory_space<vmem>> -> memref<256xi32, #tpu.memory_space<vmem>>
    %dma_wait3A_152 = arith.constant 0 : i32
    %dma_wait3A_153 = arith.constant 0 : i32
    %dma_wait3A_154 = tpu.memref_slice %arg2[%dma_wait3A_152, %dma_wait3A_153] : memref<10000x128xbf16, #tpu.memory_space<hbm>> -> memref<10000x128xbf16, #tpu.memory_space<hbm>>
    tpu.wait_indirect_dma semaphore(%arg11 : memref<!tpu.dma_semaphore, #tpu.memory_space<semaphore_mem>>) src(%dma_wait3A_154 : memref<10000x128xbf16, #tpu.memory_space<hbm>>) dst(%dma_wait3A_148 : memref<256x128xbf16, #tpu.memory_space<vmem>>)
    %dma_wait3A_155 = arith.constant 1 : i32
    %dma_wait3A_156 = arith.constant 1 : i32
    %dma_wait3A_157 = arith.constant 0 : i32
    %dma_wait3A_158 = arith.constant 0 : i32
    %dma_wait3A_159 = tpu.memref_slice %arg9[%dma_wait3A_156, %dma_wait3A_157, %dma_wait3A_158] : memref<4x256x16xf32, #tpu.memory_space<vmem>> -> memref<1x256x16xf32, #tpu.memory_space<vmem>>
    %dma_wait3A_160 = tpu.memref_squeeze %dma_wait3A_159 : memref<1x256x16xf32, #tpu.memory_space<vmem>> -> memref<256x16xf32, #tpu.memory_space<vmem>>
    %dma_wait3A_161 = arith.constant 0 : i32
    %dma_wait3A_162 = tpu.memref_slice %arg7[%dma_wait3A_155, %dma_wait3A_161] : memref<4x256xi32, #tpu.memory_space<vmem>> -> memref<1x256xi32, #tpu.memory_space<vmem>>
    %dma_wait3A_163 = tpu.memref_squeeze %dma_wait3A_162 : memref<1x256xi32, #tpu.memory_space<vmem>> -> memref<256xi32, #tpu.memory_space<vmem>>
    %dma_wait3A_164 = arith.constant 0 : i32
    %dma_wait3A_165 = arith.constant 0 : i32
    %dma_wait3A_166 = tpu.memref_slice %arg3[%dma_wait3A_164, %dma_wait3A_165] : memref<10000x16xf32, #tpu.memory_space<hbm>> -> memref<10000x16xf32, #tpu.memory_space<hbm>>
    tpu.wait_indirect_dma semaphore(%arg15 : memref<!tpu.dma_semaphore, #tpu.memory_space<semaphore_mem>>) src(%dma_wait3A_166 : memref<10000x16xf32, #tpu.memory_space<hbm>>) dst(%dma_wait3A_160 : memref<256x16xf32, #tpu.memory_space<vmem>>)
    %run_scoped3A_167 = arith.constant 1 : i32
    "tpu.region"() ({
      %run_scoped3A_225 = tpu.sem_alloc : memref<!tpu.dma_semaphore, #tpu.memory_space<semaphore_mem>>
      %dma_start3A_226 = arith.constant 0 : i32
      %dma_start3A_227 = arith.constant 0 : i32
      %dma_start3A_228 = tpu.memref_slice %arg8[%run_scoped3A_167, %dma_start3A_226, %dma_start3A_227] : memref<4x256x128xbf16, #tpu.memory_space<vmem>> -> memref<1x256x128xbf16, #tpu.memory_space<vmem>>
      %dma_start3A_229 = tpu.memref_squeeze %dma_start3A_228 : memref<1x256x128xbf16, #tpu.memory_space<vmem>> -> memref<256x128xbf16, #tpu.memory_space<vmem>>
      %dma_start3A_230 = arith.constant 0 : i32
      %dma_start3A_231 = tpu.memref_slice %arg5[%add3A_142, %dma_start3A_230] : memref<327680x128xbf16, #tpu.memory_space<hbm>> -> memref<256x128xbf16, #tpu.memory_space<hbm>>
      %dma_start3A_232 = arith.constant 0 : i32
      %dma_start3A_233 = tpu.memref_slice %arg5[%add3A_142, %dma_start3A_232] : memref<327680x128xbf16, #tpu.memory_space<hbm>> -> memref<256x128xbf16, #tpu.memory_space<hbm>>
      %dma_start3A_234 = arith.constant 0 : i32
      %dma_start3A_235 = arith.constant 0 : i32
      %dma_start3A_236 = tpu.memref_slice %arg8[%run_scoped3A_167, %dma_start3A_234, %dma_start3A_235] : memref<4x256x128xbf16, #tpu.memory_space<vmem>> -> memref<1x256x128xbf16, #tpu.memory_space<vmem>>
      %dma_start3A_237 = tpu.memref_squeeze %dma_start3A_236 : memref<1x256x128xbf16, #tpu.memory_space<vmem>> -> memref<256x128xbf16, #tpu.memory_space<vmem>>
      tpu.enqueue_dma source(%dma_start3A_237 : memref<256x128xbf16, #tpu.memory_space<vmem>>) target(%dma_start3A_233 : memref<256x128xbf16, #tpu.memory_space<hbm>>) target_semaphore(%run_scoped3A_225 : memref<!tpu.dma_semaphore, #tpu.memory_space<semaphore_mem>>)
      %dma_wait3A_238 = arith.constant 0 : i32
      %dma_wait3A_239 = arith.constant 0 : i32
      %dma_wait3A_240 = tpu.memref_slice %arg8[%run_scoped3A_167, %dma_wait3A_238, %dma_wait3A_239] : memref<4x256x128xbf16, #tpu.memory_space<vmem>> -> memref<1x256x128xbf16, #tpu.memory_space<vmem>>
      %dma_wait3A_241 = tpu.memref_squeeze %dma_wait3A_240 : memref<1x256x128xbf16, #tpu.memory_space<vmem>> -> memref<256x128xbf16, #tpu.memory_space<vmem>>
      %dma_wait3A_242 = arith.constant 0 : i32
      %dma_wait3A_243 = tpu.memref_slice %arg5[%add3A_142, %dma_wait3A_242] : memref<327680x128xbf16, #tpu.memory_space<hbm>> -> memref<256x128xbf16, #tpu.memory_space<hbm>>
      %dma_wait3A_244 = arith.constant 0 : i32
      %dma_wait3A_245 = tpu.memref_slice %arg5[%add3A_142, %dma_wait3A_244] : memref<327680x128xbf16, #tpu.memory_space<hbm>> -> memref<256x128xbf16, #tpu.memory_space<hbm>>
      %dma_wait3A_246 = arith.constant 0 : i32
      %dma_wait3A_247 = arith.constant 0 : i32
      %dma_wait3A_248 = tpu.memref_slice %arg8[%run_scoped3A_167, %dma_wait3A_246, %dma_wait3A_247] : memref<4x256x128xbf16, #tpu.memory_space<vmem>> -> memref<1x256x128xbf16, #tpu.memory_space<vmem>>
      %dma_wait3A_249 = tpu.memref_squeeze %dma_wait3A_248 : memref<1x256x128xbf16, #tpu.memory_space<vmem>> -> memref<256x128xbf16, #tpu.memory_space<vmem>>
      tpu.wait_dma2 semaphore(%run_scoped3A_225 : memref<!tpu.dma_semaphore, #tpu.memory_space<semaphore_mem>>) src(%dma_wait3A_249 : memref<256x128xbf16, #tpu.memory_space<vmem>>) dst(%dma_wait3A_245 : memref<256x128xbf16, #tpu.memory_space<hbm>>)
      tpu.yield
    }) : () -> ()
    %run_scoped3A_168 = arith.constant 1 : i32
    "tpu.region"() ({
      %run_scoped3A_225 = tpu.sem_alloc : memref<!tpu.dma_semaphore, #tpu.memory_space<semaphore_mem>>
      %dma_start3A_226 = arith.constant 0 : i32
      %dma_start3A_227 = arith.constant 0 : i32
      %dma_start3A_228 = tpu.memref_slice %arg9[%run_scoped3A_168, %dma_start3A_226, %dma_start3A_227] : memref<4x256x16xf32, #tpu.memory_space<vmem>> -> memref<1x256x16xf32, #tpu.memory_space<vmem>>
      %dma_start3A_229 = tpu.memref_squeeze %dma_start3A_228 : memref<1x256x16xf32, #tpu.memory_space<vmem>> -> memref<256x16xf32, #tpu.memory_space<vmem>>
      %dma_start3A_230 = arith.constant 0 : i32
      %dma_start3A_231 = tpu.memref_slice %arg6[%add3A_142, %dma_start3A_230] : memref<327680x16xf32, #tpu.memory_space<hbm>> -> memref<256x16xf32, #tpu.memory_space<hbm>>
      %dma_start3A_232 = arith.constant 0 : i32
      %dma_start3A_233 = tpu.memref_slice %arg6[%add3A_142, %dma_start3A_232] : memref<327680x16xf32, #tpu.memory_space<hbm>> -> memref<256x16xf32, #tpu.memory_space<hbm>>
      %dma_start3A_234 = arith.constant 0 : i32
      %dma_start3A_235 = arith.constant 0 : i32
      %dma_start3A_236 = tpu.memref_slice %arg9[%run_scoped3A_168, %dma_start3A_234, %dma_start3A_235] : memref<4x256x16xf32, #tpu.memory_space<vmem>> -> memref<1x256x16xf32, #tpu.memory_space<vmem>>
      %dma_start3A_237 = tpu.memref_squeeze %dma_start3A_236 : memref<1x256x16xf32, #tpu.memory_space<vmem>> -> memref<256x16xf32, #tpu.memory_space<vmem>>
      tpu.enqueue_dma source(%dma_start3A_237 : memref<256x16xf32, #tpu.memory_space<vmem>>) target(%dma_start3A_233 : memref<256x16xf32, #tpu.memory_space<hbm>>) target_semaphore(%run_scoped3A_225 : memref<!tpu.dma_semaphore, #tpu.memory_space<semaphore_mem>>)
      %dma_wait3A_238 = arith.constant 0 : i32
      %dma_wait3A_239 = arith.constant 0 : i32
      %dma_wait3A_240 = tpu.memref_slice %arg9[%run_scoped3A_168, %dma_wait3A_238, %dma_wait3A_239] : memref<4x256x16xf32, #tpu.memory_space<vmem>> -> memref<1x256x16xf32, #tpu.memory_space<vmem>>
      %dma_wait3A_241 = tpu.memref_squeeze %dma_wait3A_240 : memref<1x256x16xf32, #tpu.memory_space<vmem>> -> memref<256x16xf32, #tpu.memory_space<vmem>>
      %dma_wait3A_242 = arith.constant 0 : i32
      %dma_wait3A_243 = tpu.memref_slice %arg6[%add3A_142, %dma_wait3A_242] : memref<327680x16xf32, #tpu.memory_space<hbm>> -> memref<256x16xf32, #tpu.memory_space<hbm>>
      %dma_wait3A_244 = arith.constant 0 : i32
      %dma_wait3A_245 = tpu.memref_slice %arg6[%add3A_142, %dma_wait3A_244] : memref<327680x16xf32, #tpu.memory_space<hbm>> -> memref<256x16xf32, #tpu.memory_space<hbm>>
      %dma_wait3A_246 = arith.constant 0 : i32
      %dma_wait3A_247 = arith.constant 0 : i32
      %dma_wait3A_248 = tpu.memref_slice %arg9[%run_scoped3A_168, %dma_wait3A_246, %dma_wait3A_247] : memref<4x256x16xf32, #tpu.memory_space<vmem>> -> memref<1x256x16xf32, #tpu.memory_space<vmem>>
      %dma_wait3A_249 = tpu.memref_squeeze %dma_wait3A_248 : memref<1x256x16xf32, #tpu.memory_space<vmem>> -> memref<256x16xf32, #tpu.memory_space<vmem>>
      tpu.wait_dma2 semaphore(%run_scoped3A_225 : memref<!tpu.dma_semaphore, #tpu.memory_space<semaphore_mem>>) src(%dma_wait3A_249 : memref<256x16xf32, #tpu.memory_space<vmem>>) dst(%dma_wait3A_245 : memref<256x16xf32, #tpu.memory_space<hbm>>)
      tpu.yield
    }) : () -> ()
    %add3A_169 = arith.constant 9728 : i32
    %add3A_170 = arith.addi %mul3A_2, %add3A_169 : i32
    %dma_wait3A_171 = arith.constant 2 : i32
    %dma_wait3A_172 = arith.constant 2 : i32
    %dma_wait3A_173 = arith.constant 0 : i32
    %dma_wait3A_174 = arith.constant 0 : i32
    %dma_wait3A_175 = tpu.memref_slice %arg8[%dma_wait3A_172, %dma_wait3A_173, %dma_wait3A_174] : memref<4x256x128xbf16, #tpu.memory_space<vmem>> -> memref<1x256x128xbf16, #tpu.memory_space<vmem>>
    %dma_wait3A_176 = tpu.memref_squeeze %dma_wait3A_175 : memref<1x256x128xbf16, #tpu.memory_space<vmem>> -> memref<256x128xbf16, #tpu.memory_space<vmem>>
    %dma_wait3A_177 = arith.constant 0 : i32
    %dma_wait3A_178 = tpu.memref_slice %arg7[%dma_wait3A_171, %dma_wait3A_177] : memref<4x256xi32, #tpu.memory_space<vmem>> -> memref<1x256xi32, #tpu.memory_space<vmem>>
    %dma_wait3A_179 = tpu.memref_squeeze %dma_wait3A_178 : memref<1x256xi32, #tpu.memory_space<vmem>> -> memref<256xi32, #tpu.memory_space<vmem>>
    %dma_wait3A_180 = arith.constant 0 : i32
    %dma_wait3A_181 = arith.constant 0 : i32
    %dma_wait3A_182 = tpu.memref_slice %arg2[%dma_wait3A_180, %dma_wait3A_181] : memref<10000x128xbf16, #tpu.memory_space<hbm>> -> memref<10000x128xbf16, #tpu.memory_space<hbm>>
    tpu.wait_indirect_dma semaphore(%arg12 : memref<!tpu.dma_semaphore, #tpu.memory_space<semaphore_mem>>) src(%dma_wait3A_182 : memref<10000x128xbf16, #tpu.memory_space<hbm>>) dst(%dma_wait3A_176 : memref<256x128xbf16, #tpu.memory_space<vmem>>)
    %dma_wait3A_183 = arith.constant 2 : i32
    %dma_wait3A_184 = arith.constant 2 : i32
    %dma_wait3A_185 = arith.constant 0 : i32
    %dma_wait3A_186 = arith.constant 0 : i32
    %dma_wait3A_187 = tpu.memref_slice %arg9[%dma_wait3A_184, %dma_wait3A_185, %dma_wait3A_186] : memref<4x256x16xf32, #tpu.memory_space<vmem>> -> memref<1x256x16xf32, #tpu.memory_space<vmem>>
    %dma_wait3A_188 = tpu.memref_squeeze %dma_wait3A_187 : memref<1x256x16xf32, #tpu.memory_space<vmem>> -> memref<256x16xf32, #tpu.memory_space<vmem>>
    %dma_wait3A_189 = arith.constant 0 : i32
    %dma_wait3A_190 = tpu.memref_slice %arg7[%dma_wait3A_183, %dma_wait3A_189] : memref<4x256xi32, #tpu.memory_space<vmem>> -> memref<1x256xi32, #tpu.memory_space<vmem>>
    %dma_wait3A_191 = tpu.memref_squeeze %dma_wait3A_190 : memref<1x256xi32, #tpu.memory_space<vmem>> -> memref<256xi32, #tpu.memory_space<vmem>>
    %dma_wait3A_192 = arith.constant 0 : i32
    %dma_wait3A_193 = arith.constant 0 : i32
    %dma_wait3A_194 = tpu.memref_slice %arg3[%dma_wait3A_192, %dma_wait3A_193] : memref<10000x16xf32, #tpu.memory_space<hbm>> -> memref<10000x16xf32, #tpu.memory_space<hbm>>
    tpu.wait_indirect_dma semaphore(%arg16 : memref<!tpu.dma_semaphore, #tpu.memory_space<semaphore_mem>>) src(%dma_wait3A_194 : memref<10000x16xf32, #tpu.memory_space<hbm>>) dst(%dma_wait3A_188 : memref<256x16xf32, #tpu.memory_space<vmem>>)
    %run_scoped3A_195 = arith.constant 2 : i32
    "tpu.region"() ({
      %run_scoped3A_225 = tpu.sem_alloc : memref<!tpu.dma_semaphore, #tpu.memory_space<semaphore_mem>>
      %dma_start3A_226 = arith.constant 0 : i32
      %dma_start3A_227 = arith.constant 0 : i32
      %dma_start3A_228 = tpu.memref_slice %arg8[%run_scoped3A_195, %dma_start3A_226, %dma_start3A_227] : memref<4x256x128xbf16, #tpu.memory_space<vmem>> -> memref<1x256x128xbf16, #tpu.memory_space<vmem>>
      %dma_start3A_229 = tpu.memref_squeeze %dma_start3A_228 : memref<1x256x128xbf16, #tpu.memory_space<vmem>> -> memref<256x128xbf16, #tpu.memory_space<vmem>>
      %dma_start3A_230 = arith.constant 0 : i32
      %dma_start3A_231 = tpu.memref_slice %arg5[%add3A_170, %dma_start3A_230] : memref<327680x128xbf16, #tpu.memory_space<hbm>> -> memref<256x128xbf16, #tpu.memory_space<hbm>>
      %dma_start3A_232 = arith.constant 0 : i32
      %dma_start3A_233 = tpu.memref_slice %arg5[%add3A_170, %dma_start3A_232] : memref<327680x128xbf16, #tpu.memory_space<hbm>> -> memref<256x128xbf16, #tpu.memory_space<hbm>>
      %dma_start3A_234 = arith.constant 0 : i32
      %dma_start3A_235 = arith.constant 0 : i32
      %dma_start3A_236 = tpu.memref_slice %arg8[%run_scoped3A_195, %dma_start3A_234, %dma_start3A_235] : memref<4x256x128xbf16, #tpu.memory_space<vmem>> -> memref<1x256x128xbf16, #tpu.memory_space<vmem>>
      %dma_start3A_237 = tpu.memref_squeeze %dma_start3A_236 : memref<1x256x128xbf16, #tpu.memory_space<vmem>> -> memref<256x128xbf16, #tpu.memory_space<vmem>>
      tpu.enqueue_dma source(%dma_start3A_237 : memref<256x128xbf16, #tpu.memory_space<vmem>>) target(%dma_start3A_233 : memref<256x128xbf16, #tpu.memory_space<hbm>>) target_semaphore(%run_scoped3A_225 : memref<!tpu.dma_semaphore, #tpu.memory_space<semaphore_mem>>)
      %dma_wait3A_238 = arith.constant 0 : i32
      %dma_wait3A_239 = arith.constant 0 : i32
      %dma_wait3A_240 = tpu.memref_slice %arg8[%run_scoped3A_195, %dma_wait3A_238, %dma_wait3A_239] : memref<4x256x128xbf16, #tpu.memory_space<vmem>> -> memref<1x256x128xbf16, #tpu.memory_space<vmem>>
      %dma_wait3A_241 = tpu.memref_squeeze %dma_wait3A_240 : memref<1x256x128xbf16, #tpu.memory_space<vmem>> -> memref<256x128xbf16, #tpu.memory_space<vmem>>
      %dma_wait3A_242 = arith.constant 0 : i32
      %dma_wait3A_243 = tpu.memref_slice %arg5[%add3A_170, %dma_wait3A_242] : memref<327680x128xbf16, #tpu.memory_space<hbm>> -> memref<256x128xbf16, #tpu.memory_space<hbm>>
      %dma_wait3A_244 = arith.constant 0 : i32
      %dma_wait3A_245 = tpu.memref_slice %arg5[%add3A_170, %dma_wait3A_244] : memref<327680x128xbf16, #tpu.memory_space<hbm>> -> memref<256x128xbf16, #tpu.memory_space<hbm>>
      %dma_wait3A_246 = arith.constant 0 : i32
      %dma_wait3A_247 = arith.constant 0 : i32
      %dma_wait3A_248 = tpu.memref_slice %arg8[%run_scoped3A_195, %dma_wait3A_246, %dma_wait3A_247] : memref<4x256x128xbf16, #tpu.memory_space<vmem>> -> memref<1x256x128xbf16, #tpu.memory_space<vmem>>
      %dma_wait3A_249 = tpu.memref_squeeze %dma_wait3A_248 : memref<1x256x128xbf16, #tpu.memory_space<vmem>> -> memref<256x128xbf16, #tpu.memory_space<vmem>>
      tpu.wait_dma2 semaphore(%run_scoped3A_225 : memref<!tpu.dma_semaphore, #tpu.memory_space<semaphore_mem>>) src(%dma_wait3A_249 : memref<256x128xbf16, #tpu.memory_space<vmem>>) dst(%dma_wait3A_245 : memref<256x128xbf16, #tpu.memory_space<hbm>>)
      tpu.yield
    }) : () -> ()
    %run_scoped3A_196 = arith.constant 2 : i32
    "tpu.region"() ({
      %run_scoped3A_225 = tpu.sem_alloc : memref<!tpu.dma_semaphore, #tpu.memory_space<semaphore_mem>>
      %dma_start3A_226 = arith.constant 0 : i32
      %dma_start3A_227 = arith.constant 0 : i32
      %dma_start3A_228 = tpu.memref_slice %arg9[%run_scoped3A_196, %dma_start3A_226, %dma_start3A_227] : memref<4x256x16xf32, #tpu.memory_space<vmem>> -> memref<1x256x16xf32, #tpu.memory_space<vmem>>
      %dma_start3A_229 = tpu.memref_squeeze %dma_start3A_228 : memref<1x256x16xf32, #tpu.memory_space<vmem>> -> memref<256x16xf32, #tpu.memory_space<vmem>>
      %dma_start3A_230 = arith.constant 0 : i32
      %dma_start3A_231 = tpu.memref_slice %arg6[%add3A_170, %dma_start3A_230] : memref<327680x16xf32, #tpu.memory_space<hbm>> -> memref<256x16xf32, #tpu.memory_space<hbm>>
      %dma_start3A_232 = arith.constant 0 : i32
      %dma_start3A_233 = tpu.memref_slice %arg6[%add3A_170, %dma_start3A_232] : memref<327680x16xf32, #tpu.memory_space<hbm>> -> memref<256x16xf32, #tpu.memory_space<hbm>>
      %dma_start3A_234 = arith.constant 0 : i32
      %dma_start3A_235 = arith.constant 0 : i32
      %dma_start3A_236 = tpu.memref_slice %arg9[%run_scoped3A_196, %dma_start3A_234, %dma_start3A_235] : memref<4x256x16xf32, #tpu.memory_space<vmem>> -> memref<1x256x16xf32, #tpu.memory_space<vmem>>
      %dma_start3A_237 = tpu.memref_squeeze %dma_start3A_236 : memref<1x256x16xf32, #tpu.memory_space<vmem>> -> memref<256x16xf32, #tpu.memory_space<vmem>>
      tpu.enqueue_dma source(%dma_start3A_237 : memref<256x16xf32, #tpu.memory_space<vmem>>) target(%dma_start3A_233 : memref<256x16xf32, #tpu.memory_space<hbm>>) target_semaphore(%run_scoped3A_225 : memref<!tpu.dma_semaphore, #tpu.memory_space<semaphore_mem>>)
      %dma_wait3A_238 = arith.constant 0 : i32
      %dma_wait3A_239 = arith.constant 0 : i32
      %dma_wait3A_240 = tpu.memref_slice %arg9[%run_scoped3A_196, %dma_wait3A_238, %dma_wait3A_239] : memref<4x256x16xf32, #tpu.memory_space<vmem>> -> memref<1x256x16xf32, #tpu.memory_space<vmem>>
      %dma_wait3A_241 = tpu.memref_squeeze %dma_wait3A_240 : memref<1x256x16xf32, #tpu.memory_space<vmem>> -> memref<256x16xf32, #tpu.memory_space<vmem>>
      %dma_wait3A_242 = arith.constant 0 : i32
      %dma_wait3A_243 = tpu.memref_slice %arg6[%add3A_170, %dma_wait3A_242] : memref<327680x16xf32, #tpu.memory_space<hbm>> -> memref<256x16xf32, #tpu.memory_space<hbm>>
      %dma_wait3A_244 = arith.constant 0 : i32
      %dma_wait3A_245 = tpu.memref_slice %arg6[%add3A_170, %dma_wait3A_244] : memref<327680x16xf32, #tpu.memory_space<hbm>> -> memref<256x16xf32, #tpu.memory_space<hbm>>
      %dma_wait3A_246 = arith.constant 0 : i32
      %dma_wait3A_247 = arith.constant 0 : i32
      %dma_wait3A_248 = tpu.memref_slice %arg9[%run_scoped3A_196, %dma_wait3A_246, %dma_wait3A_247] : memref<4x256x16xf32, #tpu.memory_space<vmem>> -> memref<1x256x16xf32, #tpu.memory_space<vmem>>
      %dma_wait3A_249 = tpu.memref_squeeze %dma_wait3A_248 : memref<1x256x16xf32, #tpu.memory_space<vmem>> -> memref<256x16xf32, #tpu.memory_space<vmem>>
      tpu.wait_dma2 semaphore(%run_scoped3A_225 : memref<!tpu.dma_semaphore, #tpu.memory_space<semaphore_mem>>) src(%dma_wait3A_249 : memref<256x16xf32, #tpu.memory_space<vmem>>) dst(%dma_wait3A_245 : memref<256x16xf32, #tpu.memory_space<hbm>>)
      tpu.yield
    }) : () -> ()
    %add3A_197 = arith.constant 9984 : i32
    %add3A_198 = arith.addi %mul3A_2, %add3A_197 : i32
    %dma_wait3A_199 = arith.constant 3 : i32
    %dma_wait3A_200 = arith.constant 3 : i32
    %dma_wait3A_201 = arith.constant 0 : i32
    %dma_wait3A_202 = arith.constant 0 : i32
    %dma_wait3A_203 = tpu.memref_slice %arg8[%dma_wait3A_200, %dma_wait3A_201, %dma_wait3A_202] : memref<4x256x128xbf16, #tpu.memory_space<vmem>> -> memref<1x256x128xbf16, #tpu.memory_space<vmem>>
    %dma_wait3A_204 = tpu.memref_squeeze %dma_wait3A_203 : memref<1x256x128xbf16, #tpu.memory_space<vmem>> -> memref<256x128xbf16, #tpu.memory_space<vmem>>
    %dma_wait3A_205 = arith.constant 0 : i32
    %dma_wait3A_206 = tpu.memref_slice %arg7[%dma_wait3A_199, %dma_wait3A_205] : memref<4x256xi32, #tpu.memory_space<vmem>> -> memref<1x256xi32, #tpu.memory_space<vmem>>
    %dma_wait3A_207 = tpu.memref_squeeze %dma_wait3A_206 : memref<1x256xi32, #tpu.memory_space<vmem>> -> memref<256xi32, #tpu.memory_space<vmem>>
    %dma_wait3A_208 = arith.constant 0 : i32
    %dma_wait3A_209 = arith.constant 0 : i32
    %dma_wait3A_210 = tpu.memref_slice %arg2[%dma_wait3A_208, %dma_wait3A_209] : memref<10000x128xbf16, #tpu.memory_space<hbm>> -> memref<10000x128xbf16, #tpu.memory_space<hbm>>
    tpu.wait_indirect_dma semaphore(%arg13 : memref<!tpu.dma_semaphore, #tpu.memory_space<semaphore_mem>>) src(%dma_wait3A_210 : memref<10000x128xbf16, #tpu.memory_space<hbm>>) dst(%dma_wait3A_204 : memref<256x128xbf16, #tpu.memory_space<vmem>>)
    %dma_wait3A_211 = arith.constant 3 : i32
    %dma_wait3A_212 = arith.constant 3 : i32
    %dma_wait3A_213 = arith.constant 0 : i32
    %dma_wait3A_214 = arith.constant 0 : i32
    %dma_wait3A_215 = tpu.memref_slice %arg9[%dma_wait3A_212, %dma_wait3A_213, %dma_wait3A_214] : memref<4x256x16xf32, #tpu.memory_space<vmem>> -> memref<1x256x16xf32, #tpu.memory_space<vmem>>
    %dma_wait3A_216 = tpu.memref_squeeze %dma_wait3A_215 : memref<1x256x16xf32, #tpu.memory_space<vmem>> -> memref<256x16xf32, #tpu.memory_space<vmem>>
    %dma_wait3A_217 = arith.constant 0 : i32
    %dma_wait3A_218 = tpu.memref_slice %arg7[%dma_wait3A_211, %dma_wait3A_217] : memref<4x256xi32, #tpu.memory_space<vmem>> -> memref<1x256xi32, #tpu.memory_space<vmem>>
    %dma_wait3A_219 = tpu.memref_squeeze %dma_wait3A_218 : memref<1x256xi32, #tpu.memory_space<vmem>> -> memref<256xi32, #tpu.memory_space<vmem>>
    %dma_wait3A_220 = arith.constant 0 : i32
    %dma_wait3A_221 = arith.constant 0 : i32
    %dma_wait3A_222 = tpu.memref_slice %arg3[%dma_wait3A_220, %dma_wait3A_221] : memref<10000x16xf32, #tpu.memory_space<hbm>> -> memref<10000x16xf32, #tpu.memory_space<hbm>>
    tpu.wait_indirect_dma semaphore(%arg17 : memref<!tpu.dma_semaphore, #tpu.memory_space<semaphore_mem>>) src(%dma_wait3A_222 : memref<10000x16xf32, #tpu.memory_space<hbm>>) dst(%dma_wait3A_216 : memref<256x16xf32, #tpu.memory_space<vmem>>)
    %run_scoped3A_223 = arith.constant 3 : i32
    "tpu.region"() ({
      %run_scoped3A_225 = tpu.sem_alloc : memref<!tpu.dma_semaphore, #tpu.memory_space<semaphore_mem>>
      %dma_start3A_226 = arith.constant 0 : i32
      %dma_start3A_227 = arith.constant 0 : i32
      %dma_start3A_228 = tpu.memref_slice %arg8[%run_scoped3A_223, %dma_start3A_226, %dma_start3A_227] : memref<4x256x128xbf16, #tpu.memory_space<vmem>> -> memref<1x256x128xbf16, #tpu.memory_space<vmem>>
      %dma_start3A_229 = tpu.memref_squeeze %dma_start3A_228 : memref<1x256x128xbf16, #tpu.memory_space<vmem>> -> memref<256x128xbf16, #tpu.memory_space<vmem>>
      %dma_start3A_230 = arith.constant 0 : i32
      %dma_start3A_231 = tpu.memref_slice %arg5[%add3A_198, %dma_start3A_230] : memref<327680x128xbf16, #tpu.memory_space<hbm>> -> memref<256x128xbf16, #tpu.memory_space<hbm>>
      %dma_start3A_232 = arith.constant 0 : i32
      %dma_start3A_233 = tpu.memref_slice %arg5[%add3A_198, %dma_start3A_232] : memref<327680x128xbf16, #tpu.memory_space<hbm>> -> memref<256x128xbf16, #tpu.memory_space<hbm>>
      %dma_start3A_234 = arith.constant 0 : i32
      %dma_start3A_235 = arith.constant 0 : i32
      %dma_start3A_236 = tpu.memref_slice %arg8[%run_scoped3A_223, %dma_start3A_234, %dma_start3A_235] : memref<4x256x128xbf16, #tpu.memory_space<vmem>> -> memref<1x256x128xbf16, #tpu.memory_space<vmem>>
      %dma_start3A_237 = tpu.memref_squeeze %dma_start3A_236 : memref<1x256x128xbf16, #tpu.memory_space<vmem>> -> memref<256x128xbf16, #tpu.memory_space<vmem>>
      tpu.enqueue_dma source(%dma_start3A_237 : memref<256x128xbf16, #tpu.memory_space<vmem>>) target(%dma_start3A_233 : memref<256x128xbf16, #tpu.memory_space<hbm>>) target_semaphore(%run_scoped3A_225 : memref<!tpu.dma_semaphore, #tpu.memory_space<semaphore_mem>>)
      %dma_wait3A_238 = arith.constant 0 : i32
      %dma_wait3A_239 = arith.constant 0 : i32
      %dma_wait3A_240 = tpu.memref_slice %arg8[%run_scoped3A_223, %dma_wait3A_238, %dma_wait3A_239] : memref<4x256x128xbf16, #tpu.memory_space<vmem>> -> memref<1x256x128xbf16, #tpu.memory_space<vmem>>
      %dma_wait3A_241 = tpu.memref_squeeze %dma_wait3A_240 : memref<1x256x128xbf16, #tpu.memory_space<vmem>> -> memref<256x128xbf16, #tpu.memory_space<vmem>>
      %dma_wait3A_242 = arith.constant 0 : i32
      %dma_wait3A_243 = tpu.memref_slice %arg5[%add3A_198, %dma_wait3A_242] : memref<327680x128xbf16, #tpu.memory_space<hbm>> -> memref<256x128xbf16, #tpu.memory_space<hbm>>
      %dma_wait3A_244 = arith.constant 0 : i32
      %dma_wait3A_245 = tpu.memref_slice %arg5[%add3A_198, %dma_wait3A_244] : memref<327680x128xbf16, #tpu.memory_space<hbm>> -> memref<256x128xbf16, #tpu.memory_space<hbm>>
      %dma_wait3A_246 = arith.constant 0 : i32
      %dma_wait3A_247 = arith.constant 0 : i32
      %dma_wait3A_248 = tpu.memref_slice %arg8[%run_scoped3A_223, %dma_wait3A_246, %dma_wait3A_247] : memref<4x256x128xbf16, #tpu.memory_space<vmem>> -> memref<1x256x128xbf16, #tpu.memory_space<vmem>>
      %dma_wait3A_249 = tpu.memref_squeeze %dma_wait3A_248 : memref<1x256x128xbf16, #tpu.memory_space<vmem>> -> memref<256x128xbf16, #tpu.memory_space<vmem>>
      tpu.wait_dma2 semaphore(%run_scoped3A_225 : memref<!tpu.dma_semaphore, #tpu.memory_space<semaphore_mem>>) src(%dma_wait3A_249 : memref<256x128xbf16, #tpu.memory_space<vmem>>) dst(%dma_wait3A_245 : memref<256x128xbf16, #tpu.memory_space<hbm>>)
      tpu.yield
    }) : () -> ()
    %run_scoped3A_224 = arith.constant 3 : i32
    "tpu.region"() ({
      %run_scoped3A_225 = tpu.sem_alloc : memref<!tpu.dma_semaphore, #tpu.memory_space<semaphore_mem>>
      %dma_start3A_226 = arith.constant 0 : i32
      %dma_start3A_227 = arith.constant 0 : i32
      %dma_start3A_228 = tpu.memref_slice %arg9[%run_scoped3A_224, %dma_start3A_226, %dma_start3A_227] : memref<4x256x16xf32, #tpu.memory_space<vmem>> -> memref<1x256x16xf32, #tpu.memory_space<vmem>>
      %dma_start3A_229 = tpu.memref_squeeze %dma_start3A_228 : memref<1x256x16xf32, #tpu.memory_space<vmem>> -> memref<256x16xf32, #tpu.memory_space<vmem>>
      %dma_start3A_230 = arith.constant 0 : i32
      %dma_start3A_231 = tpu.memref_slice %arg6[%add3A_198, %dma_start3A_230] : memref<327680x16xf32, #tpu.memory_space<hbm>> -> memref<256x16xf32, #tpu.memory_space<hbm>>
      %dma_start3A_232 = arith.constant 0 : i32
      %dma_start3A_233 = tpu.memref_slice %arg6[%add3A_198, %dma_start3A_232] : memref<327680x16xf32, #tpu.memory_space<hbm>> -> memref<256x16xf32, #tpu.memory_space<hbm>>
      %dma_start3A_234 = arith.constant 0 : i32
      %dma_start3A_235 = arith.constant 0 : i32
      %dma_start3A_236 = tpu.memref_slice %arg9[%run_scoped3A_224, %dma_start3A_234, %dma_start3A_235] : memref<4x256x16xf32, #tpu.memory_space<vmem>> -> memref<1x256x16xf32, #tpu.memory_space<vmem>>
      %dma_start3A_237 = tpu.memref_squeeze %dma_start3A_236 : memref<1x256x16xf32, #tpu.memory_space<vmem>> -> memref<256x16xf32, #tpu.memory_space<vmem>>
      tpu.enqueue_dma source(%dma_start3A_237 : memref<256x16xf32, #tpu.memory_space<vmem>>) target(%dma_start3A_233 : memref<256x16xf32, #tpu.memory_space<hbm>>) target_semaphore(%run_scoped3A_225 : memref<!tpu.dma_semaphore, #tpu.memory_space<semaphore_mem>>)
      %dma_wait3A_238 = arith.constant 0 : i32
      %dma_wait3A_239 = arith.constant 0 : i32
      %dma_wait3A_240 = tpu.memref_slice %arg9[%run_scoped3A_224, %dma_wait3A_238, %dma_wait3A_239] : memref<4x256x16xf32, #tpu.memory_space<vmem>> -> memref<1x256x16xf32, #tpu.memory_space<vmem>>
      %dma_wait3A_241 = tpu.memref_squeeze %dma_wait3A_240 : memref<1x256x16xf32, #tpu.memory_space<vmem>> -> memref<256x16xf32, #tpu.memory_space<vmem>>
      %dma_wait3A_242 = arith.constant 0 : i32
      %dma_wait3A_243 = tpu.memref_slice %arg6[%add3A_198, %dma_wait3A_242] : memref<327680x16xf32, #tpu.memory_space<hbm>> -> memref<256x16xf32, #tpu.memory_space<hbm>>
      %dma_wait3A_244 = arith.constant 0 : i32
      %dma_wait3A_245 = tpu.memref_slice %arg6[%add3A_198, %dma_wait3A_244] : memref<327680x16xf32, #tpu.memory_space<hbm>> -> memref<256x16xf32, #tpu.memory_space<hbm>>
      %dma_wait3A_246 = arith.constant 0 : i32
      %dma_wait3A_247 = arith.constant 0 : i32
      %dma_wait3A_248 = tpu.memref_slice %arg9[%run_scoped3A_224, %dma_wait3A_246, %dma_wait3A_247] : memref<4x256x16xf32, #tpu.memory_space<vmem>> -> memref<1x256x16xf32, #tpu.memory_space<vmem>>
      %dma_wait3A_249 = tpu.memref_squeeze %dma_wait3A_248 : memref<1x256x16xf32, #tpu.memory_space<vmem>> -> memref<256x16xf32, #tpu.memory_space<vmem>>
      tpu.wait_dma2 semaphore(%run_scoped3A_225 : memref<!tpu.dma_semaphore, #tpu.memory_space<semaphore_mem>>) src(%dma_wait3A_249 : memref<256x16xf32, #tpu.memory_space<vmem>>) dst(%dma_wait3A_245 : memref<256x16xf32, #tpu.memory_space<hbm>>)
      tpu.yield
    }) : () -> ()
    return
  }
}

module attributes {stable_mosaic.version = 14 : i64} {
  func.func @_tc_body(%arg0: i32, %arg1: memref<12800x128xbf16, #tpu.memory_space<vmem>>, %arg2: memref<12800x16xf32, #tpu.memory_space<vmem>>, %arg3: memref<400x3xf32, #tpu.memory_space<vmem>>, %arg4: memref<3x19xf32, #tpu.memory_space<vmem>>, %arg5: memref<1x19xf32, #tpu.memory_space<vmem>>, %arg6: memref<2432x64xf32, #tpu.memory_space<vmem>>, %arg7: memref<400x64xf32, #tpu.memory_space<vmem>>) attributes {dimension_semantics = [#tpu.dimension_semantics<arbitrary>], iteration_bounds = array<i64: 25>, scalar_prefetch = 0 : i64, scratch_operands = 0 : i64, tpu.core_type = #tpu.core_type<tc>, window_params = [{transform_indices = @transform_0, window_bounds = array<i64: 12800, 128>}, {transform_indices = @transform_1, window_bounds = array<i64: 12800, 16>}, {transform_indices = @transform_2, window_bounds = array<i64: 400, 3>}, {pipeline_mode = #tpu.pipeline_mode<synchronous>, transform_indices = @transform_3, window_bounds = array<i64: 3, 19>}, {pipeline_mode = #tpu.pipeline_mode<synchronous>, transform_indices = @transform_4, window_bounds = array<i64: 1, 19>}, {pipeline_mode = #tpu.pipeline_mode<synchronous>, transform_indices = @transform_5, window_bounds = array<i64: 2432, 64>}, {transform_indices = @transform_6, window_bounds = array<i64: 400, 64>}]} {
    %get3A = arith.constant 0 : index
    %get3A_0 = arith.constant 0 : index
    %get3A_1 = vector.load %arg1[%get3A, %get3A_0] : memref<12800x128xbf16, #tpu.memory_space<vmem>>, vector<12800x128xbf16>
    %get3A_2 = arith.constant 0 : index
    %get3A_3 = arith.constant 0 : index
    %get3A_4 = vector.load %arg2[%get3A_2, %get3A_3] : memref<12800x16xf32, #tpu.memory_space<vmem>>, vector<12800x16xf32>
    %slice3A = vector.extract_strided_slice %get3A_4 {offsets = [0, 0], sizes = [12800, 3], strides = [1, 1]} : vector<12800x16xf32> to vector<12800x3xf32>
    %get3A_5 = arith.constant 0 : index
    %get3A_6 = arith.constant 0 : index
    %get3A_7 = vector.load %arg3[%get3A_5, %get3A_6] : memref<400x3xf32, #tpu.memory_space<vmem>>, vector<400x3xf32>
    %broadcast_in_dim3A = vector.shape_cast %get3A_7 : vector<400x3xf32> to vector<400x1x3xf32>
    %broadcast_in_dim3A_8 = vector.broadcast %broadcast_in_dim3A : vector<400x1x3xf32> to vector<400x32x3xf32>
    %reshape3A = vector.shape_cast %broadcast_in_dim3A_8 : vector<400x32x3xf32> to vector<12800x3xf32>
    %sub3A = arith.subf %slice3A, %reshape3A : vector<12800x3xf32>
    %mul3A = arith.mulf %sub3A, %sub3A : vector<12800x3xf32>
    %reduce_sum3A = arith.constant dense<0.000000e+00> : vector<12800xf32>
    %reduce_sum3A_9 = vector.multi_reduction <add>, %mul3A, %reduce_sum3A [1] : vector<12800x3xf32> to vector<12800xf32>
    %broadcast_in_dim3A_10 = vector.shape_cast %reduce_sum3A_9 : vector<12800xf32> to vector<12800x1xf32>
    %get3A_11 = arith.constant 0 : index
    %get3A_12 = arith.constant 0 : index
    %get3A_13 = vector.load %arg4[%get3A_11, %get3A_12] : memref<3x19xf32, #tpu.memory_space<vmem>>, vector<3x19xf32>
    %dot_general3A = arith.constant dense<0.000000e+00> : vector<12800x19xf32>
    %dot_general3A_14 = tpu.matmul %sub3A, %get3A_13, %dot_general3A {dimension_numbers = #tpu.dot_dimension_numbers<[1], [0], [0], [1], [0, 0, 1, 1], [], []>, precision = #tpu.contract_precision<fp32>, transpose_lhs_hint = false} : vector<12800x3xf32>, vector<3x19xf32>, vector<12800x19xf32> -> vector<12800x19xf32>
    %mul3A_15 = arith.constant 2.000000e+00 : f32
    %mul3A_16 = vector.broadcast %mul3A_15 : f32 to vector<12800x19xf32>
    %mul3A_17 = arith.mulf %mul3A_16, %dot_general3A_14 : vector<12800x19xf32>
    %sub3A_18 = vector.broadcast %broadcast_in_dim3A_10 : vector<12800x1xf32> to vector<12800x19xf32>
    %sub3A_19 = arith.subf %sub3A_18, %mul3A_17 : vector<12800x19xf32>
    %get3A_20 = arith.constant 0 : index
    %get3A_21 = arith.constant 0 : index
    %get3A_22 = vector.load %arg5[%get3A_20, %get3A_21] : memref<1x19xf32, #tpu.memory_space<vmem>>, vector<1x19xf32>
    %add3A = vector.broadcast %get3A_22 : vector<1x19xf32> to vector<12800x19xf32>
    %add3A_23 = arith.addf %sub3A_19, %add3A : vector<12800x19xf32>
    %max3A = arith.constant 0.000000e+00 : f32
    %max3A_24 = vector.broadcast %max3A : f32 to vector<12800x19xf32>
    %max3A_25 = arith.maximumf %add3A_23, %max3A_24 : vector<12800x19xf32>
    %add3A_26 = arith.constant 9.99999996E-13 : f32
    %add3A_27 = vector.broadcast %add3A_26 : f32 to vector<12800x19xf32>
    %add3A_28 = arith.addf %max3A_25, %add3A_27 : vector<12800x19xf32>
    %sqrt3A = math.sqrt %add3A_28 : vector<12800x19xf32>
    %div3A = arith.constant 1.000000e+00 : f32
    %div3A_29 = vector.broadcast %div3A : f32 to vector<12800x19xf32>
    %div3A_30 = arith.divf %sqrt3A, %div3A_29 : vector<12800x19xf32>
    %sub3A_31 = arith.constant 1.000000e+00 : f32
    %sub3A_32 = vector.broadcast %sub3A_31 : f32 to vector<12800x19xf32>
    %sub3A_33 = arith.subf %sub3A_32, %div3A_30 : vector<12800x19xf32>
    %max3A_34 = arith.constant 0.000000e+00 : f32
    %max3A_35 = vector.broadcast %max3A_34 : f32 to vector<12800x19xf32>
    %max3A_36 = arith.maximumf %max3A_35, %sub3A_33 : vector<12800x19xf32>
    %iota3A = tpu.iota {dimensions = array<i32: 0>} : vector<12800x152xi32>
    %iota3A_37 = tpu.iota {dimensions = array<i32: 1>} : vector<12800x152xi32>
    %jit3A = arith.constant 32 : i32
    %div3A_38 = vector.broadcast %jit3A : i32 to vector<12800x152xi32>
    %div3A_39 = arith.divsi %iota3A, %div3A_38 : vector<12800x152xi32>
    %sign3A = arith.constant 0 : i32
    %sign3A_40 = vector.broadcast %sign3A : i32 to vector<12800x152xi32>
    %sign3A_41 = arith.cmpi sgt, %iota3A, %sign3A_40 : vector<12800x152xi32>
    %sign3A_42 = arith.extui %sign3A_41 : vector<12800x152xi1> to vector<12800x152xi32>
    %sign3A_43 = arith.constant 0 : i32
    %sign3A_44 = vector.broadcast %sign3A_43 : i32 to vector<12800x152xi32>
    %sign3A_45 = arith.cmpi slt, %iota3A, %sign3A_44 : vector<12800x152xi32>
    %sign3A_46 = arith.extui %sign3A_45 : vector<12800x152xi1> to vector<12800x152xi32>
    %sign3A_47 = arith.subi %sign3A_42, %sign3A_46 : vector<12800x152xi32>
    %sign3A_48 = arith.constant 0 : i32
    %sign3A_49 = arith.cmpi sgt, %jit3A, %sign3A_48 : i32
    %sign3A_50 = arith.extui %sign3A_49 : i1 to i32
    %sign3A_51 = arith.constant 0 : i32
    %sign3A_52 = arith.cmpi slt, %jit3A, %sign3A_51 : i32
    %sign3A_53 = arith.extui %sign3A_52 : i1 to i32
    %sign3A_54 = arith.subi %sign3A_50, %sign3A_53 : i32
    %ne3A = vector.broadcast %sign3A_54 : i32 to vector<12800x152xi32>
    %ne3A_55 = arith.cmpi ne, %sign3A_47, %ne3A : vector<12800x152xi32>
    %rem3A = vector.broadcast %jit3A : i32 to vector<12800x152xi32>
    %rem3A_56 = arith.remsi %iota3A, %rem3A : vector<12800x152xi32>
    %ne3A_57 = arith.constant 0 : i32
    %ne3A_58 = vector.broadcast %ne3A_57 : i32 to vector<12800x152xi32>
    %ne3A_59 = arith.cmpi ne, %rem3A_56, %ne3A_58 : vector<12800x152xi32>
    %and3A = arith.andi %ne3A_55, %ne3A_59 : vector<12800x152xi1>
    %sub3A_60 = arith.constant 1 : i32
    %sub3A_61 = vector.broadcast %sub3A_60 : i32 to vector<12800x152xi32>
    %sub3A_62 = arith.subi %div3A_39, %sub3A_61 : vector<12800x152xi32>
    %select_n3A = arith.select %and3A, %sub3A_62, %div3A_39 : vector<12800x152xi1>, vector<12800x152xi32>
    %jit3A_63 = arith.constant 8 : i32
    %eq3A = arith.constant 0 : i32
    %eq3A_64 = arith.cmpi eq, %jit3A_63, %eq3A : i32
    %jit3A_65 = arith.constant 1 : i32
    %select_n3A_66 = arith.select %eq3A_64, %jit3A_65, %jit3A_63 : i32
    %rem3A_67 = vector.broadcast %select_n3A_66 : i32 to vector<12800x152xi32>
    %rem3A_68 = arith.remsi %select_n3A, %rem3A_67 : vector<12800x152xi32>
    %ne3A_69 = arith.constant 0 : i32
    %ne3A_70 = vector.broadcast %ne3A_69 : i32 to vector<12800x152xi32>
    %ne3A_71 = arith.cmpi ne, %rem3A_68, %ne3A_70 : vector<12800x152xi32>
    %lt3A = arith.constant 0 : i32
    %lt3A_72 = vector.broadcast %lt3A : i32 to vector<12800x152xi32>
    %lt3A_73 = arith.cmpi slt, %rem3A_68, %lt3A_72 : vector<12800x152xi32>
    %lt3A_74 = arith.constant 0 : i32
    %lt3A_75 = arith.cmpi slt, %select_n3A_66, %lt3A_74 : i32
    %ne3A_76 = vector.broadcast %lt3A_75 : i1 to vector<12800x152xi1>
    %ne3A_77 = vector.broadcast %ne3A_76 : vector<12800x152xi1> to vector<12800x152xi1>
    %ne3A_78 = arith.xori %lt3A_73, %ne3A_77 : vector<12800x152xi1>
    %and3A_79 = arith.andi %ne3A_78, %ne3A_71 : vector<12800x152xi1>
    %add3A_80 = vector.broadcast %select_n3A_66 : i32 to vector<12800x152xi32>
    %add3A_81 = arith.addi %rem3A_68, %add3A_80 : vector<12800x152xi32>
    %select_n3A_82 = arith.select %and3A_79, %add3A_81, %rem3A_68 : vector<12800x152xi1>, vector<12800x152xi32>
    %jit3A_83 = arith.constant 19 : i32
    %div3A_84 = vector.broadcast %jit3A_83 : i32 to vector<12800x152xi32>
    %div3A_85 = arith.divsi %iota3A_37, %div3A_84 : vector<12800x152xi32>
    %sign3A_86 = arith.constant 0 : i32
    %sign3A_87 = vector.broadcast %sign3A_86 : i32 to vector<12800x152xi32>
    %sign3A_88 = arith.cmpi sgt, %iota3A_37, %sign3A_87 : vector<12800x152xi32>
    %sign3A_89 = arith.extui %sign3A_88 : vector<12800x152xi1> to vector<12800x152xi32>
    %sign3A_90 = arith.constant 0 : i32
    %sign3A_91 = vector.broadcast %sign3A_90 : i32 to vector<12800x152xi32>
    %sign3A_92 = arith.cmpi slt, %iota3A_37, %sign3A_91 : vector<12800x152xi32>
    %sign3A_93 = arith.extui %sign3A_92 : vector<12800x152xi1> to vector<12800x152xi32>
    %sign3A_94 = arith.subi %sign3A_89, %sign3A_93 : vector<12800x152xi32>
    %sign3A_95 = arith.constant 0 : i32
    %sign3A_96 = arith.cmpi sgt, %jit3A_83, %sign3A_95 : i32
    %sign3A_97 = arith.extui %sign3A_96 : i1 to i32
    %sign3A_98 = arith.constant 0 : i32
    %sign3A_99 = arith.cmpi slt, %jit3A_83, %sign3A_98 : i32
    %sign3A_100 = arith.extui %sign3A_99 : i1 to i32
    %sign3A_101 = arith.subi %sign3A_97, %sign3A_100 : i32
    %ne3A_102 = vector.broadcast %sign3A_101 : i32 to vector<12800x152xi32>
    %ne3A_103 = arith.cmpi ne, %sign3A_94, %ne3A_102 : vector<12800x152xi32>
    %rem3A_104 = vector.broadcast %jit3A_83 : i32 to vector<12800x152xi32>
    %rem3A_105 = arith.remsi %iota3A_37, %rem3A_104 : vector<12800x152xi32>
    %ne3A_106 = arith.constant 0 : i32
    %ne3A_107 = vector.broadcast %ne3A_106 : i32 to vector<12800x152xi32>
    %ne3A_108 = arith.cmpi ne, %rem3A_105, %ne3A_107 : vector<12800x152xi32>
    %and3A_109 = arith.andi %ne3A_103, %ne3A_108 : vector<12800x152xi1>
    %sub3A_110 = arith.constant 1 : i32
    %sub3A_111 = vector.broadcast %sub3A_110 : i32 to vector<12800x152xi32>
    %sub3A_112 = arith.subi %div3A_85, %sub3A_111 : vector<12800x152xi32>
    %select_n3A_113 = arith.select %and3A_109, %sub3A_112, %div3A_85 : vector<12800x152xi1>, vector<12800x152xi32>
    %eq3A_114 = arith.cmpi eq, %select_n3A_82, %select_n3A_113 : vector<12800x152xi32>
    %convert_element_type3A = arith.truncf %max3A_36 : vector<12800x19xf32> to vector<12800x19xbf16>
    %concatenate3A = tpu.concatenate %convert_element_type3A, %convert_element_type3A, %convert_element_type3A, %convert_element_type3A, %convert_element_type3A, %convert_element_type3A, %convert_element_type3A, %convert_element_type3A in 1 : vector<12800x19xbf16>, vector<12800x19xbf16>, vector<12800x19xbf16>, vector<12800x19xbf16>, vector<12800x19xbf16>, vector<12800x19xbf16>, vector<12800x19xbf16>, vector<12800x19xbf16> -> vector<12800x152xbf16>
    %jit3A_115 = arith.constant 0.000000e+00 : bf16
    %broadcast_in_dim3A_116 = vector.broadcast %jit3A_115 : bf16 to vector<12800x152xbf16>
    %select_n3A_117 = arith.select %eq3A_114, %concatenate3A, %broadcast_in_dim3A_116 : vector<12800x152xi1>, vector<12800x152xbf16>
    %slice3A_118 = vector.extract_strided_slice %select_n3A_117 {offsets = [0, 0], sizes = [256, 152], strides = [1, 1]} : vector<12800x152xbf16> to vector<256x152xbf16>
    %slice3A_119 = vector.extract_strided_slice %get3A_1 {offsets = [0, 0], sizes = [256, 128], strides = [1, 1]} : vector<12800x128xbf16> to vector<256x128xbf16>
    %dot_general3A_120 = arith.constant dense<0.000000e+00> : vector<152x128xf32>
    %dot_general3A_121 = tpu.matmul %slice3A_118, %slice3A_119, %dot_general3A_120 {dimension_numbers = #tpu.dot_dimension_numbers<[0], [0], [1], [1], [0, 1, 1, 1], [], []>, transpose_lhs_hint = false} : vector<256x152xbf16>, vector<256x128xbf16>, vector<152x128xf32> -> vector<152x128xf32>
    %slice3A_122 = vector.extract_strided_slice %select_n3A_117 {offsets = [256, 0], sizes = [256, 152], strides = [1, 1]} : vector<12800x152xbf16> to vector<256x152xbf16>
    %slice3A_123 = vector.extract_strided_slice %get3A_1 {offsets = [256, 0], sizes = [256, 128], strides = [1, 1]} : vector<12800x128xbf16> to vector<256x128xbf16>
    %dot_general3A_124 = arith.constant dense<0.000000e+00> : vector<152x128xf32>
    %dot_general3A_125 = tpu.matmul %slice3A_122, %slice3A_123, %dot_general3A_124 {dimension_numbers = #tpu.dot_dimension_numbers<[0], [0], [1], [1], [0, 1, 1, 1], [], []>, transpose_lhs_hint = false} : vector<256x152xbf16>, vector<256x128xbf16>, vector<152x128xf32> -> vector<152x128xf32>
    %slice3A_126 = vector.extract_strided_slice %select_n3A_117 {offsets = [512, 0], sizes = [256, 152], strides = [1, 1]} : vector<12800x152xbf16> to vector<256x152xbf16>
    %slice3A_127 = vector.extract_strided_slice %get3A_1 {offsets = [512, 0], sizes = [256, 128], strides = [1, 1]} : vector<12800x128xbf16> to vector<256x128xbf16>
    %dot_general3A_128 = arith.constant dense<0.000000e+00> : vector<152x128xf32>
    %dot_general3A_129 = tpu.matmul %slice3A_126, %slice3A_127, %dot_general3A_128 {dimension_numbers = #tpu.dot_dimension_numbers<[0], [0], [1], [1], [0, 1, 1, 1], [], []>, transpose_lhs_hint = false} : vector<256x152xbf16>, vector<256x128xbf16>, vector<152x128xf32> -> vector<152x128xf32>
    %slice3A_130 = vector.extract_strided_slice %select_n3A_117 {offsets = [768, 0], sizes = [256, 152], strides = [1, 1]} : vector<12800x152xbf16> to vector<256x152xbf16>
    %slice3A_131 = vector.extract_strided_slice %get3A_1 {offsets = [768, 0], sizes = [256, 128], strides = [1, 1]} : vector<12800x128xbf16> to vector<256x128xbf16>
    %dot_general3A_132 = arith.constant dense<0.000000e+00> : vector<152x128xf32>
    %dot_general3A_133 = tpu.matmul %slice3A_130, %slice3A_131, %dot_general3A_132 {dimension_numbers = #tpu.dot_dimension_numbers<[0], [0], [1], [1], [0, 1, 1, 1], [], []>, transpose_lhs_hint = false} : vector<256x152xbf16>, vector<256x128xbf16>, vector<152x128xf32> -> vector<152x128xf32>
    %slice3A_134 = vector.extract_strided_slice %select_n3A_117 {offsets = [1024, 0], sizes = [256, 152], strides = [1, 1]} : vector<12800x152xbf16> to vector<256x152xbf16>
    %slice3A_135 = vector.extract_strided_slice %get3A_1 {offsets = [1024, 0], sizes = [256, 128], strides = [1, 1]} : vector<12800x128xbf16> to vector<256x128xbf16>
    %dot_general3A_136 = arith.constant dense<0.000000e+00> : vector<152x128xf32>
    %dot_general3A_137 = tpu.matmul %slice3A_134, %slice3A_135, %dot_general3A_136 {dimension_numbers = #tpu.dot_dimension_numbers<[0], [0], [1], [1], [0, 1, 1, 1], [], []>, transpose_lhs_hint = false} : vector<256x152xbf16>, vector<256x128xbf16>, vector<152x128xf32> -> vector<152x128xf32>
    %slice3A_138 = vector.extract_strided_slice %select_n3A_117 {offsets = [1280, 0], sizes = [256, 152], strides = [1, 1]} : vector<12800x152xbf16> to vector<256x152xbf16>
    %slice3A_139 = vector.extract_strided_slice %get3A_1 {offsets = [1280, 0], sizes = [256, 128], strides = [1, 1]} : vector<12800x128xbf16> to vector<256x128xbf16>
    %dot_general3A_140 = arith.constant dense<0.000000e+00> : vector<152x128xf32>
    %dot_general3A_141 = tpu.matmul %slice3A_138, %slice3A_139, %dot_general3A_140 {dimension_numbers = #tpu.dot_dimension_numbers<[0], [0], [1], [1], [0, 1, 1, 1], [], []>, transpose_lhs_hint = false} : vector<256x152xbf16>, vector<256x128xbf16>, vector<152x128xf32> -> vector<152x128xf32>
    %slice3A_142 = vector.extract_strided_slice %select_n3A_117 {offsets = [1536, 0], sizes = [256, 152], strides = [1, 1]} : vector<12800x152xbf16> to vector<256x152xbf16>
    %slice3A_143 = vector.extract_strided_slice %get3A_1 {offsets = [1536, 0], sizes = [256, 128], strides = [1, 1]} : vector<12800x128xbf16> to vector<256x128xbf16>
    %dot_general3A_144 = arith.constant dense<0.000000e+00> : vector<152x128xf32>
    %dot_general3A_145 = tpu.matmul %slice3A_142, %slice3A_143, %dot_general3A_144 {dimension_numbers = #tpu.dot_dimension_numbers<[0], [0], [1], [1], [0, 1, 1, 1], [], []>, transpose_lhs_hint = false} : vector<256x152xbf16>, vector<256x128xbf16>, vector<152x128xf32> -> vector<152x128xf32>
    %slice3A_146 = vector.extract_strided_slice %select_n3A_117 {offsets = [1792, 0], sizes = [256, 152], strides = [1, 1]} : vector<12800x152xbf16> to vector<256x152xbf16>
    %slice3A_147 = vector.extract_strided_slice %get3A_1 {offsets = [1792, 0], sizes = [256, 128], strides = [1, 1]} : vector<12800x128xbf16> to vector<256x128xbf16>
    %dot_general3A_148 = arith.constant dense<0.000000e+00> : vector<152x128xf32>
    %dot_general3A_149 = tpu.matmul %slice3A_146, %slice3A_147, %dot_general3A_148 {dimension_numbers = #tpu.dot_dimension_numbers<[0], [0], [1], [1], [0, 1, 1, 1], [], []>, transpose_lhs_hint = false} : vector<256x152xbf16>, vector<256x128xbf16>, vector<152x128xf32> -> vector<152x128xf32>
    %slice3A_150 = vector.extract_strided_slice %select_n3A_117 {offsets = [2048, 0], sizes = [256, 152], strides = [1, 1]} : vector<12800x152xbf16> to vector<256x152xbf16>
    %slice3A_151 = vector.extract_strided_slice %get3A_1 {offsets = [2048, 0], sizes = [256, 128], strides = [1, 1]} : vector<12800x128xbf16> to vector<256x128xbf16>
    %dot_general3A_152 = arith.constant dense<0.000000e+00> : vector<152x128xf32>
    %dot_general3A_153 = tpu.matmul %slice3A_150, %slice3A_151, %dot_general3A_152 {dimension_numbers = #tpu.dot_dimension_numbers<[0], [0], [1], [1], [0, 1, 1, 1], [], []>, transpose_lhs_hint = false} : vector<256x152xbf16>, vector<256x128xbf16>, vector<152x128xf32> -> vector<152x128xf32>
    %slice3A_154 = vector.extract_strided_slice %select_n3A_117 {offsets = [2304, 0], sizes = [256, 152], strides = [1, 1]} : vector<12800x152xbf16> to vector<256x152xbf16>
    %slice3A_155 = vector.extract_strided_slice %get3A_1 {offsets = [2304, 0], sizes = [256, 128], strides = [1, 1]} : vector<12800x128xbf16> to vector<256x128xbf16>
    %dot_general3A_156 = arith.constant dense<0.000000e+00> : vector<152x128xf32>
    %dot_general3A_157 = tpu.matmul %slice3A_154, %slice3A_155, %dot_general3A_156 {dimension_numbers = #tpu.dot_dimension_numbers<[0], [0], [1], [1], [0, 1, 1, 1], [], []>, transpose_lhs_hint = false} : vector<256x152xbf16>, vector<256x128xbf16>, vector<152x128xf32> -> vector<152x128xf32>
    %slice3A_158 = vector.extract_strided_slice %select_n3A_117 {offsets = [2560, 0], sizes = [256, 152], strides = [1, 1]} : vector<12800x152xbf16> to vector<256x152xbf16>
    %slice3A_159 = vector.extract_strided_slice %get3A_1 {offsets = [2560, 0], sizes = [256, 128], strides = [1, 1]} : vector<12800x128xbf16> to vector<256x128xbf16>
    %dot_general3A_160 = arith.constant dense<0.000000e+00> : vector<152x128xf32>
    %dot_general3A_161 = tpu.matmul %slice3A_158, %slice3A_159, %dot_general3A_160 {dimension_numbers = #tpu.dot_dimension_numbers<[0], [0], [1], [1], [0, 1, 1, 1], [], []>, transpose_lhs_hint = false} : vector<256x152xbf16>, vector<256x128xbf16>, vector<152x128xf32> -> vector<152x128xf32>
    %slice3A_162 = vector.extract_strided_slice %select_n3A_117 {offsets = [2816, 0], sizes = [256, 152], strides = [1, 1]} : vector<12800x152xbf16> to vector<256x152xbf16>
    %slice3A_163 = vector.extract_strided_slice %get3A_1 {offsets = [2816, 0], sizes = [256, 128], strides = [1, 1]} : vector<12800x128xbf16> to vector<256x128xbf16>
    %dot_general3A_164 = arith.constant dense<0.000000e+00> : vector<152x128xf32>
    %dot_general3A_165 = tpu.matmul %slice3A_162, %slice3A_163, %dot_general3A_164 {dimension_numbers = #tpu.dot_dimension_numbers<[0], [0], [1], [1], [0, 1, 1, 1], [], []>, transpose_lhs_hint = false} : vector<256x152xbf16>, vector<256x128xbf16>, vector<152x128xf32> -> vector<152x128xf32>
    %slice3A_166 = vector.extract_strided_slice %select_n3A_117 {offsets = [3072, 0], sizes = [256, 152], strides = [1, 1]} : vector<12800x152xbf16> to vector<256x152xbf16>
    %slice3A_167 = vector.extract_strided_slice %get3A_1 {offsets = [3072, 0], sizes = [256, 128], strides = [1, 1]} : vector<12800x128xbf16> to vector<256x128xbf16>
    %dot_general3A_168 = arith.constant dense<0.000000e+00> : vector<152x128xf32>
    %dot_general3A_169 = tpu.matmul %slice3A_166, %slice3A_167, %dot_general3A_168 {dimension_numbers = #tpu.dot_dimension_numbers<[0], [0], [1], [1], [0, 1, 1, 1], [], []>, transpose_lhs_hint = false} : vector<256x152xbf16>, vector<256x128xbf16>, vector<152x128xf32> -> vector<152x128xf32>
    %slice3A_170 = vector.extract_strided_slice %select_n3A_117 {offsets = [3328, 0], sizes = [256, 152], strides = [1, 1]} : vector<12800x152xbf16> to vector<256x152xbf16>
    %slice3A_171 = vector.extract_strided_slice %get3A_1 {offsets = [3328, 0], sizes = [256, 128], strides = [1, 1]} : vector<12800x128xbf16> to vector<256x128xbf16>
    %dot_general3A_172 = arith.constant dense<0.000000e+00> : vector<152x128xf32>
    %dot_general3A_173 = tpu.matmul %slice3A_170, %slice3A_171, %dot_general3A_172 {dimension_numbers = #tpu.dot_dimension_numbers<[0], [0], [1], [1], [0, 1, 1, 1], [], []>, transpose_lhs_hint = false} : vector<256x152xbf16>, vector<256x128xbf16>, vector<152x128xf32> -> vector<152x128xf32>
    %slice3A_174 = vector.extract_strided_slice %select_n3A_117 {offsets = [3584, 0], sizes = [256, 152], strides = [1, 1]} : vector<12800x152xbf16> to vector<256x152xbf16>
    %slice3A_175 = vector.extract_strided_slice %get3A_1 {offsets = [3584, 0], sizes = [256, 128], strides = [1, 1]} : vector<12800x128xbf16> to vector<256x128xbf16>
    %dot_general3A_176 = arith.constant dense<0.000000e+00> : vector<152x128xf32>
    %dot_general3A_177 = tpu.matmul %slice3A_174, %slice3A_175, %dot_general3A_176 {dimension_numbers = #tpu.dot_dimension_numbers<[0], [0], [1], [1], [0, 1, 1, 1], [], []>, transpose_lhs_hint = false} : vector<256x152xbf16>, vector<256x128xbf16>, vector<152x128xf32> -> vector<152x128xf32>
    %slice3A_178 = vector.extract_strided_slice %select_n3A_117 {offsets = [3840, 0], sizes = [256, 152], strides = [1, 1]} : vector<12800x152xbf16> to vector<256x152xbf16>
    %slice3A_179 = vector.extract_strided_slice %get3A_1 {offsets = [3840, 0], sizes = [256, 128], strides = [1, 1]} : vector<12800x128xbf16> to vector<256x128xbf16>
    %dot_general3A_180 = arith.constant dense<0.000000e+00> : vector<152x128xf32>
    %dot_general3A_181 = tpu.matmul %slice3A_178, %slice3A_179, %dot_general3A_180 {dimension_numbers = #tpu.dot_dimension_numbers<[0], [0], [1], [1], [0, 1, 1, 1], [], []>, transpose_lhs_hint = false} : vector<256x152xbf16>, vector<256x128xbf16>, vector<152x128xf32> -> vector<152x128xf32>
    %slice3A_182 = vector.extract_strided_slice %select_n3A_117 {offsets = [4096, 0], sizes = [256, 152], strides = [1, 1]} : vector<12800x152xbf16> to vector<256x152xbf16>
    %slice3A_183 = vector.extract_strided_slice %get3A_1 {offsets = [4096, 0], sizes = [256, 128], strides = [1, 1]} : vector<12800x128xbf16> to vector<256x128xbf16>
    %dot_general3A_184 = arith.constant dense<0.000000e+00> : vector<152x128xf32>
    %dot_general3A_185 = tpu.matmul %slice3A_182, %slice3A_183, %dot_general3A_184 {dimension_numbers = #tpu.dot_dimension_numbers<[0], [0], [1], [1], [0, 1, 1, 1], [], []>, transpose_lhs_hint = false} : vector<256x152xbf16>, vector<256x128xbf16>, vector<152x128xf32> -> vector<152x128xf32>
    %slice3A_186 = vector.extract_strided_slice %select_n3A_117 {offsets = [4352, 0], sizes = [256, 152], strides = [1, 1]} : vector<12800x152xbf16> to vector<256x152xbf16>
    %slice3A_187 = vector.extract_strided_slice %get3A_1 {offsets = [4352, 0], sizes = [256, 128], strides = [1, 1]} : vector<12800x128xbf16> to vector<256x128xbf16>
    %dot_general3A_188 = arith.constant dense<0.000000e+00> : vector<152x128xf32>
    %dot_general3A_189 = tpu.matmul %slice3A_186, %slice3A_187, %dot_general3A_188 {dimension_numbers = #tpu.dot_dimension_numbers<[0], [0], [1], [1], [0, 1, 1, 1], [], []>, transpose_lhs_hint = false} : vector<256x152xbf16>, vector<256x128xbf16>, vector<152x128xf32> -> vector<152x128xf32>
    %slice3A_190 = vector.extract_strided_slice %select_n3A_117 {offsets = [4608, 0], sizes = [256, 152], strides = [1, 1]} : vector<12800x152xbf16> to vector<256x152xbf16>
    %slice3A_191 = vector.extract_strided_slice %get3A_1 {offsets = [4608, 0], sizes = [256, 128], strides = [1, 1]} : vector<12800x128xbf16> to vector<256x128xbf16>
    %dot_general3A_192 = arith.constant dense<0.000000e+00> : vector<152x128xf32>
    %dot_general3A_193 = tpu.matmul %slice3A_190, %slice3A_191, %dot_general3A_192 {dimension_numbers = #tpu.dot_dimension_numbers<[0], [0], [1], [1], [0, 1, 1, 1], [], []>, transpose_lhs_hint = false} : vector<256x152xbf16>, vector<256x128xbf16>, vector<152x128xf32> -> vector<152x128xf32>
    %slice3A_194 = vector.extract_strided_slice %select_n3A_117 {offsets = [4864, 0], sizes = [256, 152], strides = [1, 1]} : vector<12800x152xbf16> to vector<256x152xbf16>
    %slice3A_195 = vector.extract_strided_slice %get3A_1 {offsets = [4864, 0], sizes = [256, 128], strides = [1, 1]} : vector<12800x128xbf16> to vector<256x128xbf16>
    %dot_general3A_196 = arith.constant dense<0.000000e+00> : vector<152x128xf32>
    %dot_general3A_197 = tpu.matmul %slice3A_194, %slice3A_195, %dot_general3A_196 {dimension_numbers = #tpu.dot_dimension_numbers<[0], [0], [1], [1], [0, 1, 1, 1], [], []>, transpose_lhs_hint = false} : vector<256x152xbf16>, vector<256x128xbf16>, vector<152x128xf32> -> vector<152x128xf32>
    %slice3A_198 = vector.extract_strided_slice %select_n3A_117 {offsets = [5120, 0], sizes = [256, 152], strides = [1, 1]} : vector<12800x152xbf16> to vector<256x152xbf16>
    %slice3A_199 = vector.extract_strided_slice %get3A_1 {offsets = [5120, 0], sizes = [256, 128], strides = [1, 1]} : vector<12800x128xbf16> to vector<256x128xbf16>
    %dot_general3A_200 = arith.constant dense<0.000000e+00> : vector<152x128xf32>
    %dot_general3A_201 = tpu.matmul %slice3A_198, %slice3A_199, %dot_general3A_200 {dimension_numbers = #tpu.dot_dimension_numbers<[0], [0], [1], [1], [0, 1, 1, 1], [], []>, transpose_lhs_hint = false} : vector<256x152xbf16>, vector<256x128xbf16>, vector<152x128xf32> -> vector<152x128xf32>
    %slice3A_202 = vector.extract_strided_slice %select_n3A_117 {offsets = [5376, 0], sizes = [256, 152], strides = [1, 1]} : vector<12800x152xbf16> to vector<256x152xbf16>
    %slice3A_203 = vector.extract_strided_slice %get3A_1 {offsets = [5376, 0], sizes = [256, 128], strides = [1, 1]} : vector<12800x128xbf16> to vector<256x128xbf16>
    %dot_general3A_204 = arith.constant dense<0.000000e+00> : vector<152x128xf32>
    %dot_general3A_205 = tpu.matmul %slice3A_202, %slice3A_203, %dot_general3A_204 {dimension_numbers = #tpu.dot_dimension_numbers<[0], [0], [1], [1], [0, 1, 1, 1], [], []>, transpose_lhs_hint = false} : vector<256x152xbf16>, vector<256x128xbf16>, vector<152x128xf32> -> vector<152x128xf32>
    %slice3A_206 = vector.extract_strided_slice %select_n3A_117 {offsets = [5632, 0], sizes = [256, 152], strides = [1, 1]} : vector<12800x152xbf16> to vector<256x152xbf16>
    %slice3A_207 = vector.extract_strided_slice %get3A_1 {offsets = [5632, 0], sizes = [256, 128], strides = [1, 1]} : vector<12800x128xbf16> to vector<256x128xbf16>
    %dot_general3A_208 = arith.constant dense<0.000000e+00> : vector<152x128xf32>
    %dot_general3A_209 = tpu.matmul %slice3A_206, %slice3A_207, %dot_general3A_208 {dimension_numbers = #tpu.dot_dimension_numbers<[0], [0], [1], [1], [0, 1, 1, 1], [], []>, transpose_lhs_hint = false} : vector<256x152xbf16>, vector<256x128xbf16>, vector<152x128xf32> -> vector<152x128xf32>
    %slice3A_210 = vector.extract_strided_slice %select_n3A_117 {offsets = [5888, 0], sizes = [256, 152], strides = [1, 1]} : vector<12800x152xbf16> to vector<256x152xbf16>
    %slice3A_211 = vector.extract_strided_slice %get3A_1 {offsets = [5888, 0], sizes = [256, 128], strides = [1, 1]} : vector<12800x128xbf16> to vector<256x128xbf16>
    %dot_general3A_212 = arith.constant dense<0.000000e+00> : vector<152x128xf32>
    %dot_general3A_213 = tpu.matmul %slice3A_210, %slice3A_211, %dot_general3A_212 {dimension_numbers = #tpu.dot_dimension_numbers<[0], [0], [1], [1], [0, 1, 1, 1], [], []>, transpose_lhs_hint = false} : vector<256x152xbf16>, vector<256x128xbf16>, vector<152x128xf32> -> vector<152x128xf32>
    %slice3A_214 = vector.extract_strided_slice %select_n3A_117 {offsets = [6144, 0], sizes = [256, 152], strides = [1, 1]} : vector<12800x152xbf16> to vector<256x152xbf16>
    %slice3A_215 = vector.extract_strided_slice %get3A_1 {offsets = [6144, 0], sizes = [256, 128], strides = [1, 1]} : vector<12800x128xbf16> to vector<256x128xbf16>
    %dot_general3A_216 = arith.constant dense<0.000000e+00> : vector<152x128xf32>
    %dot_general3A_217 = tpu.matmul %slice3A_214, %slice3A_215, %dot_general3A_216 {dimension_numbers = #tpu.dot_dimension_numbers<[0], [0], [1], [1], [0, 1, 1, 1], [], []>, transpose_lhs_hint = false} : vector<256x152xbf16>, vector<256x128xbf16>, vector<152x128xf32> -> vector<152x128xf32>
    %slice3A_218 = vector.extract_strided_slice %select_n3A_117 {offsets = [6400, 0], sizes = [256, 152], strides = [1, 1]} : vector<12800x152xbf16> to vector<256x152xbf16>
    %slice3A_219 = vector.extract_strided_slice %get3A_1 {offsets = [6400, 0], sizes = [256, 128], strides = [1, 1]} : vector<12800x128xbf16> to vector<256x128xbf16>
    %dot_general3A_220 = arith.constant dense<0.000000e+00> : vector<152x128xf32>
    %dot_general3A_221 = tpu.matmul %slice3A_218, %slice3A_219, %dot_general3A_220 {dimension_numbers = #tpu.dot_dimension_numbers<[0], [0], [1], [1], [0, 1, 1, 1], [], []>, transpose_lhs_hint = false} : vector<256x152xbf16>, vector<256x128xbf16>, vector<152x128xf32> -> vector<152x128xf32>
    %slice3A_222 = vector.extract_strided_slice %select_n3A_117 {offsets = [6656, 0], sizes = [256, 152], strides = [1, 1]} : vector<12800x152xbf16> to vector<256x152xbf16>
    %slice3A_223 = vector.extract_strided_slice %get3A_1 {offsets = [6656, 0], sizes = [256, 128], strides = [1, 1]} : vector<12800x128xbf16> to vector<256x128xbf16>
    %dot_general3A_224 = arith.constant dense<0.000000e+00> : vector<152x128xf32>
    %dot_general3A_225 = tpu.matmul %slice3A_222, %slice3A_223, %dot_general3A_224 {dimension_numbers = #tpu.dot_dimension_numbers<[0], [0], [1], [1], [0, 1, 1, 1], [], []>, transpose_lhs_hint = false} : vector<256x152xbf16>, vector<256x128xbf16>, vector<152x128xf32> -> vector<152x128xf32>
    %slice3A_226 = vector.extract_strided_slice %select_n3A_117 {offsets = [6912, 0], sizes = [256, 152], strides = [1, 1]} : vector<12800x152xbf16> to vector<256x152xbf16>
    %slice3A_227 = vector.extract_strided_slice %get3A_1 {offsets = [6912, 0], sizes = [256, 128], strides = [1, 1]} : vector<12800x128xbf16> to vector<256x128xbf16>
    %dot_general3A_228 = arith.constant dense<0.000000e+00> : vector<152x128xf32>
    %dot_general3A_229 = tpu.matmul %slice3A_226, %slice3A_227, %dot_general3A_228 {dimension_numbers = #tpu.dot_dimension_numbers<[0], [0], [1], [1], [0, 1, 1, 1], [], []>, transpose_lhs_hint = false} : vector<256x152xbf16>, vector<256x128xbf16>, vector<152x128xf32> -> vector<152x128xf32>
    %slice3A_230 = vector.extract_strided_slice %select_n3A_117 {offsets = [7168, 0], sizes = [256, 152], strides = [1, 1]} : vector<12800x152xbf16> to vector<256x152xbf16>
    %slice3A_231 = vector.extract_strided_slice %get3A_1 {offsets = [7168, 0], sizes = [256, 128], strides = [1, 1]} : vector<12800x128xbf16> to vector<256x128xbf16>
    %dot_general3A_232 = arith.constant dense<0.000000e+00> : vector<152x128xf32>
    %dot_general3A_233 = tpu.matmul %slice3A_230, %slice3A_231, %dot_general3A_232 {dimension_numbers = #tpu.dot_dimension_numbers<[0], [0], [1], [1], [0, 1, 1, 1], [], []>, transpose_lhs_hint = false} : vector<256x152xbf16>, vector<256x128xbf16>, vector<152x128xf32> -> vector<152x128xf32>
    %slice3A_234 = vector.extract_strided_slice %select_n3A_117 {offsets = [7424, 0], sizes = [256, 152], strides = [1, 1]} : vector<12800x152xbf16> to vector<256x152xbf16>
    %slice3A_235 = vector.extract_strided_slice %get3A_1 {offsets = [7424, 0], sizes = [256, 128], strides = [1, 1]} : vector<12800x128xbf16> to vector<256x128xbf16>
    %dot_general3A_236 = arith.constant dense<0.000000e+00> : vector<152x128xf32>
    %dot_general3A_237 = tpu.matmul %slice3A_234, %slice3A_235, %dot_general3A_236 {dimension_numbers = #tpu.dot_dimension_numbers<[0], [0], [1], [1], [0, 1, 1, 1], [], []>, transpose_lhs_hint = false} : vector<256x152xbf16>, vector<256x128xbf16>, vector<152x128xf32> -> vector<152x128xf32>
    %slice3A_238 = vector.extract_strided_slice %select_n3A_117 {offsets = [7680, 0], sizes = [256, 152], strides = [1, 1]} : vector<12800x152xbf16> to vector<256x152xbf16>
    %slice3A_239 = vector.extract_strided_slice %get3A_1 {offsets = [7680, 0], sizes = [256, 128], strides = [1, 1]} : vector<12800x128xbf16> to vector<256x128xbf16>
    %dot_general3A_240 = arith.constant dense<0.000000e+00> : vector<152x128xf32>
    %dot_general3A_241 = tpu.matmul %slice3A_238, %slice3A_239, %dot_general3A_240 {dimension_numbers = #tpu.dot_dimension_numbers<[0], [0], [1], [1], [0, 1, 1, 1], [], []>, transpose_lhs_hint = false} : vector<256x152xbf16>, vector<256x128xbf16>, vector<152x128xf32> -> vector<152x128xf32>
    %slice3A_242 = vector.extract_strided_slice %select_n3A_117 {offsets = [7936, 0], sizes = [256, 152], strides = [1, 1]} : vector<12800x152xbf16> to vector<256x152xbf16>
    %slice3A_243 = vector.extract_strided_slice %get3A_1 {offsets = [7936, 0], sizes = [256, 128], strides = [1, 1]} : vector<12800x128xbf16> to vector<256x128xbf16>
    %dot_general3A_244 = arith.constant dense<0.000000e+00> : vector<152x128xf32>
    %dot_general3A_245 = tpu.matmul %slice3A_242, %slice3A_243, %dot_general3A_244 {dimension_numbers = #tpu.dot_dimension_numbers<[0], [0], [1], [1], [0, 1, 1, 1], [], []>, transpose_lhs_hint = false} : vector<256x152xbf16>, vector<256x128xbf16>, vector<152x128xf32> -> vector<152x128xf32>
    %slice3A_246 = vector.extract_strided_slice %select_n3A_117 {offsets = [8192, 0], sizes = [256, 152], strides = [1, 1]} : vector<12800x152xbf16> to vector<256x152xbf16>
    %slice3A_247 = vector.extract_strided_slice %get3A_1 {offsets = [8192, 0], sizes = [256, 128], strides = [1, 1]} : vector<12800x128xbf16> to vector<256x128xbf16>
    %dot_general3A_248 = arith.constant dense<0.000000e+00> : vector<152x128xf32>
    %dot_general3A_249 = tpu.matmul %slice3A_246, %slice3A_247, %dot_general3A_248 {dimension_numbers = #tpu.dot_dimension_numbers<[0], [0], [1], [1], [0, 1, 1, 1], [], []>, transpose_lhs_hint = false} : vector<256x152xbf16>, vector<256x128xbf16>, vector<152x128xf32> -> vector<152x128xf32>
    %slice3A_250 = vector.extract_strided_slice %select_n3A_117 {offsets = [8448, 0], sizes = [256, 152], strides = [1, 1]} : vector<12800x152xbf16> to vector<256x152xbf16>
    %slice3A_251 = vector.extract_strided_slice %get3A_1 {offsets = [8448, 0], sizes = [256, 128], strides = [1, 1]} : vector<12800x128xbf16> to vector<256x128xbf16>
    %dot_general3A_252 = arith.constant dense<0.000000e+00> : vector<152x128xf32>
    %dot_general3A_253 = tpu.matmul %slice3A_250, %slice3A_251, %dot_general3A_252 {dimension_numbers = #tpu.dot_dimension_numbers<[0], [0], [1], [1], [0, 1, 1, 1], [], []>, transpose_lhs_hint = false} : vector<256x152xbf16>, vector<256x128xbf16>, vector<152x128xf32> -> vector<152x128xf32>
    %slice3A_254 = vector.extract_strided_slice %select_n3A_117 {offsets = [8704, 0], sizes = [256, 152], strides = [1, 1]} : vector<12800x152xbf16> to vector<256x152xbf16>
    %slice3A_255 = vector.extract_strided_slice %get3A_1 {offsets = [8704, 0], sizes = [256, 128], strides = [1, 1]} : vector<12800x128xbf16> to vector<256x128xbf16>
    %dot_general3A_256 = arith.constant dense<0.000000e+00> : vector<152x128xf32>
    %dot_general3A_257 = tpu.matmul %slice3A_254, %slice3A_255, %dot_general3A_256 {dimension_numbers = #tpu.dot_dimension_numbers<[0], [0], [1], [1], [0, 1, 1, 1], [], []>, transpose_lhs_hint = false} : vector<256x152xbf16>, vector<256x128xbf16>, vector<152x128xf32> -> vector<152x128xf32>
    %slice3A_258 = vector.extract_strided_slice %select_n3A_117 {offsets = [8960, 0], sizes = [256, 152], strides = [1, 1]} : vector<12800x152xbf16> to vector<256x152xbf16>
    %slice3A_259 = vector.extract_strided_slice %get3A_1 {offsets = [8960, 0], sizes = [256, 128], strides = [1, 1]} : vector<12800x128xbf16> to vector<256x128xbf16>
    %dot_general3A_260 = arith.constant dense<0.000000e+00> : vector<152x128xf32>
    %dot_general3A_261 = tpu.matmul %slice3A_258, %slice3A_259, %dot_general3A_260 {dimension_numbers = #tpu.dot_dimension_numbers<[0], [0], [1], [1], [0, 1, 1, 1], [], []>, transpose_lhs_hint = false} : vector<256x152xbf16>, vector<256x128xbf16>, vector<152x128xf32> -> vector<152x128xf32>
    %slice3A_262 = vector.extract_strided_slice %select_n3A_117 {offsets = [9216, 0], sizes = [256, 152], strides = [1, 1]} : vector<12800x152xbf16> to vector<256x152xbf16>
    %slice3A_263 = vector.extract_strided_slice %get3A_1 {offsets = [9216, 0], sizes = [256, 128], strides = [1, 1]} : vector<12800x128xbf16> to vector<256x128xbf16>
    %dot_general3A_264 = arith.constant dense<0.000000e+00> : vector<152x128xf32>
    %dot_general3A_265 = tpu.matmul %slice3A_262, %slice3A_263, %dot_general3A_264 {dimension_numbers = #tpu.dot_dimension_numbers<[0], [0], [1], [1], [0, 1, 1, 1], [], []>, transpose_lhs_hint = false} : vector<256x152xbf16>, vector<256x128xbf16>, vector<152x128xf32> -> vector<152x128xf32>
    %slice3A_266 = vector.extract_strided_slice %select_n3A_117 {offsets = [9472, 0], sizes = [256, 152], strides = [1, 1]} : vector<12800x152xbf16> to vector<256x152xbf16>
    %slice3A_267 = vector.extract_strided_slice %get3A_1 {offsets = [9472, 0], sizes = [256, 128], strides = [1, 1]} : vector<12800x128xbf16> to vector<256x128xbf16>
    %dot_general3A_268 = arith.constant dense<0.000000e+00> : vector<152x128xf32>
    %dot_general3A_269 = tpu.matmul %slice3A_266, %slice3A_267, %dot_general3A_268 {dimension_numbers = #tpu.dot_dimension_numbers<[0], [0], [1], [1], [0, 1, 1, 1], [], []>, transpose_lhs_hint = false} : vector<256x152xbf16>, vector<256x128xbf16>, vector<152x128xf32> -> vector<152x128xf32>
    %slice3A_270 = vector.extract_strided_slice %select_n3A_117 {offsets = [9728, 0], sizes = [256, 152], strides = [1, 1]} : vector<12800x152xbf16> to vector<256x152xbf16>
    %slice3A_271 = vector.extract_strided_slice %get3A_1 {offsets = [9728, 0], sizes = [256, 128], strides = [1, 1]} : vector<12800x128xbf16> to vector<256x128xbf16>
    %dot_general3A_272 = arith.constant dense<0.000000e+00> : vector<152x128xf32>
    %dot_general3A_273 = tpu.matmul %slice3A_270, %slice3A_271, %dot_general3A_272 {dimension_numbers = #tpu.dot_dimension_numbers<[0], [0], [1], [1], [0, 1, 1, 1], [], []>, transpose_lhs_hint = false} : vector<256x152xbf16>, vector<256x128xbf16>, vector<152x128xf32> -> vector<152x128xf32>
    %slice3A_274 = vector.extract_strided_slice %select_n3A_117 {offsets = [9984, 0], sizes = [256, 152], strides = [1, 1]} : vector<12800x152xbf16> to vector<256x152xbf16>
    %slice3A_275 = vector.extract_strided_slice %get3A_1 {offsets = [9984, 0], sizes = [256, 128], strides = [1, 1]} : vector<12800x128xbf16> to vector<256x128xbf16>
    %dot_general3A_276 = arith.constant dense<0.000000e+00> : vector<152x128xf32>
    %dot_general3A_277 = tpu.matmul %slice3A_274, %slice3A_275, %dot_general3A_276 {dimension_numbers = #tpu.dot_dimension_numbers<[0], [0], [1], [1], [0, 1, 1, 1], [], []>, transpose_lhs_hint = false} : vector<256x152xbf16>, vector<256x128xbf16>, vector<152x128xf32> -> vector<152x128xf32>
    %slice3A_278 = vector.extract_strided_slice %select_n3A_117 {offsets = [10240, 0], sizes = [256, 152], strides = [1, 1]} : vector<12800x152xbf16> to vector<256x152xbf16>
    %slice3A_279 = vector.extract_strided_slice %get3A_1 {offsets = [10240, 0], sizes = [256, 128], strides = [1, 1]} : vector<12800x128xbf16> to vector<256x128xbf16>
    %dot_general3A_280 = arith.constant dense<0.000000e+00> : vector<152x128xf32>
    %dot_general3A_281 = tpu.matmul %slice3A_278, %slice3A_279, %dot_general3A_280 {dimension_numbers = #tpu.dot_dimension_numbers<[0], [0], [1], [1], [0, 1, 1, 1], [], []>, transpose_lhs_hint = false} : vector<256x152xbf16>, vector<256x128xbf16>, vector<152x128xf32> -> vector<152x128xf32>
    %slice3A_282 = vector.extract_strided_slice %select_n3A_117 {offsets = [10496, 0], sizes = [256, 152], strides = [1, 1]} : vector<12800x152xbf16> to vector<256x152xbf16>
    %slice3A_283 = vector.extract_strided_slice %get3A_1 {offsets = [10496, 0], sizes = [256, 128], strides = [1, 1]} : vector<12800x128xbf16> to vector<256x128xbf16>
    %dot_general3A_284 = arith.constant dense<0.000000e+00> : vector<152x128xf32>
    %dot_general3A_285 = tpu.matmul %slice3A_282, %slice3A_283, %dot_general3A_284 {dimension_numbers = #tpu.dot_dimension_numbers<[0], [0], [1], [1], [0, 1, 1, 1], [], []>, transpose_lhs_hint = false} : vector<256x152xbf16>, vector<256x128xbf16>, vector<152x128xf32> -> vector<152x128xf32>
    %slice3A_286 = vector.extract_strided_slice %select_n3A_117 {offsets = [10752, 0], sizes = [256, 152], strides = [1, 1]} : vector<12800x152xbf16> to vector<256x152xbf16>
    %slice3A_287 = vector.extract_strided_slice %get3A_1 {offsets = [10752, 0], sizes = [256, 128], strides = [1, 1]} : vector<12800x128xbf16> to vector<256x128xbf16>
    %dot_general3A_288 = arith.constant dense<0.000000e+00> : vector<152x128xf32>
    %dot_general3A_289 = tpu.matmul %slice3A_286, %slice3A_287, %dot_general3A_288 {dimension_numbers = #tpu.dot_dimension_numbers<[0], [0], [1], [1], [0, 1, 1, 1], [], []>, transpose_lhs_hint = false} : vector<256x152xbf16>, vector<256x128xbf16>, vector<152x128xf32> -> vector<152x128xf32>
    %slice3A_290 = vector.extract_strided_slice %select_n3A_117 {offsets = [11008, 0], sizes = [256, 152], strides = [1, 1]} : vector<12800x152xbf16> to vector<256x152xbf16>
    %slice3A_291 = vector.extract_strided_slice %get3A_1 {offsets = [11008, 0], sizes = [256, 128], strides = [1, 1]} : vector<12800x128xbf16> to vector<256x128xbf16>
    %dot_general3A_292 = arith.constant dense<0.000000e+00> : vector<152x128xf32>
    %dot_general3A_293 = tpu.matmul %slice3A_290, %slice3A_291, %dot_general3A_292 {dimension_numbers = #tpu.dot_dimension_numbers<[0], [0], [1], [1], [0, 1, 1, 1], [], []>, transpose_lhs_hint = false} : vector<256x152xbf16>, vector<256x128xbf16>, vector<152x128xf32> -> vector<152x128xf32>
    %slice3A_294 = vector.extract_strided_slice %select_n3A_117 {offsets = [11264, 0], sizes = [256, 152], strides = [1, 1]} : vector<12800x152xbf16> to vector<256x152xbf16>
    %slice3A_295 = vector.extract_strided_slice %get3A_1 {offsets = [11264, 0], sizes = [256, 128], strides = [1, 1]} : vector<12800x128xbf16> to vector<256x128xbf16>
    %dot_general3A_296 = arith.constant dense<0.000000e+00> : vector<152x128xf32>
    %dot_general3A_297 = tpu.matmul %slice3A_294, %slice3A_295, %dot_general3A_296 {dimension_numbers = #tpu.dot_dimension_numbers<[0], [0], [1], [1], [0, 1, 1, 1], [], []>, transpose_lhs_hint = false} : vector<256x152xbf16>, vector<256x128xbf16>, vector<152x128xf32> -> vector<152x128xf32>
    %slice3A_298 = vector.extract_strided_slice %select_n3A_117 {offsets = [11520, 0], sizes = [256, 152], strides = [1, 1]} : vector<12800x152xbf16> to vector<256x152xbf16>
    %slice3A_299 = vector.extract_strided_slice %get3A_1 {offsets = [11520, 0], sizes = [256, 128], strides = [1, 1]} : vector<12800x128xbf16> to vector<256x128xbf16>
    %dot_general3A_300 = arith.constant dense<0.000000e+00> : vector<152x128xf32>
    %dot_general3A_301 = tpu.matmul %slice3A_298, %slice3A_299, %dot_general3A_300 {dimension_numbers = #tpu.dot_dimension_numbers<[0], [0], [1], [1], [0, 1, 1, 1], [], []>, transpose_lhs_hint = false} : vector<256x152xbf16>, vector<256x128xbf16>, vector<152x128xf32> -> vector<152x128xf32>
    %slice3A_302 = vector.extract_strided_slice %select_n3A_117 {offsets = [11776, 0], sizes = [256, 152], strides = [1, 1]} : vector<12800x152xbf16> to vector<256x152xbf16>
    %slice3A_303 = vector.extract_strided_slice %get3A_1 {offsets = [11776, 0], sizes = [256, 128], strides = [1, 1]} : vector<12800x128xbf16> to vector<256x128xbf16>
    %dot_general3A_304 = arith.constant dense<0.000000e+00> : vector<152x128xf32>
    %dot_general3A_305 = tpu.matmul %slice3A_302, %slice3A_303, %dot_general3A_304 {dimension_numbers = #tpu.dot_dimension_numbers<[0], [0], [1], [1], [0, 1, 1, 1], [], []>, transpose_lhs_hint = false} : vector<256x152xbf16>, vector<256x128xbf16>, vector<152x128xf32> -> vector<152x128xf32>
    %slice3A_306 = vector.extract_strided_slice %select_n3A_117 {offsets = [12032, 0], sizes = [256, 152], strides = [1, 1]} : vector<12800x152xbf16> to vector<256x152xbf16>
    %slice3A_307 = vector.extract_strided_slice %get3A_1 {offsets = [12032, 0], sizes = [256, 128], strides = [1, 1]} : vector<12800x128xbf16> to vector<256x128xbf16>
    %dot_general3A_308 = arith.constant dense<0.000000e+00> : vector<152x128xf32>
    %dot_general3A_309 = tpu.matmul %slice3A_306, %slice3A_307, %dot_general3A_308 {dimension_numbers = #tpu.dot_dimension_numbers<[0], [0], [1], [1], [0, 1, 1, 1], [], []>, transpose_lhs_hint = false} : vector<256x152xbf16>, vector<256x128xbf16>, vector<152x128xf32> -> vector<152x128xf32>
    %slice3A_310 = vector.extract_strided_slice %select_n3A_117 {offsets = [12288, 0], sizes = [256, 152], strides = [1, 1]} : vector<12800x152xbf16> to vector<256x152xbf16>
    %slice3A_311 = vector.extract_strided_slice %get3A_1 {offsets = [12288, 0], sizes = [256, 128], strides = [1, 1]} : vector<12800x128xbf16> to vector<256x128xbf16>
    %dot_general3A_312 = arith.constant dense<0.000000e+00> : vector<152x128xf32>
    %dot_general3A_313 = tpu.matmul %slice3A_310, %slice3A_311, %dot_general3A_312 {dimension_numbers = #tpu.dot_dimension_numbers<[0], [0], [1], [1], [0, 1, 1, 1], [], []>, transpose_lhs_hint = false} : vector<256x152xbf16>, vector<256x128xbf16>, vector<152x128xf32> -> vector<152x128xf32>
    %slice3A_314 = vector.extract_strided_slice %select_n3A_117 {offsets = [12544, 0], sizes = [256, 152], strides = [1, 1]} : vector<12800x152xbf16> to vector<256x152xbf16>
    %slice3A_315 = vector.extract_strided_slice %get3A_1 {offsets = [12544, 0], sizes = [256, 128], strides = [1, 1]} : vector<12800x128xbf16> to vector<256x128xbf16>
    %dot_general3A_316 = arith.constant dense<0.000000e+00> : vector<152x128xf32>
    %dot_general3A_317 = tpu.matmul %slice3A_314, %slice3A_315, %dot_general3A_316 {dimension_numbers = #tpu.dot_dimension_numbers<[0], [0], [1], [1], [0, 1, 1, 1], [], []>, transpose_lhs_hint = false} : vector<256x152xbf16>, vector<256x128xbf16>, vector<152x128xf32> -> vector<152x128xf32>
    %concatenate3A_318 = tpu.concatenate %dot_general3A_121, %dot_general3A_125, %dot_general3A_129, %dot_general3A_133, %dot_general3A_137, %dot_general3A_141, %dot_general3A_145, %dot_general3A_149, %dot_general3A_153, %dot_general3A_157, %dot_general3A_161, %dot_general3A_165, %dot_general3A_169, %dot_general3A_173, %dot_general3A_177, %dot_general3A_181, %dot_general3A_185, %dot_general3A_189, %dot_general3A_193, %dot_general3A_197, %dot_general3A_201, %dot_general3A_205, %dot_general3A_209, %dot_general3A_213, %dot_general3A_217, %dot_general3A_221, %dot_general3A_225, %dot_general3A_229, %dot_general3A_233, %dot_general3A_237, %dot_general3A_241, %dot_general3A_245, %dot_general3A_249, %dot_general3A_253, %dot_general3A_257, %dot_general3A_261, %dot_general3A_265, %dot_general3A_269, %dot_general3A_273, %dot_general3A_277, %dot_general3A_281, %dot_general3A_285, %dot_general3A_289, %dot_general3A_293, %dot_general3A_297, %dot_general3A_301, %dot_general3A_305, %dot_general3A_309, %dot_general3A_313, %dot_general3A_317 in 0 : vector<152x128xf32>, vector<152x128xf32>, vector<152x128xf32>, vector<152x128xf32>, vector<152x128xf32>, vector<152x128xf32>, vector<152x128xf32>, vector<152x128xf32>, vector<152x128xf32>, vector<152x128xf32>, vector<152x128xf32>, vector<152x128xf32>, vector<152x128xf32>, vector<152x128xf32>, vector<152x128xf32>, vector<152x128xf32>, vector<152x128xf32>, vector<152x128xf32>, vector<152x128xf32>, vector<152x128xf32>, vector<152x128xf32>, vector<152x128xf32>, vector<152x128xf32>, vector<152x128xf32>, vector<152x128xf32>, vector<152x128xf32>, vector<152x128xf32>, vector<152x128xf32>, vector<152x128xf32>, vector<152x128xf32>, vector<152x128xf32>, vector<152x128xf32>, vector<152x128xf32>, vector<152x128xf32>, vector<152x128xf32>, vector<152x128xf32>, vector<152x128xf32>, vector<152x128xf32>, vector<152x128xf32>, vector<152x128xf32>, vector<152x128xf32>, vector<152x128xf32>, vector<152x128xf32>, vector<152x128xf32>, vector<152x128xf32>, vector<152x128xf32>, vector<152x128xf32>, vector<152x128xf32>, vector<152x128xf32>, vector<152x128xf32> -> vector<7600x128xf32>
    %reshape3A_319 = vector.shape_cast %concatenate3A_318 : vector<7600x128xf32> to vector<400x2432xf32>
    %get3A_320 = arith.constant 0 : index
    %get3A_321 = arith.constant 0 : index
    %get3A_322 = vector.load %arg6[%get3A_320, %get3A_321] : memref<2432x64xf32, #tpu.memory_space<vmem>>, vector<2432x64xf32>
    %dot_general3A_323 = arith.constant dense<0.000000e+00> : vector<400x64xf32>
    %dot_general3A_324 = tpu.matmul %reshape3A_319, %get3A_322, %dot_general3A_323 {dimension_numbers = #tpu.dot_dimension_numbers<[1], [0], [0], [1], [0, 0, 1, 1], [], []>, transpose_lhs_hint = false} : vector<400x2432xf32>, vector<2432x64xf32>, vector<400x64xf32> -> vector<400x64xf32>
    %swap3A = arith.constant 0 : index
    %swap3A_325 = arith.constant 0 : index
    %swap3A_326 = vector.load %arg7[%swap3A, %swap3A_325] : memref<400x64xf32, #tpu.memory_space<vmem>>, vector<400x64xf32>
    tpu.vector_store %arg7[%swap3A, %swap3A_325], %dot_general3A_324 {strides = array<i32>} : memref<400x64xf32, #tpu.memory_space<vmem>>, vector<400x64xf32>,
    return
  }
  func.func @transform_0(%arg0: i32) -> (i32, i32) {
    %c0_i32 = arith.constant 0 : i32
    %c0_i32_0 = arith.constant 0 : i32
    return %arg0, %c0_i32 : i32, i32
  }
  func.func @transform_1(%arg0: i32) -> (i32, i32) {
    %c0_i32 = arith.constant 0 : i32
    %c0_i32_0 = arith.constant 0 : i32
    return %arg0, %c0_i32 : i32, i32
  }
  func.func @transform_2(%arg0: i32) -> (i32, i32) {
    %c0_i32 = arith.constant 0 : i32
    %c0_i32_0 = arith.constant 0 : i32
    return %arg0, %c0_i32 : i32, i32
  }
  func.func @transform_3(%arg0: i32) -> (i32, i32) {
    %c0_i32 = arith.constant 0 : i32
    %c0_i32_0 = arith.constant 0 : i32
    %c0_i32_1 = arith.constant 0 : i32
    return %c0_i32, %c0_i32_0 : i32, i32
  }
  func.func @transform_4(%arg0: i32) -> (i32, i32) {
    %c0_i32 = arith.constant 0 : i32
    %c0_i32_0 = arith.constant 0 : i32
    %c0_i32_1 = arith.constant 0 : i32
    return %c0_i32, %c0_i32_0 : i32, i32
  }
  func.func @transform_5(%arg0: i32) -> (i32, i32) {
    %c0_i32 = arith.constant 0 : i32
    %c0_i32_0 = arith.constant 0 : i32
    %c0_i32_1 = arith.constant 0 : i32
    return %c0_i32, %c0_i32_0 : i32, i32
  }
  func.func @transform_6(%arg0: i32) -> (i32, i32) {
    %c0_i32 = arith.constant 0 : i32
    %c0_i32_0 = arith.constant 0 : i32
    return %arg0, %c0_i32 : i32, i32
  }
}

</mosaic_0001>

<sc_bundles>
// kernel: kernel.4.cloned.1.call-start
scs
__scs_entry_jumppad:
0x0: {  	(pc) =	sbr.rel $0x88, $3  }
0x1: {  	(tag) =	ssettag $0x0;
	lr =	simm.s32 $0x1  }
0x2: {  	[smem:$0x3F9C] =	sst lr;
	_ =	strace $0xD0000000  }
0x3: {  	_ = 	snop  }
0x4: {  	_ = 	snop  }
0x5: {  	_ = 	snop  }
0x6: {  	_ = 	snop  }
0x7: {  	_ = 	snop  }
__scs_overlays_trampoline_lowered:
0x8: {  	[smem:$0x3FAB] =	sst s0  }
0x9: {  	[smem:$0x3FAC] =	sst s1  }
0xa: {  	[smem:$0x3FAD] =	sst s2  }
0xb: {  	[smem:$0x3FAE] =	sst s3  }
0xc: {  	[smem:$0x3FAF] =	sst s4  }
0xd: {  	[smem:$0x3FB0] =	sst s5  }
0xe: {  	[smem:$0x3FB1] =	sst s6  }
0xf: {  	[smem:$0x3FB2] =	sst s7  }
0x10: {  	[smem:$0x3FB3] =	sst s8  }
0x11: {  	[smem:$0x3FB4] =	sst s9;
	s0 =	simm.s32 @!p0 $0x0  }
0x12: {  	s1 =	sld [smem:$0x3F9A];
	s0 =	simm.s32 @p0 $0x1  }
0x13: {  	[smem:$0x3FB5] =	sst s0;
	s0 =	simm.s32 @!p1 $0x0  }
0x14: {  	s2 =	sld [smem:$0x3F99];
	s0 =	simm.s32 @p1 $0x1  }
0x15: {  	[smem:$0x3FB6] =	sst s0;
	s0 =	simm.s32 @!p2 $0x0  }
0x16: {  	s3 =	sld [smem:$0x3FDB];
	s0 =	simm.s32 @p2 $0x1  }
0x17: {  	s4 =	simm.s32 $0x1BF5;
	[smem:$0x3FB8] =	sst s0  }
0x18: {  	s0 =	sld [smem:$0x3F9B];
	_ =	swait.ge [sflag:s4], $0x0  }
0x19: {  	s7 =	sld [smem:$0x3F9C]  }
0x1a: {  	s8 =	sadd.s32 $0xFFFFE003, lr  }
0x1b: {  	s9 =	sadd.s32 $0xFFFFFEF7, lr;
	s5 =	simm.s32 $0xFFFFFFFF;
	p2 =	slt.u32 s8, $0xFFFFF086  }
0x1c: {  	p1 =	slt.u32 s9, $0xF7A;
	s5 =	simm.s32 @!p2 $0x0  }
0x1d: {  	s5 =	simm.s32 @p1 $0x1;
	p0 =	seq.s32 s7, s2  }
0x1e: {  	s7 =	smul.u32 @!p0 $0xF7A, s2;
	p2 =	seq.s32 @!p0 s5, $0x0  }
0x1f: {  	s9 =	smul.u32 $0xF7A, s1;
	s8 =	simm.s32 @!p0 $0x1BF5;
	p2 =	por !p2, p0  }
0x20: {  	[sflag:s8] =	ssyncset.s32 @!p0 $0xFFFFF086;
	s6 =	sadd.s32 @!p0 s3, s7;
	s7 =	simm.s32 @!p0 $0x108  }
0x21: {  	s3 =	sadd.s32 s3, s9;
	s6 =	sadd.s32 @!p0 $0x88, s6;
	s7 =	simm.s32 @p2 $0x1082  }
0x22: {  	[simem:s7], [sflag:s8] =	dma.local @!p0 [hbm:s6], $0xF7A  }
0x23: {  	s9 =	sor.u32 $0xD0000000, s2;
	s6 =	simm.s32 $0x108;
	_ =	swait.ge @!p0 [sflag:s8], $0x0  }
0x24: {  	s3 =	sadd.s32 $0x88, s3;
	s6 =	simm.s32 @!p1 $0x1082;
	[sflag:s4] =	ssyncset.s32 $0xFFFFF086  }
0x25: {  	[simem:s6], [sflag:s4] =	dma.local [hbm:s3], $0xF7A  }
0x26: {  	[smem:$0x3F9C] =	sst s1;
	(tag) =	ssettag s2;
	_ =	strace s9  }
0x27: {  	s1 =	sld [smem:$0x3FAC]  }
0x28: {  	s2 =	sld [smem:$0x3FAD]  }
0x29: {  	s4 =	sld [smem:$0x3FAF]  }
0x2a: {  	p0 =	seq.s32 s5, $0x0;
	s5 =	sld [smem:$0x3FB0]  }
0x2b: {  	s6 =	sld [smem:$0x3FB1]  }
0x2c: {  	s7 =	sld [smem:$0x3FB2]  }
0x2d: {  	s3 =	simm.s32 $0x108;
	s8 =	sld [smem:$0x3FB3]  }
0x2e: {  	s3 =	simm.s32 @!p0 $0x1082;
	s9 =	sld [smem:$0x3FB4]  }
0x2f: {  	lr =	sadd.s32 s0, s3;
	s0 =	sld [smem:$0x3FAB]  }
0x30: {  	s3 =	sld [smem:$0x3FAE]  }
0x31: {  	[smem:$0x3FB7] =	sst s10  }
0x32: {  	s10 =	sld [smem:$0x3FB5];
	_ =	sdelay $0x3  }
0x33: {  	p0 =	seq.s32 s10, $0x1;
	s10 =	sld [smem:$0x3FB7];
	_ =	sdelay $0x3  }
0x34: {  	[smem:$0x3FB7] =	sst s10  }
0x35: {  	s10 =	sld [smem:$0x3FB6];
	_ =	sdelay $0x3  }
0x36: {  	p1 =	seq.s32 s10, $0x1;
	s10 =	sld [smem:$0x3FB7];
	_ =	sdelay $0x3  }
0x37: {  	[smem:$0x3FB7] =	sst s10  }
0x38: {  	s10 =	sld [smem:$0x3FB8]  }
0x39: {  	_ = 	snop;
	(pc) =	sbr.ind lr, $3  }
0x3a: {  	_ = 	snop  }
0x3b: {  	_ = 	snop  }
0x3c: {  	p2 =	seq.s32 s10, $0x1;
	s10 =	sld [smem:$0x3FB7]  }
0x3d: {  	_ =	shalt  }
0x3e: {  	_ =	shalt  }
0x3f: {  	_ =	shalt  }
0x40: {  	_ =	shalt  }
0x41: {  	_ =	shalt  }
0x42: {  	_ =	shalt  }
0x43: {  	_ =	shalt  }
0x44: {  	_ =	shalt  }
0x45: {  	_ =	shalt  }
0x46: {  	_ =	shalt  }
0x47: {  	_ =	shalt  }
0x48: {  	_ =	shalt  }
0x49: {  	_ =	shalt  }
0x4a: {  	_ =	shalt  }
0x4b: {  	_ =	shalt  }
0x4c: {  	_ =	shalt  }
0x4d: {  	_ =	shalt  }
0x4e: {  	_ =	shalt  }
0x4f: {  	_ =	shalt  }
0x50: {  	_ =	shalt  }
0x51: {  	_ =	shalt  }
0x52: {  	_ =	shalt  }
0x53: {  	_ =	shalt  }
0x54: {  	_ =	shalt  }
0x55: {  	_ =	shalt  }
0x56: {  	_ =	shalt  }
0x57: {  	_ =	shalt  }
0x58: {  	_ =	shalt  }
0x59: {  	_ =	shalt  }
0x5a: {  	_ =	shalt  }
0x5b: {  	_ =	shalt  }
0x5c: {  	_ =	shalt  }
0x5d: {  	_ =	shalt  }
0x5e: {  	_ =	shalt  }
0x5f: {  	_ =	shalt  }
0x60: {  	_ =	shalt  }
0x61: {  	_ =	shalt  }
0x62: {  	_ =	shalt  }
0x63: {  	_ =	shalt  }
0x64: {  	_ =	shalt  }
0x65: {  	_ =	shalt  }
0x66: {  	_ =	shalt  }
0x67: {  	_ =	shalt  }
0x68: {  	_ =	shalt  }
0x69: {  	_ =	shalt  }
0x6a: {  	_ =	shalt  }
0x6b: {  	_ =	shalt  }
0x6c: {  	_ =	shalt  }
0x6d: {  	_ =	shalt  }
0x6e: {  	_ =	shalt  }
0x6f: {  	_ =	shalt  }
0x70: {  	_ =	shalt  }
0x71: {  	_ =	shalt  }
0x72: {  	_ =	shalt  }
0x73: {  	_ =	shalt  }
0x74: {  	_ =	shalt  }
0x75: {  	_ =	shalt  }
0x76: {  	_ =	shalt  }
0x77: {  	_ =	shalt  }
0x78: {  	_ =	shalt  }
0x79: {  	_ =	shalt  }
0x7a: {  	_ =	shalt  }
0x7b: {  	_ =	shalt  }
0x7c: {  	_ =	shalt  }
0x7d: {  	_ =	shalt  }
0x7e: {  	_ =	shalt  }
0x7f: {  	_ =	shalt  }
0x80: {  	_ =	shalt  }
0x81: {  	_ =	shalt  }
0x82: {  	_ =	shalt  }
0x83: {  	_ =	shalt  }
0x84: {  	_ =	shalt  }
0x85: {  	_ =	shalt  }
0x86: {  	_ =	shalt  }
0x87: {  	_ =	shalt  }
.Lfunc_end0:
.L_simem_size_0:
called_computation_lowered:
.L_overlay_start_0:
0x88: {  	s2 =	sld [smem:$0x3FD9]  }
0x89: {  	s3 =	sld [smem:$0x3FFE];
	_ =	sdelay $0x1  }
0x8a: {  	s1 =	srdreg.scid  }
0x8b: {  	s0 =	sand.u32 $0x1, s1  }
0x8c: {  	s17 =	sshll.u32 s0, $0xA;
	s2 =	sadd.s32 s3, s2  }
0x8d: {  	s2 =	sadd.s32 s2, s17  }
0x8e: {  	[smem:$0x3FC3] =	sst s2  }
0x8f: {  	_ = 	snop  }
0x90: {  	s2 =	sld [smem:$0x3FD0];
	(tm) =	ssettm $0x1  }
0x91: {  	s18 =	sld [smem:$0x3FFB];
	_ =	sdelay $0x3  }
0x92: {  	_ =	strace s18  }
0x93: {  	s3 =	sld [smem:$0x3FFC];
	_ =	sdelay $0x3  }
0x94: {  	_ =	strace s3  }
0x95: {  	s3 =	sld [smem:$0x3FFD];
	_ =	sdelay $0x3  }
0x96: {  	_ =	strace s3  }
0x97: {  	_ =	strace $0x8FFFFFFF  }
0x98: {  	s19 =	sld [smem:$0x3FDB];
	_ =	sdelay $0x1  }
0x99: {  	s4 =	simm.s32 $_scs_section_size  }
0x9a: {  	s5 =	simm.s32 $_size__tile_overlayer_lowered;
	s6 =	simm.s32 $_tile_overlayer_lowered  }
0x9b: {  	s22 =	simm.s32 $0x1BFF;
	s21 =	sshll.u32 s6, $0x1;
	s3 =	sadd.s32 s4, s19  }
0x9c: {  	s7 =	simm.s32 $0x0;
	s20 =	sshll.u32 s5, $0x1;
	s5 =	sadd.s32 s21, s3  }
0x9d: {  	[timem:s7], [sflag:s22] =	dma.local [hbm:s5], s20  }
0x9e: {  	_ =	swait.ge [sflag:s22], s20  }
0x9f: {  	s4 =	ssub.s32 $0x0, s20;
	[sflag:s22] =	ssyncset.done $0x0  }
0xa0: {  	[sflag:s22] =	ssyncadd.s32 s4;
	_ =	sdelay $0x1  }
0xa1: {  	s23 =	simm.s32 $0x1B8B  }
0xa2: {  	_ =	swait.ge [sflag:s23], $0x1  }
0xa3: {  	[sflag:s23] =	ssyncset.done $0x0  }
0xa4: {  	s25 =	simm.s32 $0x1B8E;
	s24 =	sld [smem:$0x3FFE];
	[sflag:s23] =	ssyncadd.s32 $0xFFFFFFFF  }
0xa5: {  	s26 =	simm.s32 $execute0_lowered;
	[smem:$0x3FD2] =	sst s25  }
0xa6: {  	s5 =	sshll.u32 s26, $0x1;
	_ =	strace $0x80000046;
	[dreg:$0x1] =	wrdreg $0xFFFFFFFF  }
0xa7: {  	s28 =	simm.s32 $_size_execute0_lowered;
	s3 =	sadd.s32 s3, s5;
	[dreg:$0x0] =	wrdreg $0x0  }
0xa8: {  	s5 =	sshll.u32 s28, $0x1;
	[dreg:$0x2] =	wrdreg s3  }
0xa9: {  	[dreg:$0x3] =	wrdreg s5  }
0xaa: {  	[dreg:$0x4] =	wrdreg $0xC0  }
0xab: {  	_ =	task [dreg:s7], $0x5FFFF  }
0xac: {  	[dreg:$0x1] =	wrdreg $0xFFFFFFFF  }
0xad: {  	[dreg:$0x0] =	wrdreg $0x60  }
0xae: {  	[dreg:$0x2] =	wrdreg s2  }
0xaf: {  	[dreg:$0x3] =	wrdreg s24  }
0xb0: {  	[dreg:$0x4] =	wrdreg $0x9  }
0xb1: {  	_ =	task.clear_ibuf [dreg:s7], $0x5FFFF;
	_ =	strace $0x90000046  }
0xb2: {  	s29 =	simm.s32 $0x9;
	_ =	strace $0x80000048  }
0xb3: {  	_ =	swait.ge [sflag:s29], $0x1  }
0xb4: {  	[sflag:s29] =	ssyncadd.s32 $0xFFFFFFFF  }
0xb5: {  	_ =	strace $0x90000048  }
0xb6: {  	_ =	sfence  }
0xb7: {  	s30 =	sld [smem:$0x0];
	_ =	sdelay $0x2  }
0xb8: {  	s31 =	sshll.u32 s1, $0xD;
	s1 =	sshrl.u32 s1, $0x2  }
0xb9: {  	s3 =	sand.u32 $0x4000, s31;
	s1 =	sadd.s32 s1, s30  }
0xba: {  	s0 =	sor.u32 s3, s0;
	s1 =	sshll.u32 s1, $0x11  }
0xbb: {  	s0 =	sor.u32 s1, s0  }
0xbc: {  	s0 =	sadd.s32 $0x8F2B, s0  }
0xbd: {  	[sflag:s0] =	ssyncadd.remote.s32 $0x1  }
0xbe: {  	_ =	sfence.sel $0xFFFF  }
0xbf: {  	[dreg:$0x0] =	wrdreg $0xFFFFFFFF;
	(pc) =	sbr.abs _section_cstart, $3  }
0xc0: {  	[dreg:$0x1] =	wrdreg $0xFFFFFFFF  }
0xc1: {  	_ =	task.clear_ibuf [dreg:s7], $0x2FFFF;
	_ =	strace $0x9FFFFFFF  }
0xc2: {  	(tm) =	ssettm $0x7FFFFFFF  }
0xc3: {  	_ =	shalt  }
tec
execute0_lowered:
.L_overlay_start_1:
0x0: {  	(tag) =	ssettag $0x1  }
0x1: {  	s2 =	rddreg [dreg:$0x0];
	s0 =	srdreg.scid  }
0x2: {  	s13 =	stileid.u32;
	s5 =	rddreg [dreg:$0x1];
	s3 =	simm.s32 $0x0  }
0x3: {  	s0 =	sand.u32 $0x1, s0;
	s1 =	sshll.u32 s13, $0x1;
	[smem:$0x7FF] =	sst s3  }
0x4: {  	s4 =	sadd.s32 $0x28800, s5;
	s7 =	sadd.s32 $0x2D800, s5;
	s21 =	smul.u32 $0x5000, s13  }
0x5: {  	s14 =	sadd.s32 $0x2B7800, s5;
	s1 =	sor.u32 s0, s1;
	s12 =	smul.u32 $0x2800, s0  }
0x6: {  	_ =	strace $0x80000047;
	s8 =	ssub.s32 $0x2, s0;
	s6 =	smul.u32 $0x2800, s1  }
0x7: {  	[dreg:$0xb] =	wrdreg s14;
	s1 =	sadd.s32 $0x37800, s5;
	s15 =	sshrl.u32 s8, $0x1  }
0x8: {  	s5 =	ssub.s32 s8, s15;
	s24 =	sadd.s32 s12, s21;
	s9 =	sshrl.u32 s6, $0x3  }
0x9: {  	s17 =	sadd.s32 $0x2400, s6;
	s19 =	sadd.s32 $0x2500, s6;
	s11 =	sadd.s32 $0x2600, s6  }
0xa: {  	s6 =	sadd.s32 $0x2700, s6;
	s28 =	sor.u32 $0x700, s24;
	s31 =	sor.u32 $0x600, s24  }
0xb: {  	s12 =	sor.u32 $0x500, s24;
	s15 =	sor.u32 $0x400, s24;
	s5 =	smax.u32 s5, $0x1  }
0xc: {  	s9 =	sadd.s32 s7, s9;
	s18 =	sshll.u32 s17, $0x3;
	s8 =	sshll.u32 s17, $0x1  }
0xd: {  	s20 =	sshll.u32 s19, $0x3;
	s23 =	sshll.u32 s11, $0x3;
	s25 =	sshll.u32 s11, $0x1  }
0xe: {  	s26 =	sshll.u32 s6, $0x3;
	s30 =	sshrl.u32 s28, $0x3;
	[dreg:$0x18] =	wrdreg s5  }
0xf: {  	s6 =	sshll.u32 s6, $0x1;
	s16 =	sadd.s32 $0x20, s9;
	[dreg:$0xc] =	wrdreg s9  }
0x10: {  	s11 =	sshrl.u32 s31, $0x3;
	s10 =	sadd.s32 $0x40, s9;
	[dreg:$0xd] =	wrdreg s16  }
0x11: {  	s17 =	sshrl.u32 s15, $0x3;
	s9 =	sadd.s32 $0x60, s9;
	[dreg:$0xe] =	wrdreg s10  }
0x12: {  	s8 =	sadd.s32 s14, s8;
	s29 =	sadd.s32 s1, s26;
	[dreg:$0xf] =	wrdreg s9  }
0x13: {  	s6 =	sadd.s32 s14, s6;
	s9 =	sadd.s32 s1, s18;
	[dreg:$0x11] =	wrdreg s8  }
0x14: {  	s8 =	sadd.s32 s1, s20;
	[dreg:$0x16] =	wrdreg s29;
	s10 =	sshrl.u32 s12, $0x3  }
0x15: {  	s18 =	sor.u32 $0x200, s24;
	s20 =	sor.u32 $0x100, s24;
	[dreg:$0x17] =	wrdreg s6  }
0x16: {  	s12 =	simm.s32 $0x200;
	s6 =	simm.s32 $0x9;
	[dreg:$0x10] =	wrdreg s9  }
0x17: {  	s9 =	sshll.u32 s19, $0x1;
	[dreg:$0x12] =	wrdreg s8;
	s8 =	sadd.s32 s1, s23  }
0x18: {  	s16 =	sadd.s32 s10, s7;
	s19 =	sshrl.u32 s18, $0x9;
	s18 =	simm.s32 $0xA  }
0x19: {  	s22 =	sadd.s32 s14, s9;
	[dreg:$0x14] =	wrdreg s8;
	s9 =	sadd.s32 s14, s25  }
0x1a: {  	[dreg:$0x5] =	wrdreg s16;
	s8 =	sor.u32 $0x300, s24;
	s24 =	smul.u32 $0xA000, s13  }
0x1b: {  	s21 =	sshll.u32 s19, $0xA;
	s25 =	smul.u32 $0x5000, s0;
	[dreg:$0x13] =	wrdreg s22  }
0x1c: {  	s0 =	smul.u32 $0x14000, s0;
	[dreg:$0x15] =	wrdreg s9;
	s9 =	sadd.s32 s30, s7  }
0x1d: {  	[dreg:$0x7] =	wrdreg s21;
	s8 =	sshrl.u32 s8, $0x8;
	s30 =	smul.u32 $0x28000, s13  }
0x1e: {  	s21 =	simm.s32 $0xF;
	[dreg:$0x3] =	wrdreg s9;
	s9 =	sadd.s32 s11, s7  }
0x1f: {  	s7 =	sadd.s32 s17, s7;
	s23 =	sshll.u32 s8, $0x9;
	[dreg:$0x4] =	wrdreg s9  }
0x20: {  	s29 =	sadd.s32 s25, s24;
	s31 =	sshll.u32 s8, $0xB;
	[dreg:$0x6] =	wrdreg s7  }
0x21: {  	s24 =	simm.s32 $0x100;
	s17 =	simm.s32 $0xD;
	[dreg:$0x9] =	wrdreg s23  }
0x22: {  	s9 =	sshrl.u32 s20, $0x8;
	s7 =	sshll.u32 s19, $0xC;
	[dreg:$0xa] =	wrdreg s29  }
0x23: {  	s23 =	simm.s32 $0x11;
	s19 =	simm.s32 $0xE;
	s22 =	sshll.u32 s9, $0x9  }
0x24: {  	s26 =	sadd.s32 s7, s1;
	s28 =	sshll.u32 s9, $0xB;
	[dreg:$0x8] =	wrdreg s22  }
0x25: {  	s20 =	simm.s32 $0xB;
	[dreg:$0x19] =	wrdreg s26;
	s5 =	sadd.s32 s28, s1  }
0x26: {  	[dreg:$0x1a] =	wrdreg s5;
	s5 =	sadd.s32 s31, s1;
	s1 =	sadd.s32 s30, s1  }
0x27: {  	s22 =	simm.s32 $0xC;
	[dreg:$0x1b] =	wrdreg s5;
	s0 =	sadd.s32 s0, s1  }
0x28: {  	s5 =	simm.s32 $0x10;
	[dreg:$0x1c] =	wrdreg s0;
	s0 =	simm.s32 $0x0  }
.LBB2_1:
0x29: {  	[dreg:$0x1d] =	wrdreg s0  }
0x2a: {  	s1 =	rddreg [dreg:$0xc]  }
0x2b: {  	[tilespmem:s3], [sflag:$0x11] =	stream.linear.gather [hbm4b:s1+s3], $0x100, $0x38;
	[tilespmem:$0x14400] =	vst v63  }
0x2c: {  	_ =	swait.ge [sflag:s23], $0x100  }
0x2d: {  	[sflag:s23] =	ssyncset.done $0x0  }
0x2e: {  	s0 =	simm.s32 $0x400;
	[sflag:s23] =	ssyncadd.s32 $0xFFFFFF00  }
0x2f: {  	[tilespmem:s0], [sflag:$0x1] =	stream.indirect.gather [hbm4b:s2+s24], $0x40, s3, s24, $0xb8;
	[tilespmem:$0x14400] =	vst v63  }
0x30: {  	s9 =	simm.s32 $0x10400  }
0x31: {  	[tilespmem:s9], [sflag:$0x5] =	stream.indirect.gather [hbm4b:s4+s24], $0x10, s3, s24, $0xb8;
	[tilespmem:$0x14400] =	vst v63  }
0x32: {  	s15 =	rddreg [dreg:$0xd]  }
0x33: {  	[tilespmem:s24], [sflag:$0x11] =	stream.linear.gather [hbm4b:s15+s3], $0x100, $0x38;
	[tilespmem:$0x14400] =	vst v63  }
0x34: {  	_ =	swait.ge [sflag:s23], $0x100  }
0x35: {  	[sflag:s23] =	ssyncset.done $0x0  }
0x36: {  	s10 =	simm.s32 $0x4400;
	[sflag:s23] =	ssyncadd.s32 $0xFFFFFF00  }
0x37: {  	[tilespmem:s10], [sflag:$0x2] =	stream.indirect.gather [hbm4b:s2+s24], $0x40, s24, s24, $0xb8;
	[tilespmem:$0x14400] =	vst v63  }
0x38: {  	s11 =	simm.s32 $0x11400  }
0x39: {  	[tilespmem:s11], [sflag:$0x6] =	stream.indirect.gather [hbm4b:s4+s24], $0x10, s24, s24, $0xb8;
	[tilespmem:$0x14400] =	vst v63  }
0x3a: {  	s16 =	rddreg [dreg:$0xe]  }
0x3b: {  	[tilespmem:s12], [sflag:$0x11] =	stream.linear.gather [hbm4b:s16+s3], $0x100, $0x38;
	[tilespmem:$0x14400] =	vst v63  }
0x3c: {  	_ =	swait.ge [sflag:s23], $0x100  }
0x3d: {  	[sflag:s23] =	ssyncset.done $0x0  }
0x3e: {  	s13 =	simm.s32 $0x8400;
	[sflag:s23] =	ssyncadd.s32 $0xFFFFFF00  }
0x3f: {  	[tilespmem:s13], [sflag:$0x3] =	stream.indirect.gather [hbm4b:s2+s24], $0x40, s12, s24, $0xb8;
	[tilespmem:$0x14400] =	vst v63  }
0x40: {  	s14 =	simm.s32 $0x12400  }
0x41: {  	[tilespmem:s14], [sflag:$0x7] =	stream.indirect.gather [hbm4b:s4+s24], $0x10, s12, s24, $0xb8;
	[tilespmem:$0x14400] =	vst v63  }
0x42: {  	s15 =	simm.s32 $0x300;
	s25 =	rddreg [dreg:$0xf]  }
0x43: {  	[tilespmem:s15], [sflag:$0x11] =	stream.linear.gather [hbm4b:s25+s3], $0x100, $0x38;
	[tilespmem:$0x14400] =	vst v63  }
0x44: {  	_ =	swait.ge [sflag:s23], $0x100  }
0x45: {  	[sflag:s23] =	ssyncset.done $0x0  }
0x46: {  	s16 =	simm.s32 $0xC400;
	[sflag:s23] =	ssyncadd.s32 $0xFFFFFF00  }
0x47: {  	[tilespmem:s16], [sflag:$0x4] =	stream.indirect.gather [hbm4b:s2+s24], $0x40, s15, s24, $0xb8;
	[tilespmem:$0x14400] =	vst v63  }
0x48: {  	s26 =	simm.s32 $0x1;
	s25 =	simm.s32 $0x13400  }
0x49: {  	[tilespmem:s25], [sflag:$0x8] =	stream.indirect.gather [hbm4b:s4+s24], $0x10, s15, s24, $0xb8;
	[tilespmem:$0x14400] =	vst v63  }
0x4a: {  	_ =	swait.ge [sflag:s26], $0x4000  }
0x4b: {  	[sflag:s26] =	ssyncset.done $0x0  }
0x4c: {  	s7 =	simm.s32 $0x5;
	[sflag:s26] =	ssyncadd.s32 $0xFFFFC000  }
0x4d: {  	_ =	swait.ge [sflag:s7], $0x1000  }
0x4e: {  	s30 =	rddreg [dreg:$0xa]  }
0x4f: {  	[sflag:s7] =	ssyncset.done $0x0;
	s28 =	rddreg [dreg:$0x1c]  }
0x50: {  	[sflag:s7] =	ssyncadd.s32 $0xFFFFF000;
	s7 =	rddreg [dreg:$0xb]  }
0x51: {  	[hbm4b:s28+s3] =	stream.linear.scatter [tilespmem:s0], [sflag:$0x9], $0x4000, $0x38;
	[tilespmem:$0x14400] =	vst v63  }
0x52: {  	s8 =	simm.s32 $0x2;
	s1 =	sadd.s32 s7, s30  }
0x53: {  	[hbm4b:s1+s3] =	stream.linear.scatter [tilespmem:s9], [sflag:$0xD], $0x1000, $0x38;
	[tilespmem:$0x14400] =	vst v63  }
0x54: {  	_ =	swait.ge [sflag:s8], $0x4000  }
0x55: {  	[sflag:s8] =	ssyncset.done $0x0  }
0x56: {  	[sflag:s8] =	ssyncadd.s32 $0xFFFFC000;
	s8 =	simm.s32 $0x6  }
0x57: {  	_ =	swait.ge [sflag:s8], $0x1000  }
0x58: {  	[sflag:s8] =	ssyncset.done $0x0;
	s26 =	rddreg [dreg:$0x8]  }
0x59: {  	s30 =	rddreg [dreg:$0x1a];
	[sflag:s8] =	ssyncadd.s32 $0xFFFFF000  }
0x5a: {  	[hbm4b:s30+s3] =	stream.linear.scatter [tilespmem:s10], [sflag:$0xA], $0x4000, $0x38;
	[tilespmem:$0x14400] =	vst v63  }
0x5b: {  	s1 =	sadd.s32 s7, s26;
	s26 =	simm.s32 $0x3  }
0x5c: {  	[hbm4b:s1+s3] =	stream.linear.scatter [tilespmem:s11], [sflag:$0xE], $0x1000, $0x38;
	[tilespmem:$0x14400] =	vst v63  }
0x5d: {  	_ =	swait.ge [sflag:s26], $0x4000  }
0x5e: {  	[sflag:s26] =	ssyncset.done $0x0  }
0x5f: {  	s1 =	simm.s32 $0x7;
	[sflag:s26] =	ssyncadd.s32 $0xFFFFC000  }
0x60: {  	_ =	swait.ge [sflag:s1], $0x1000  }
0x61: {  	[sflag:s1] =	ssyncset.done $0x0;
	s26 =	rddreg [dreg:$0x7]  }
0x62: {  	s8 =	rddreg [dreg:$0x19];
	[sflag:s1] =	ssyncadd.s32 $0xFFFFF000  }
0x63: {  	[hbm4b:s8+s3] =	stream.linear.scatter [tilespmem:s13], [sflag:$0xB], $0x4000, $0x38;
	[tilespmem:$0x14400] =	vst v63  }
0x64: {  	s1 =	sadd.s32 s7, s26;
	s26 =	simm.s32 $0x4  }
0x65: {  	[hbm4b:s1+s3] =	stream.linear.scatter [tilespmem:s14], [sflag:$0xF], $0x1000, $0x38;
	[tilespmem:$0x14400] =	vst v63  }
0x66: {  	_ =	swait.ge [sflag:s26], $0x4000  }
0x67: {  	[sflag:s26] =	ssyncset.done $0x0  }
0x68: {  	[sflag:s26] =	ssyncadd.s32 $0xFFFFC000;
	s26 =	simm.s32 $0x8  }
0x69: {  	_ =	swait.ge [sflag:s26], $0x1000  }
0x6a: {  	[sflag:s26] =	ssyncset.done $0x0;
	s1 =	rddreg [dreg:$0x9]  }
0x6b: {  	[sflag:s26] =	ssyncadd.s32 $0xFFFFF000;
	s26 =	rddreg [dreg:$0x1b]  }
0x6c: {  	[hbm4b:s26+s3] =	stream.linear.scatter [tilespmem:s16], [sflag:$0xC], $0x4000, $0x38;
	[tilespmem:$0x14400] =	vst v63  }
0x6d: {  	s1 =	sadd.s32 s7, s1  }
0x6e: {  	[hbm4b:s1+s3] =	stream.linear.scatter [tilespmem:s25], [sflag:$0x10], $0x1000, $0x38;
	[tilespmem:$0x14400] =	vst v63  }
0x6f: {  	_ =	swait.ge [sflag:s6], $0x4000  }
0x70: {  	[sflag:s6] =	ssyncset.done $0x0  }
0x71: {  	[sflag:s6] =	ssyncadd.s32 $0xFFFFC000  }
0x72: {  	_ =	swait.ge [sflag:s17], $0x1000  }
0x73: {  	s25 =	rddreg [dreg:$0x6];
	[sflag:s17] =	ssyncset.done $0x0  }
0x74: {  	[sflag:s17] =	ssyncadd.s32 $0xFFFFF000;
	s1 =	sadd.s32 $0x0, s25  }
0x75: {  	[tilespmem:s3], [sflag:$0x11] =	stream.linear.gather [hbm4b:s1+s3], $0x100, $0x38;
	[tilespmem:$0x14400] =	vst v63  }
0x76: {  	_ =	swait.ge [sflag:s23], $0x100  }
0x77: {  	[sflag:s23] =	ssyncset.done $0x0  }
0x78: {  	[sflag:s23] =	ssyncadd.s32 $0xFFFFFF00  }
0x79: {  	[tilespmem:s0], [sflag:$0x1] =	stream.indirect.gather [hbm4b:s2+s24], $0x40, s3, s24, $0xb8;
	[tilespmem:$0x14400] =	vst v63  }
0x7a: {  	_ = 	snop  }
0x7b: {  	[tilespmem:s9], [sflag:$0x5] =	stream.indirect.gather [hbm4b:s4+s24], $0x10, s3, s24, $0xb8;
	[tilespmem:$0x14400] =	vst v63  }
0x7c: {  	_ =	swait.ge [sflag:s18], $0x4000  }
0x7d: {  	[sflag:s18] =	ssyncset.done $0x0  }
0x7e: {  	[sflag:s18] =	ssyncadd.s32 $0xFFFFC000  }
0x7f: {  	_ =	swait.ge [sflag:s19], $0x1000  }
0x80: {  	s9 =	rddreg [dreg:$0x5];
	[sflag:s19] =	ssyncset.done $0x0  }
0x81: {  	[sflag:s19] =	ssyncadd.s32 $0xFFFFF000;
	s1 =	sadd.s32 $0x0, s9  }
0x82: {  	[tilespmem:s24], [sflag:$0x11] =	stream.linear.gather [hbm4b:s1+s3], $0x100, $0x38;
	[tilespmem:$0x14400] =	vst v63  }
0x83: {  	_ =	swait.ge [sflag:s23], $0x100  }
0x84: {  	[sflag:s23] =	ssyncset.done $0x0  }
0x85: {  	[sflag:s23] =	ssyncadd.s32 $0xFFFFFF00  }
0x86: {  	[tilespmem:s10], [sflag:$0x2] =	stream.indirect.gather [hbm4b:s2+s24], $0x40, s24, s24, $0xb8;
	[tilespmem:$0x14400] =	vst v63  }
0x87: {  	_ = 	snop  }
0x88: {  	[tilespmem:s11], [sflag:$0x6] =	stream.indirect.gather [hbm4b:s4+s24], $0x10, s24, s24, $0xb8;
	[tilespmem:$0x14400] =	vst v63  }
0x89: {  	_ =	swait.ge [sflag:s20], $0x4000  }
0x8a: {  	[sflag:s20] =	ssyncset.done $0x0  }
0x8b: {  	[sflag:s20] =	ssyncadd.s32 $0xFFFFC000  }
0x8c: {  	_ =	swait.ge [sflag:s21], $0x1000  }
0x8d: {  	s11 =	rddreg [dreg:$0x4];
	[sflag:s21] =	ssyncset.done $0x0  }
0x8e: {  	[sflag:s21] =	ssyncadd.s32 $0xFFFFF000;
	s1 =	sadd.s32 $0x0, s11  }
0x8f: {  	[tilespmem:s12], [sflag:$0x11] =	stream.linear.gather [hbm4b:s1+s3], $0x100, $0x38;
	[tilespmem:$0x14400] =	vst v63  }
0x90: {  	_ =	swait.ge [sflag:s23], $0x100  }
0x91: {  	[sflag:s23] =	ssyncset.done $0x0  }
0x92: {  	[sflag:s23] =	ssyncadd.s32 $0xFFFFFF00  }
0x93: {  	[tilespmem:s13], [sflag:$0x3] =	stream.indirect.gather [hbm4b:s2+s24], $0x40, s12, s24, $0xb8;
	[tilespmem:$0x14400] =	vst v63  }
0x94: {  	_ = 	snop  }
0x95: {  	[tilespmem:s14], [sflag:$0x7] =	stream.indirect.gather [hbm4b:s4+s24], $0x10, s12, s24, $0xb8;
	[tilespmem:$0x14400] =	vst v63  }
0x96: {  	_ =	swait.ge [sflag:s22], $0x4000  }
0x97: {  	[sflag:s22] =	ssyncset.done $0x0  }
0x98: {  	[sflag:s22] =	ssyncadd.s32 $0xFFFFC000  }
0x99: {  	_ =	swait.ge [sflag:s5], $0x1000  }
0x9a: {  	s25 =	rddreg [dreg:$0x3];
	[sflag:s5] =	ssyncset.done $0x0  }
0x9b: {  	s28 =	sadd.s32 $0x2000, s28;
	[sflag:s5] =	ssyncadd.s32 $0xFFFFF000;
	s1 =	sadd.s32 $0x0, s25  }
0x9c: {  	[tilespmem:s15], [sflag:$0x11] =	stream.linear.gather [hbm4b:s1+s3], $0x100, $0x38;
	[tilespmem:$0x14400] =	vst v63  }
0x9d: {  	s29 =	sadd.s32 $0x800, s7;
	s31 =	sadd.s32 $0x2000, s8;
	_ =	swait.ge [sflag:s23], $0x100  }
0x9e: {  	s26 =	sadd.s32 $0x2000, s26;
	s12 =	simm.s32 $0x200;
	[sflag:s23] =	ssyncset.done $0x0  }
0x9f: {  	s25 =	simm.s32 $0x80;
	s1 =	sadd.s32 $0x2000, s30;
	[sflag:s23] =	ssyncadd.s32 $0xFFFFFF00  }
0xa0: {  	[tilespmem:s16], [sflag:$0x4] =	stream.indirect.gather [hbm4b:s2+s24], $0x40, s15, s24, $0xb8;
	[tilespmem:$0x14400] =	vst v63  }
.LBB2_2:
0xa1: {  	s15 =	simm.s32 $0x300;
	s30 =	simm.s32 $0x13400;
	s0 =	simm.s32 $0x1  }
0xa2: {  	[tilespmem:s30], [sflag:$0x8] =	stream.indirect.gather [hbm4b:s4+s24], $0x10, s15, s24, $0xb8;
	[tilespmem:$0x14400] =	vst v63  }
0xa3: {  	_ =	swait.ge [sflag:s0], $0x4000  }
0xa4: {  	[sflag:s0] =	ssyncset.done $0x0  }
0xa5: {  	s9 =	simm.s32 $0x5;
	[sflag:s0] =	ssyncadd.s32 $0xFFFFC000  }
0xa6: {  	_ =	swait.ge [sflag:s9], $0x1000  }
0xa7: {  	[sflag:s9] =	ssyncset.done $0x0  }
0xa8: {  	s0 =	simm.s32 $0x400;
	s8 =	rddreg [dreg:$0xa];
	[sflag:s9] =	ssyncadd.s32 $0xFFFFF000  }
0xa9: {  	[hbm4b:s28+s3] =	stream.linear.scatter [tilespmem:s0], [sflag:$0x9], $0x4000, $0x38;
	[tilespmem:$0x14400] =	vst v63  }
0xaa: {  	s10 =	simm.s32 $0x2;
	s8 =	sadd.s32 s29, s8;
	s9 =	simm.s32 $0x10400  }
0xab: {  	[hbm4b:s8+s3] =	stream.linear.scatter [tilespmem:s9], [sflag:$0xD], $0x1000, $0x38;
	[tilespmem:$0x14400] =	vst v63  }
0xac: {  	_ =	swait.ge [sflag:s10], $0x4000  }
0xad: {  	[sflag:s10] =	ssyncset.done $0x0  }
0xae: {  	[sflag:s10] =	ssyncadd.s32 $0xFFFFC000;
	s10 =	simm.s32 $0x6  }
0xaf: {  	_ =	swait.ge [sflag:s10], $0x1000  }
0xb0: {  	[sflag:s10] =	ssyncset.done $0x0  }
0xb1: {  	s11 =	rddreg [dreg:$0x8];
	[sflag:s10] =	ssyncadd.s32 $0xFFFFF000;
	s10 =	simm.s32 $0x4400  }
0xb2: {  	[hbm4b:s1+s3] =	stream.linear.scatter [tilespmem:s10], [sflag:$0xA], $0x4000, $0x38;
	[tilespmem:$0x14400] =	vst v63  }
0xb3: {  	s13 =	simm.s32 $0x3;
	s8 =	sadd.s32 s29, s11;
	s11 =	simm.s32 $0x11400  }
0xb4: {  	[hbm4b:s8+s3] =	stream.linear.scatter [tilespmem:s11], [sflag:$0xE], $0x1000, $0x38;
	[tilespmem:$0x14400] =	vst v63  }
0xb5: {  	_ =	swait.ge [sflag:s13], $0x4000  }
0xb6: {  	[sflag:s13] =	ssyncset.done $0x0  }
0xb7: {  	[sflag:s13] =	ssyncadd.s32 $0xFFFFC000;
	s13 =	simm.s32 $0x7  }
0xb8: {  	_ =	swait.ge [sflag:s13], $0x1000  }
0xb9: {  	[sflag:s13] =	ssyncset.done $0x0  }
0xba: {  	s14 =	rddreg [dreg:$0x7];
	[sflag:s13] =	ssyncadd.s32 $0xFFFFF000;
	s13 =	simm.s32 $0x8400  }
0xbb: {  	[hbm4b:s31+s3] =	stream.linear.scatter [tilespmem:s13], [sflag:$0xB], $0x4000, $0x38;
	[tilespmem:$0x14400] =	vst v63  }
0xbc: {  	s16 =	simm.s32 $0x4;
	s8 =	sadd.s32 s29, s14;
	s14 =	simm.s32 $0x12400  }
0xbd: {  	[hbm4b:s8+s3] =	stream.linear.scatter [tilespmem:s14], [sflag:$0xF], $0x1000, $0x38;
	[tilespmem:$0x14400] =	vst v63  }
0xbe: {  	_ =	swait.ge [sflag:s16], $0x4000  }
0xbf: {  	[sflag:s16] =	ssyncset.done $0x0  }
0xc0: {  	[sflag:s16] =	ssyncadd.s32 $0xFFFFC000;
	s16 =	simm.s32 $0x8  }
0xc1: {  	_ =	swait.ge [sflag:s16], $0x1000  }
0xc2: {  	[sflag:s16] =	ssyncset.done $0x0  }
0xc3: {  	s8 =	rddreg [dreg:$0x9];
	[sflag:s16] =	ssyncadd.s32 $0xFFFFF000;
	s16 =	simm.s32 $0xC400  }
0xc4: {  	[hbm4b:s26+s3] =	stream.linear.scatter [tilespmem:s16], [sflag:$0xC], $0x4000, $0x38;
	[tilespmem:$0x14400] =	vst v63  }
0xc5: {  	s8 =	sadd.s32 s29, s8  }
0xc6: {  	[hbm4b:s8+s3] =	stream.linear.scatter [tilespmem:s30], [sflag:$0x10], $0x1000, $0x38;
	[tilespmem:$0x14400] =	vst v63  }
0xc7: {  	_ =	swait.ge [sflag:s6], $0x4000  }
0xc8: {  	[sflag:s6] =	ssyncset.done $0x0  }
0xc9: {  	[sflag:s6] =	ssyncadd.s32 $0xFFFFC000  }
0xca: {  	_ =	swait.ge [sflag:s17], $0x1000  }
0xcb: {  	s7 =	smov.u32 s25;
	s8 =	rddreg [dreg:$0x6];
	[sflag:s17] =	ssyncset.done $0x0  }
0xcc: {  	[sflag:s17] =	ssyncadd.s32 $0xFFFFF000;
	s8 =	sadd.s32 s7, s8  }
0xcd: {  	[tilespmem:s3], [sflag:$0x11] =	stream.linear.gather [hbm4b:s8+s3], $0x100, $0x38;
	[tilespmem:$0x14400] =	vst v63  }
0xce: {  	_ =	swait.ge [sflag:s23], $0x100  }
0xcf: {  	[sflag:s23] =	ssyncset.done $0x0  }
0xd0: {  	[sflag:s23] =	ssyncadd.s32 $0xFFFFFF00  }
0xd1: {  	[tilespmem:s0], [sflag:$0x1] =	stream.indirect.gather [hbm4b:s2+s24], $0x40, s3, s24, $0xb8;
	[tilespmem:$0x14400] =	vst v63  }
0xd2: {  	_ = 	snop  }
0xd3: {  	[tilespmem:s9], [sflag:$0x5] =	stream.indirect.gather [hbm4b:s4+s24], $0x10, s3, s24, $0xb8;
	[tilespmem:$0x14400] =	vst v63  }
0xd4: {  	_ =	swait.ge [sflag:s18], $0x4000  }
0xd5: {  	[sflag:s18] =	ssyncset.done $0x0  }
0xd6: {  	[sflag:s18] =	ssyncadd.s32 $0xFFFFC000  }
0xd7: {  	_ =	swait.ge [sflag:s19], $0x1000  }
0xd8: {  	s9 =	rddreg [dreg:$0x5];
	[sflag:s19] =	ssyncset.done $0x0  }
0xd9: {  	[sflag:s19] =	ssyncadd.s32 $0xFFFFF000;
	s8 =	sadd.s32 s7, s9  }
0xda: {  	[tilespmem:s24], [sflag:$0x11] =	stream.linear.gather [hbm4b:s8+s3], $0x100, $0x38;
	[tilespmem:$0x14400] =	vst v63  }
0xdb: {  	_ =	swait.ge [sflag:s23], $0x100  }
0xdc: {  	[sflag:s23] =	ssyncset.done $0x0  }
0xdd: {  	[sflag:s23] =	ssyncadd.s32 $0xFFFFFF00  }
0xde: {  	[tilespmem:s10], [sflag:$0x2] =	stream.indirect.gather [hbm4b:s2+s24], $0x40, s24, s24, $0xb8;
	[tilespmem:$0x14400] =	vst v63  }
0xdf: {  	_ = 	snop  }
0xe0: {  	[tilespmem:s11], [sflag:$0x6] =	stream.indirect.gather [hbm4b:s4+s24], $0x10, s24, s24, $0xb8;
	[tilespmem:$0x14400] =	vst v63  }
0xe1: {  	_ =	swait.ge [sflag:s20], $0x4000  }
0xe2: {  	[sflag:s20] =	ssyncset.done $0x0  }
0xe3: {  	[sflag:s20] =	ssyncadd.s32 $0xFFFFC000  }
0xe4: {  	_ =	swait.ge [sflag:s21], $0x1000  }
0xe5: {  	s11 =	rddreg [dreg:$0x4];
	[sflag:s21] =	ssyncset.done $0x0  }
0xe6: {  	[sflag:s21] =	ssyncadd.s32 $0xFFFFF000;
	s8 =	sadd.s32 s7, s11  }
0xe7: {  	[tilespmem:s12], [sflag:$0x11] =	stream.linear.gather [hbm4b:s8+s3], $0x100, $0x38;
	[tilespmem:$0x14400] =	vst v63  }
0xe8: {  	_ =	swait.ge [sflag:s23], $0x100  }
0xe9: {  	[sflag:s23] =	ssyncset.done $0x0  }
0xea: {  	[sflag:s23] =	ssyncadd.s32 $0xFFFFFF00  }
0xeb: {  	[tilespmem:s13], [sflag:$0x3] =	stream.indirect.gather [hbm4b:s2+s24], $0x40, s12, s24, $0xb8;
	[tilespmem:$0x14400] =	vst v63  }
0xec: {  	_ = 	snop  }
0xed: {  	[tilespmem:s14], [sflag:$0x7] =	stream.indirect.gather [hbm4b:s4+s24], $0x10, s12, s24, $0xb8;
	[tilespmem:$0x14400] =	vst v63  }
0xee: {  	_ =	swait.ge [sflag:s22], $0x4000  }
0xef: {  	p0 =	sne.s32 s25, $0x400;
	[sflag:s22] =	ssyncset.done $0x0  }
0xf0: {  	s25 =	sadd.s32 $0x80, s25;
	s28 =	sadd.s32 $0x2000, s28;
	[sflag:s22] =	ssyncadd.s32 $0xFFFFC000  }
0xf1: {  	s1 =	sadd.s32 $0x2000, s1;
	s31 =	sadd.s32 $0x2000, s31;
	_ =	swait.ge [sflag:s5], $0x1000  }
0xf2: {  	s29 =	sadd.s32 $0x800, s29;
	s14 =	rddreg [dreg:$0x3];
	[sflag:s5] =	ssyncset.done $0x0  }
0xf3: {  	s26 =	sadd.s32 $0x2000, s26;
	[sflag:s5] =	ssyncadd.s32 $0xFFFFF000;
	s7 =	sadd.s32 s7, s14  }
0xf4: {  	[tilespmem:s15], [sflag:$0x11] =	stream.linear.gather [hbm4b:s7+s3], $0x100, $0x38;
	[tilespmem:$0x14400] =	vst v63  }
.Ltmp0:
0xf5: {  	s30 =	simm.s32 $0x400;
	s0 =	simm.s32 $0x10400;
	(pc) =	sbr.rel @p0 .LBB2_2-.Ltmp0, $4  }
0xf6: {  	s9 =	simm.s32 $0x4400;
	s10 =	simm.s32 $0x11400;
	_ =	swait.ge [sflag:s23], $0x100  }
0xf7: {  	s11 =	simm.s32 $0x8400;
	s8 =	simm.s32 $0xC400;
	[sflag:s23] =	ssyncset.done $0x0  }
0xf8: {  	s13 =	simm.s32 $0x12400;
	s7 =	simm.s32 $0x300;
	[sflag:s23] =	ssyncadd.s32 $0xFFFFFF00  }
0xf9: {  	[tilespmem:s16], [sflag:$0x4] =	stream.indirect.gather [hbm4b:s2+s24], $0x40, s15, s24, $0xb8;
	[tilespmem:$0x14400] =	vst v63  }
0xfa: {  	s12 =	simm.s32 $0x13400;
	s1 =	simm.s32 $0x1  }
0xfb: {  	[tilespmem:s12], [sflag:$0x8] =	stream.indirect.gather [hbm4b:s4+s24], $0x10, s7, s24, $0xb8;
	[tilespmem:$0x14400] =	vst v63  }
0xfc: {  	_ =	swait.ge [sflag:s1], $0x4000  }
0xfd: {  	[sflag:s1] =	ssyncset.done $0x0  }
0xfe: {  	s28 =	simm.s32 $0x5;
	[sflag:s1] =	ssyncadd.s32 $0xFFFFC000  }
0xff: {  	_ =	swait.ge [sflag:s28], $0x1000  }
0x100: {  	[sflag:s28] =	ssyncset.done $0x0  }
0x101: {  	s29 =	rddreg [dreg:$0x10];
	[sflag:s28] =	ssyncadd.s32 $0xFFFFF000  }
0x102: {  	[hbm4b:s29+s3] =	stream.linear.scatter [tilespmem:s30], [sflag:$0x11], $0x4000, $0x38;
	[tilespmem:$0x14400] =	vst v63  }
0x103: {  	_ =	swait.ge [sflag:s23], $0x4000  }
0x104: {  	[sflag:s23] =	ssyncset.done $0x0  }
0x105: {  	s30 =	rddreg [dreg:$0x11];
	[sflag:s23] =	ssyncadd.s32 $0xFFFFC000  }
0x106: {  	[hbm4b:s30+s3] =	stream.linear.scatter [tilespmem:s0], [sflag:$0x11], $0x1000, $0x38;
	[tilespmem:$0x14400] =	vst v63  }
0x107: {  	_ =	swait.ge [sflag:s23], $0x1000  }
0x108: {  	[sflag:s23] =	ssyncset.done $0x0  }
0x109: {  	s31 =	simm.s32 $0x2;
	[sflag:s23] =	ssyncadd.s32 $0xFFFFF000  }
0x10a: {  	_ =	swait.ge [sflag:s31], $0x4000  }
0x10b: {  	[sflag:s31] =	ssyncset.done $0x0  }
0x10c: {  	s1 =	simm.s32 $0x6;
	[sflag:s31] =	ssyncadd.s32 $0xFFFFC000  }
0x10d: {  	_ =	swait.ge [sflag:s1], $0x1000  }
0x10e: {  	[sflag:s1] =	ssyncset.done $0x0  }
0x10f: {  	s7 =	rddreg [dreg:$0x12];
	[sflag:s1] =	ssyncadd.s32 $0xFFFFF000  }
0x110: {  	[hbm4b:s7+s3] =	stream.linear.scatter [tilespmem:s9], [sflag:$0x11], $0x4000, $0x38;
	[tilespmem:$0x14400] =	vst v63  }
0x111: {  	_ =	swait.ge [sflag:s23], $0x4000  }
0x112: {  	[sflag:s23] =	ssyncset.done $0x0  }
0x113: {  	s9 =	rddreg [dreg:$0x13];
	[sflag:s23] =	ssyncadd.s32 $0xFFFFC000  }
0x114: {  	[hbm4b:s9+s3] =	stream.linear.scatter [tilespmem:s10], [sflag:$0x11], $0x1000, $0x38;
	[tilespmem:$0x14400] =	vst v63  }
0x115: {  	_ =	swait.ge [sflag:s23], $0x1000  }
0x116: {  	[sflag:s23] =	ssyncset.done $0x0  }
0x117: {  	s10 =	simm.s32 $0x3;
	[sflag:s23] =	ssyncadd.s32 $0xFFFFF000  }
0x118: {  	_ =	swait.ge [sflag:s10], $0x4000  }
0x119: {  	[sflag:s10] =	ssyncset.done $0x0  }
0x11a: {  	s14 =	simm.s32 $0x7;
	[sflag:s10] =	ssyncadd.s32 $0xFFFFC000  }
0x11b: {  	_ =	swait.ge [sflag:s14], $0x1000  }
0x11c: {  	[sflag:s14] =	ssyncset.done $0x0  }
0x11d: {  	s15 =	rddreg [dreg:$0x14];
	[sflag:s14] =	ssyncadd.s32 $0xFFFFF000  }
0x11e: {  	[hbm4b:s15+s3] =	stream.linear.scatter [tilespmem:s11], [sflag:$0x11], $0x4000, $0x38;
	[tilespmem:$0x14400] =	vst v63  }
0x11f: {  	_ =	swait.ge [sflag:s23], $0x4000  }
0x120: {  	[sflag:s23] =	ssyncset.done $0x0  }
0x121: {  	s16 =	rddreg [dreg:$0x15];
	[sflag:s23] =	ssyncadd.s32 $0xFFFFC000  }
0x122: {  	[hbm4b:s16+s3] =	stream.linear.scatter [tilespmem:s13], [sflag:$0x11], $0x1000, $0x38;
	[tilespmem:$0x14400] =	vst v63  }
0x123: {  	_ =	swait.ge [sflag:s23], $0x1000  }
0x124: {  	[sflag:s23] =	ssyncset.done $0x0  }
0x125: {  	s25 =	simm.s32 $0x4;
	[sflag:s23] =	ssyncadd.s32 $0xFFFFF000  }
0x126: {  	_ =	swait.ge [sflag:s25], $0x4000  }
0x127: {  	[sflag:s25] =	ssyncset.done $0x0  }
0x128: {  	s26 =	simm.s32 $0x8;
	[sflag:s25] =	ssyncadd.s32 $0xFFFFC000  }
0x129: {  	_ =	swait.ge [sflag:s26], $0x1000  }
0x12a: {  	[sflag:s26] =	ssyncset.done $0x0  }
0x12b: {  	s28 =	rddreg [dreg:$0x16];
	[sflag:s26] =	ssyncadd.s32 $0xFFFFF000  }
0x12c: {  	[hbm4b:s28+s3] =	stream.linear.scatter [tilespmem:s8], [sflag:$0x11], $0x4000, $0x38;
	[tilespmem:$0x14400] =	vst v63  }
0x12d: {  	_ =	swait.ge [sflag:s23], $0x4000  }
0x12e: {  	[sflag:s23] =	ssyncset.done $0x0  }
0x12f: {  	s29 =	rddreg [dreg:$0x17];
	[sflag:s23] =	ssyncadd.s32 $0xFFFFC000  }
0x130: {  	[hbm4b:s29+s3] =	stream.linear.scatter [tilespmem:s12], [sflag:$0x11], $0x1000, $0x38;
	[tilespmem:$0x14400] =	vst v63  }
0x131: {  	_ =	swait.ge [sflag:s23], $0x1000  }
0x132: {  	s30 =	rddreg [dreg:$0x1d]  }
0x133: {  	s31 =	rddreg [dreg:$0x18];
	s0 =	sadd.s32 $0x1, s30  }
0x134: {  	p0 =	sne.s32 s0, s31  }
.Ltmp1:
0x135: {  	_ = 	snop;
	(pc) =	sbr.rel @p0 .LBB2_1-.Ltmp1, $3  }
0x136: {  	_ =	sdelay $0x1  }
0x137: {  	[sflag:s23] =	ssyncset.done $0x0  }
0x138: {  	s12 =	simm.s32 $0x200;
	[sflag:s23] =	ssyncadd.s32 $0xFFFFF000  }
0x139: {  	_ =	sfence.sel $0x180000  }
0x13a: {  	[bflag:$0x0] =	sbarrier.arrive $0xFFFF  }
0x13b: {  	_ =	strace $0x90000047  }
0x13c: {  	s0 =	stileid.u32;
	[bflag:$0x2] =	sbarrier.arrive $0xFFFF  }
0x13d: {  	p0 =	sne.s32 s0, $0x0;
	s0 =	rddreg [dreg:$0x2]  }
0x13e: {  	s0 =	sadd.s32 @!p0 $0x100000, s0  }
0x13f: {  	[sflag:s0] =	ssyncadd.tile.s32 @!p0 $0x1;
	_ =	shalt  }
.Lfunc_end2:
_tile_overlayer_lowered:
.L_overlay_start_2:
0x140: {  	(tag) =	ssettag $0x2  }
0x141: {  	s0 =	rddreg [dreg:$0x0];
	s2 =	stileid.u32  }
0x142: {  	s1 =	rddreg [dreg:$0x1];
	p0 =	sne.s32 s2, $0x0  }
0x143: {  	s3 =	rddreg [dreg:$0x2];
	[bflag:$0x3] =	sbarrier.arrive $0xFFFF;
	s2 =	simm.s32 @!p0 $0x1C11  }
0x144: {  	[timem:s3], [sflag:s2] =	dma.local @!p0 [hbm:s0], s1  }
0x145: {  	s0 =	simm.s32 @!p0 $0x11  }
0x146: {  	_ =	swait.ge @!p0 [sflag:s0], s1  }
0x147: {  	s1 =	ssub.s32 @!p0 $0x0, s1;
	[sflag:s0] =	ssyncset.done @!p0 $0x0  }
0x148: {  	[sflag:s0] =	ssyncadd.s32 @!p0 s1  }
0x149: {  	[bflag:$0x3] =	sbarrier.arrive $0xFFFF  }
0x14a: {  	_ =	shalt  }

</sc_bundles>
